<compile_context>
chip_gen: v7x
topology: tpu7x:2x2x1
jax: 0.10.2.dev20260603
libtpu: 0.0.44.dev20260713+nightly
codegen_flags: <defaults>
</compile_context>

<pallas_src>
import jax
import jax.numpy as jnp
from jax import lax
from jax.experimental import pallas as pl
from jax.experimental.pallas import tpu as pltpu
from jax.experimental.pallas import tpu_sc as plsc

N_USERS = 25000
N_ITEMS = 25000
NN = N_USERS + N_ITEMS
D = 64
DH = 32
E = 800000
N_LAYERS = 3

NC, NS, L = 2, 16, 16
EPT = E // NS
CH = 400
NCHUNK = EPT // CH
NPAIR = NCHUNK // 2
NNP = 50176
NPT = NNP // NS
DCH = 64
NDCH = NPT // DCH


def _zero_rows(ref, nrows, ncols):
    z = jnp.zeros((L,), jnp.float32)

    def body(i, _):
        for j in range(ncols // L):
            ref[i, pl.ds(j * L, L)] = z
        return 0

    lax.fori_loop(0, nrows, body, 0)


def _fill_ones(ref, nrows, ncols):
    o = jnp.ones((L,), jnp.float32)

    def body(i, _):
        for j in range(ncols // L):
            ref[i, pl.ds(j * L, L)] = o
        return 0

    lax.fori_loop(0, nrows, body, 0)


def _sc_body(x0_hbm, edge_hbm, out_hbm,
             y_hbm, dinv_hbm, acc,
             rowbuf0, rowbuf1, colbuf0, colbuf1, rows0, rows1, bbuf,
             sema, semb, semc, semd, semg0, semg1, sems0, sems1):
    cid = lax.axis_index("c")
    tid = lax.axis_index("s")
    loc0 = tid * NPT
    gbase = cid * NNP + loc0

    _zero_rows(bbuf, DCH, DH)
    _fill_ones(rows0, CH, DH)

    def zfire(c, _):
        pltpu.async_copy(bbuf, acc.at[pl.ds(loc0 + c * DCH, DCH)], sema)
        return 0

    def zdrain(c, _):
        pltpu.make_async_copy(
            bbuf, acc.at[pl.ds(loc0 + c * DCH, DCH)], sema).wait()
        return 0

    with jax.named_scope("ph_zero"):
        lax.fori_loop(0, NDCH, zfire, 0)
        lax.fori_loop(0, NDCH, zdrain, 0)
        plsc.subcore_barrier()

    def hist_pair(p, _):
        off0 = tid * EPT + (2 * p) * CH
        rr0 = pltpu.async_copy(edge_hbm.at[0, pl.ds(off0, CH)], rowbuf0, sema)
        rr1 = pltpu.async_copy(
            edge_hbm.at[0, pl.ds(off0 + CH, CH)], rowbuf1, semb)
        rr0.wait()
        s0 = pltpu.async_copy(rows0, acc.at[rowbuf0], sems0, add=True)
        rr1.wait()
        s1 = pltpu.async_copy(rows0, acc.at[rowbuf1], sems1, add=True)
        s0.wait()
        s1.wait()
        return 0

    with jax.named_scope("ph_hist"):
        lax.fori_loop(0, NPAIR, hist_pair, 0)
        offt = tid * EPT + (NCHUNK - 1) * CH
        pltpu.sync_copy(edge_hbm.at[0, pl.ds(offt, CH)], rowbuf0)
        pltpu.sync_copy(rows0, acc.at[rowbuf0], add=True)
        plsc.subcore_barrier()

    magic = jnp.zeros((L,), jnp.int32) + 0x5F3759DF

    def init_chunk(c, _):
        g = gbase + c * DCH
        gl = loc0 + c * DCH
        ra = pltpu.async_copy(acc.at[pl.ds(gl, DCH)], rows1.at[pl.ds(0, DCH)],
                              sema)
        rb = pltpu.async_copy(
            x0_hbm.at[pl.ds(gl, DCH), pl.ds(cid * DH, DH)],
            rows0.at[pl.ds(0, DCH)], semb)
        ra.wait()
        rb.wait()

        def rowstep(i, _):
            for j in range(DH // L):
                x = rows1[i, pl.ds(j * L, L)]
                iv = plsc.bitcast(x, jnp.int32)
                y = plsc.bitcast(magic - (iv >> 1), jnp.float32)
                for _ in range(3):
                    y = y * (1.5 - 0.5 * x * y * y)
                dv = jnp.where(x > 0.5, y, 0.0)
                rows1[i, pl.ds(j * L, L)] = dv
                vx = rows0[i, pl.ds(j * L, L)]
                bbuf[i, pl.ds(j * L, L)] = 0.25 * vx
                rows0[i, pl.ds(j * L, L)] = dv * vx
            return 0

        lax.fori_loop(0, DCH, rowstep, 0)
        wa = pltpu.async_copy(rows1.at[pl.ds(0, DCH)],
                              dinv_hbm.at[pl.ds(g, DCH)], sema)
        wb = pltpu.async_copy(
            bbuf, out_hbm.at[pl.ds(gl, DCH), pl.ds(cid * DH, DH)], semb)
        wc = pltpu.async_copy(rows0.at[pl.ds(0, DCH)],
                              y_hbm.at[pl.ds(g, DCH)], semc)
        wa.wait()
        wb.wait()
        wc.wait()
        _zero_rows(bbuf, DCH, DH)
        pltpu.sync_copy(bbuf, acc.at[pl.ds(gl, DCH)])
        return 0

    with jax.named_scope("ph_init"):
        lax.fori_loop(0, NDCH, init_chunk, 0)
        plsc.subcore_barrier()

    for layer in range(N_LAYERS):
        def edge_pair(p, _):
            off0 = tid * EPT + (2 * p) * CH
            rc0 = pltpu.async_copy(
                edge_hbm.at[1, pl.ds(off0, CH)], colbuf0, semc)
            rc1 = pltpu.async_copy(
                edge_hbm.at[1, pl.ds(off0 + CH, CH)], colbuf1, semd)
            rr0 = pltpu.async_copy(
                edge_hbm.at[0, pl.ds(off0, CH)], rowbuf0, sema)
            rr1 = pltpu.async_copy(
                edge_hbm.at[0, pl.ds(off0 + CH, CH)], rowbuf1, semb)
            rc0.wait()
            g0 = pltpu.async_copy(
                y_hbm.at[pl.ds(cid * NNP, NNP)].at[colbuf0], rows0, semg0)
            rc1.wait()
            g1 = pltpu.async_copy(
                y_hbm.at[pl.ds(cid * NNP, NNP)].at[colbuf1], rows1, semg1)
            g0.wait()
            rr0.wait()
            s0 = pltpu.async_copy(rows0, acc.at[rowbuf0], sems0, add=True)
            g1.wait()
            rr1.wait()
            s1 = pltpu.async_copy(rows1, acc.at[rowbuf1], sems1, add=True)
            s0.wait()
            s1.wait()
            return 0

        ns_e = jax.named_scope(f"ph_edge{layer}")
        ns_e.__enter__()
        lax.fori_loop(0, NPAIR, edge_pair, 0)
        offt2 = tid * EPT + (NCHUNK - 1) * CH
        pltpu.sync_copy(edge_hbm.at[1, pl.ds(offt2, CH)], colbuf0)
        pltpu.async_copy(
            y_hbm.at[pl.ds(cid * NNP, NNP)].at[colbuf0], rows0, semg0).wait()
        pltpu.sync_copy(edge_hbm.at[0, pl.ds(offt2, CH)], rowbuf0)
        pltpu.sync_copy(rows0, acc.at[rowbuf0], add=True)
        plsc.subcore_barrier()
        ns_e.__exit__(None, None, None)

        last = layer == N_LAYERS - 1

        def dense_chunk(c, _):
            g = gbase + c * DCH
            gl = loc0 + c * DCH
            ra = pltpu.async_copy(acc.at[pl.ds(gl, DCH)],
                                  rows0.at[pl.ds(0, DCH)], sema)
            rb = pltpu.async_copy(
                out_hbm.at[pl.ds(gl, DCH), pl.ds(cid * DH, DH)], bbuf, semb)
            rc = pltpu.async_copy(dinv_hbm.at[pl.ds(g, DCH)],
                                  rows1.at[pl.ds(0, DCH)], semc)
            ra.wait()
            rb.wait()
            rc.wait()

            def rowstep(i, _):
                for j in range(DH // L):
                    a = rows0[i, pl.ds(j * L, L)]
                    dv = rows1[i, pl.ds(j * L, L)]
                    xn = dv * a
                    bbuf[i, pl.ds(j * L, L)] = (
                        bbuf[i, pl.ds(j * L, L)] + 0.25 * xn)
                    if not last:
                        rows0[i, pl.ds(j * L, L)] = dv * xn
                return 0

            lax.fori_loop(0, DCH, rowstep, 0)
            wb = pltpu.async_copy(
                bbuf, out_hbm.at[pl.ds(gl, DCH), pl.ds(cid * DH, DH)], semb)
            if not last:
                wa = pltpu.async_copy(rows0.at[pl.ds(0, DCH)],
                                      y_hbm.at[pl.ds(g, DCH)], sema)
                wa.wait()
            wb.wait()
            if not last:
                _zero_rows(bbuf, DCH, DH)
                pltpu.sync_copy(bbuf, acc.at[pl.ds(gl, DCH)])
            return 0

        with jax.named_scope(f"ph_dense{layer}"):
            lax.fori_loop(0, NDCH, dense_chunk, 0)
            if not last:
                plsc.subcore_barrier()


@jax.jit
def _lightgcn_sc(x0_cat, edge_index):
    mesh = plsc.VectorSubcoreMesh(
        core_axis_name="c", subcore_axis_name="s",
        num_cores=NC, num_subcores=NS)
    return pl.kernel(
        _sc_body,
        out_type=jax.ShapeDtypeStruct((NNP, D), jnp.float32),
        mesh=mesh,
        compiler_params=pltpu.CompilerParams(
            needs_layout_passes=False, use_tc_tiling_on_sc=False),
        scratch_types=[
            pltpu.HBM((NC * NNP, DH), jnp.float32),
            pltpu.HBM((NC * NNP, DH), jnp.float32),
            pltpu.VMEM_SHARED((NNP, DH), jnp.float32),
            pltpu.VMEM((CH,), jnp.int32),
            pltpu.VMEM((CH,), jnp.int32),
            pltpu.VMEM((CH,), jnp.int32),
            pltpu.VMEM((CH,), jnp.int32),
            pltpu.VMEM((CH, DH), jnp.float32),
            pltpu.VMEM((CH, DH), jnp.float32),
            pltpu.VMEM((DCH, DH), jnp.float32),
            pltpu.SemaphoreType.DMA,
            pltpu.SemaphoreType.DMA,
            pltpu.SemaphoreType.DMA,
            pltpu.SemaphoreType.DMA,
            pltpu.SemaphoreType.DMA,
            pltpu.SemaphoreType.DMA,
            pltpu.SemaphoreType.DMA,
            pltpu.SemaphoreType.DMA,
        ],
    )(x0_cat, edge_index)


def kernel(user_emb, item_emb, edge_index):
    pad = jnp.zeros((NNP - NN, D), jnp.float32)
    x0_cat = jnp.concatenate([user_emb, item_emb, pad], axis=0)
    out = _lightgcn_sc(x0_cat, edge_index)
    return out[:N_USERS], out[N_USERS:NN]

# --- scband reference (transcript-rebuilt; emitter-appended) ---
"""Pipeline reference for scband-light-gcn-6880537608206 (READ-ONLY COPY).

The authoritative reference and input builder live on the scoring server;
editing this copy changes nothing except your own understanding.
"""

import jax, jax.numpy as jnp
import numpy as np

N_USERS = 25000
N_ITEMS = 25000
N_NODES = N_USERS + N_ITEMS
EMBED_DIM = 64
N_EDGES = 800000
N_LAYERS = 3


def setup_inputs(seed: int = 0) -> dict:
    key = jax.random.key(seed)
    k1, k2, k3 = jax.random.split(key, 3)
    edge_index = jax.random.randint(k1, (2, N_EDGES), 0, N_NODES, dtype=jnp.int32)
    user_emb = jax.random.normal(k2, (N_USERS, EMBED_DIM), dtype=jnp.float32) * 0.1
    item_emb = jax.random.normal(k3, (N_ITEMS, EMBED_DIM), dtype=jnp.float32) * 0.1
    return {"user_emb": user_emb, "item_emb": item_emb, "edge_index": edge_index}


def reference(user_emb, item_emb, edge_index):
    # Faithful LightGCN forward: symmetric-normalized adjacency spmm propagation.
    row = edge_index[0]
    col = edge_index[1]
    # deg[i] = sum over row i of adjacency values (all ones)
    deg = jnp.zeros((N_NODES,), dtype=jnp.float32).at[row].add(1.0)
    deg_inv_sqrt = jnp.where(deg > 0, 1.0 / jnp.sqrt(deg), 0.0)
    norm_vals = deg_inv_sqrt[row] * deg_inv_sqrt[col]

    all_embeddings = jnp.concatenate([user_emb, item_emb], axis=0)
    embeddings_list = [all_embeddings]
    x = all_embeddings
    for _ in range(N_LAYERS):
        # sparse.mm(graph, x): gather source rows, scale by norm, scatter-add to dst
        gathered = x[col] * norm_vals[:, None]
        x = jnp.zeros((N_NODES, EMBED_DIM), dtype=x.dtype).at[row].add(gathered)
        embeddings_list.append(x)

    final_embeddings = jnp.mean(jnp.stack(embeddings_list, axis=1), axis=1)
    user_embeddings = final_embeddings[:N_USERS]
    item_embeddings = final_embeddings[N_USERS:]
    return (user_embeddings, item_embeddings)

if __name__ == "__main__":
    import jax
    _d = setup_inputs()
    print(jax.jit(kernel)(*tuple(_d.values())))

</pallas_src>

<mosaic_0001>
#map = affine_map<(d0, d1) -> (0, 0)>
module attributes {stable_mosaic.version = 14 : i64} {
  func.func @_sc_body(%arg0: i32, %arg1: i32, %arg2: memref<50176x64xf32, #tpu.memory_space<hbm>>, %arg3: memref<2x800000xi32, #tpu.memory_space<hbm>>, %arg4: memref<50176x64xf32, #tpu.memory_space<hbm>>, %arg5: memref<100352x32xf32, #tpu.memory_space<hbm>>, %arg6: memref<100352x32xf32, #tpu.memory_space<hbm>>, %arg7: memref<50176x32xf32, #tpu.memory_space<vmem_shared>>, %arg8: memref<400xi32, #tpu.memory_space<vmem>>, %arg9: memref<400xi32, #tpu.memory_space<vmem>>, %arg10: memref<400xi32, #tpu.memory_space<vmem>>, %arg11: memref<400xi32, #tpu.memory_space<vmem>>, %arg12: memref<400x32xf32, #tpu.memory_space<vmem>>, %arg13: memref<400x32xf32, #tpu.memory_space<vmem>>, %arg14: memref<64x32xf32, #tpu.memory_space<vmem>>, %arg15: memref<!tpu.dma_semaphore, #tpu.memory_space<semaphore_mem>>, %arg16: memref<!tpu.dma_semaphore, #tpu.memory_space<semaphore_mem>>, %arg17: memref<!tpu.dma_semaphore, #tpu.memory_space<semaphore_mem>>, %arg18: memref<!tpu.dma_semaphore, #tpu.memory_space<semaphore_mem>>, %arg19: memref<!tpu.dma_semaphore, #tpu.memory_space<semaphore_mem>>, %arg20: memref<!tpu.dma_semaphore, #tpu.memory_space<semaphore_mem>>, %arg21: memref<!tpu.dma_semaphore, #tpu.memory_space<semaphore_mem>>, %arg22: memref<!tpu.dma_semaphore, #tpu.memory_space<semaphore_mem>>) attributes {dimension_semantics = [#tpu.dimension_semantics<core_parallel>, #tpu.dimension_semantics<subcore_parallel>], iteration_bounds = array<i64: 2, 16>, scalar_prefetch = 0 : i64, scratch_operands = 18 : i64, tpu.core_type = #tpu.core_type<sc_vector_subcore>, window_params = [{transform_indices = #map}, {transform_indices = #map}, {transform_indices = #map}]} {
    %mul3A = arith.constant 3136 : i32
    %mul3A_0 = arith.muli %arg1, %mul3A : i32
    %mul3A_1 = arith.constant 50176 : i32
    %mul3A_2 = arith.muli %arg0, %mul3A_1 : i32
    %add3A = arith.addi %mul3A_2, %mul3A_0 : i32
    %broadcast_in_dim3A = arith.constant 0.000000e+00 : f32
    %broadcast_in_dim3A_3 = vector.broadcast %broadcast_in_dim3A : f32 to vector<16xf32>
    %scan3A = arith.constant 0 : i32
    %scan3A_4 = arith.constant 0 : i32
    %scan3A_5 = arith.constant 64 : i32
    %scan3A_6 = arith.addi %scan3A_4, %scan3A_5 : i32
    %scan3A_7 = arith.constant 1 : i32
    %scan3A_8 = scf.for %scan3A_157 = %scan3A_4 to %scan3A_6 step %scan3A_7 iter_args(%scan3A_158 = %scan3A) -> (i32)  : i32 {
      %swap3A = arith.index_cast %scan3A_157 : i32 to index
      %swap3A_159 = arith.constant 0 : index
      %swap3A_160 = tpu.vector_load %arg14[%swap3A, %swap3A_159] {strides = array<i32>} : memref<64x32xf32, #tpu.memory_space<vmem>>, vector<16xf32>,
      tpu.vector_store %arg14[%swap3A, %swap3A_159], %broadcast_in_dim3A_3 {strides = array<i32>} : memref<64x32xf32, #tpu.memory_space<vmem>>, vector<16xf32>,
      %swap3A_161 = arith.index_cast %scan3A_157 : i32 to index
      %swap3A_162 = arith.constant 16 : index
      %swap3A_163 = tpu.vector_load %arg14[%swap3A_161, %swap3A_162] {strides = array<i32>} : memref<64x32xf32, #tpu.memory_space<vmem>>, vector<16xf32>,
      tpu.vector_store %arg14[%swap3A_161, %swap3A_162], %broadcast_in_dim3A_3 {strides = array<i32>} : memref<64x32xf32, #tpu.memory_space<vmem>>, vector<16xf32>,
      %scan3A_164 = arith.constant 0 : i32
      scf.yield %scan3A_164 : i32
    }
    %scan3A_9 = arith.constant 64 : i32
    %broadcast_in_dim3A_10 = arith.constant 1.000000e+00 : f32
    %broadcast_in_dim3A_11 = vector.broadcast %broadcast_in_dim3A_10 : f32 to vector<16xf32>
    %scan3A_12 = arith.constant 0 : i32
    %scan3A_13 = arith.constant 0 : i32
    %scan3A_14 = arith.constant 400 : i32
    %scan3A_15 = arith.addi %scan3A_13, %scan3A_14 : i32
    %scan3A_16 = arith.constant 1 : i32
    %scan3A_17 = scf.for %scan3A_157 = %scan3A_13 to %scan3A_15 step %scan3A_16 iter_args(%scan3A_158 = %scan3A_12) -> (i32)  : i32 {
      %swap3A = arith.index_cast %scan3A_157 : i32 to index
      %swap3A_159 = arith.constant 0 : index
      %swap3A_160 = tpu.vector_load %arg12[%swap3A, %swap3A_159] {strides = array<i32>} : memref<400x32xf32, #tpu.memory_space<vmem>>, vector<16xf32>,
      tpu.vector_store %arg12[%swap3A, %swap3A_159], %broadcast_in_dim3A_11 {strides = array<i32>} : memref<400x32xf32, #tpu.memory_space<vmem>>, vector<16xf32>,
      %swap3A_161 = arith.index_cast %scan3A_157 : i32 to index
      %swap3A_162 = arith.constant 16 : index
      %swap3A_163 = tpu.vector_load %arg12[%swap3A_161, %swap3A_162] {strides = array<i32>} : memref<400x32xf32, #tpu.memory_space<vmem>>, vector<16xf32>,
      tpu.vector_store %arg12[%swap3A_161, %swap3A_162], %broadcast_in_dim3A_11 {strides = array<i32>} : memref<400x32xf32, #tpu.memory_space<vmem>>, vector<16xf32>,
      %scan3A_164 = arith.constant 0 : i32
      scf.yield %scan3A_164 : i32
    }
    %scan3A_18 = arith.constant 400 : i32
    "tpu.trace_start"() <{level = 10 : i32, message = "ph_zero"}> : () -> ()
    %scan3A_19 = arith.constant 0 : i32
    %scan3A_20 = arith.constant 0 : i32
    %scan3A_21 = arith.constant 49 : i32
    %scan3A_22 = arith.addi %scan3A_20, %scan3A_21 : i32
    %scan3A_23 = arith.constant 1 : i32
    %scan3A_24 = scf.for %scan3A_157 = %scan3A_20 to %scan3A_22 step %scan3A_23 iter_args(%scan3A_158 = %scan3A_19) -> (i32)  : i32 {
      %mul3A_159 = arith.constant 64 : i32
      %mul3A_160 = arith.muli %scan3A_157, %mul3A_159 : i32
      %add3A_161 = arith.addi %mul3A_0, %mul3A_160 : i32
      %dma_start3A_162 = arith.constant 0 : i32
      %dma_start3A_163 = tpu.memref_slice %arg7[%add3A_161, %dma_start3A_162] : memref<50176x32xf32, #tpu.memory_space<vmem_shared>> -> memref<64x32xf32, #tpu.memory_space<vmem_shared>>
      %dma_start3A_164 = arith.constant 0 : i32
      %dma_start3A_165 = tpu.memref_slice %arg7[%add3A_161, %dma_start3A_164] : memref<50176x32xf32, #tpu.memory_space<vmem_shared>> -> memref<64x32xf32, #tpu.memory_space<vmem_shared>>
      tpu.enqueue_dma source(%arg14 : memref<64x32xf32, #tpu.memory_space<vmem>>) target(%dma_start3A_165 : memref<64x32xf32, #tpu.memory_space<vmem_shared>>) target_semaphore(%arg15 : memref<!tpu.dma_semaphore, #tpu.memory_space<semaphore_mem>>)
      %scan3A_166 = arith.constant 0 : i32
      scf.yield %scan3A_166 : i32
    }
    %scan3A_25 = arith.constant 49 : i32
    %scan3A_26 = arith.constant 0 : i32
    %scan3A_27 = arith.constant 0 : i32
    %scan3A_28 = arith.constant 49 : i32
    %scan3A_29 = arith.addi %scan3A_27, %scan3A_28 : i32
    %scan3A_30 = arith.constant 1 : i32
    %scan3A_31 = scf.for %scan3A_157 = %scan3A_27 to %scan3A_29 step %scan3A_30 iter_args(%scan3A_158 = %scan3A_26) -> (i32)  : i32 {
      %mul3A_159 = arith.constant 64 : i32
      %mul3A_160 = arith.muli %scan3A_157, %mul3A_159 : i32
      %add3A_161 = arith.addi %mul3A_0, %mul3A_160 : i32
      %dma_wait3A_162 = arith.constant 0 : i32
      %dma_wait3A_163 = tpu.memref_slice %arg7[%add3A_161, %dma_wait3A_162] : memref<50176x32xf32, #tpu.memory_space<vmem_shared>> -> memref<64x32xf32, #tpu.memory_space<vmem_shared>>
      %dma_wait3A_164 = arith.constant 0 : i32
      %dma_wait3A_165 = tpu.memref_slice %arg7[%add3A_161, %dma_wait3A_164] : memref<50176x32xf32, #tpu.memory_space<vmem_shared>> -> memref<64x32xf32, #tpu.memory_space<vmem_shared>>
      tpu.wait_dma2 semaphore(%arg15 : memref<!tpu.dma_semaphore, #tpu.memory_space<semaphore_mem>>) src(%arg14 : memref<64x32xf32, #tpu.memory_space<vmem>>) dst(%dma_wait3A_165 : memref<64x32xf32, #tpu.memory_space<vmem_shared>>)
      %scan3A_166 = arith.constant 0 : i32
      scf.yield %scan3A_166 : i32
    }
    %scan3A_32 = arith.constant 49 : i32
    %barrier3A = arith.constant 0 : index
    tpu.barrier barrier_id(%barrier3A)
    "tpu.trace_stop"() : () -> ()
    "tpu.trace_start"() <{level = 10 : i32, message = "ph_hist"}> : () -> ()
    %scan3A_33 = arith.constant 0 : i32
    %scan3A_34 = arith.constant 0 : i32
    %scan3A_35 = arith.constant 62 : i32
    %scan3A_36 = arith.addi %scan3A_34, %scan3A_35 : i32
    %scan3A_37 = arith.constant 1 : i32
    %scan3A_38 = scf.for %scan3A_157 = %scan3A_34 to %scan3A_36 step %scan3A_37 iter_args(%scan3A_158 = %scan3A_33) -> (i32)  : i32 {
      %mul3A_159 = arith.constant 50000 : i32
      %mul3A_160 = arith.muli %arg1, %mul3A_159 : i32
      %mul3A_161 = arith.constant 2 : i32
      %mul3A_162 = arith.muli %mul3A_161, %scan3A_157 : i32
      %mul3A_163 = arith.constant 400 : i32
      %mul3A_164 = arith.muli %mul3A_162, %mul3A_163 : i32
      %add3A_165 = arith.addi %mul3A_160, %mul3A_164 : i32
      %dma_start3A_166 = arith.constant 0 : i32
      %dma_start3A_167 = tpu.memref_slice %arg3[%dma_start3A_166, %add3A_165] : memref<2x800000xi32, #tpu.memory_space<hbm>> -> memref<1x400xi32, #tpu.memory_space<hbm>>
      %dma_start3A_168 = tpu.memref_squeeze %dma_start3A_167 : memref<1x400xi32, #tpu.memory_space<hbm>> -> memref<400xi32, #tpu.memory_space<hbm>>
      %dma_start3A_169 = tpu.memref_slice %arg3[%dma_start3A_166, %add3A_165] : memref<2x800000xi32, #tpu.memory_space<hbm>> -> memref<1x400xi32, #tpu.memory_space<hbm>>
      %dma_start3A_170 = tpu.memref_squeeze %dma_start3A_169 : memref<1x400xi32, #tpu.memory_space<hbm>> -> memref<400xi32, #tpu.memory_space<hbm>>
      tpu.enqueue_dma source(%dma_start3A_170 : memref<400xi32, #tpu.memory_space<hbm>>) target(%arg8 : memref<400xi32, #tpu.memory_space<vmem>>) target_semaphore(%arg15 : memref<!tpu.dma_semaphore, #tpu.memory_space<semaphore_mem>>)
      %add3A_171 = arith.constant 400 : i32
      %add3A_172 = arith.addi %add3A_165, %add3A_171 : i32
      %dma_start3A_173 = arith.constant 0 : i32
      %dma_start3A_174 = tpu.memref_slice %arg3[%dma_start3A_173, %add3A_172] : memref<2x800000xi32, #tpu.memory_space<hbm>> -> memref<1x400xi32, #tpu.memory_space<hbm>>
      %dma_start3A_175 = tpu.memref_squeeze %dma_start3A_174 : memref<1x400xi32, #tpu.memory_space<hbm>> -> memref<400xi32, #tpu.memory_space<hbm>>
      %dma_start3A_176 = tpu.memref_slice %arg3[%dma_start3A_173, %add3A_172] : memref<2x800000xi32, #tpu.memory_space<hbm>> -> memref<1x400xi32, #tpu.memory_space<hbm>>
      %dma_start3A_177 = tpu.memref_squeeze %dma_start3A_176 : memref<1x400xi32, #tpu.memory_space<hbm>> -> memref<400xi32, #tpu.memory_space<hbm>>
      tpu.enqueue_dma source(%dma_start3A_177 : memref<400xi32, #tpu.memory_space<hbm>>) target(%arg9 : memref<400xi32, #tpu.memory_space<vmem>>) target_semaphore(%arg16 : memref<!tpu.dma_semaphore, #tpu.memory_space<semaphore_mem>>)
      %dma_wait3A_178 = arith.constant 0 : i32
      %dma_wait3A_179 = tpu.memref_slice %arg3[%dma_wait3A_178, %add3A_165] : memref<2x800000xi32, #tpu.memory_space<hbm>> -> memref<1x400xi32, #tpu.memory_space<hbm>>
      %dma_wait3A_180 = tpu.memref_squeeze %dma_wait3A_179 : memref<1x400xi32, #tpu.memory_space<hbm>> -> memref<400xi32, #tpu.memory_space<hbm>>
      %dma_wait3A_181 = tpu.memref_slice %arg3[%dma_wait3A_178, %add3A_165] : memref<2x800000xi32, #tpu.memory_space<hbm>> -> memref<1x400xi32, #tpu.memory_space<hbm>>
      %dma_wait3A_182 = tpu.memref_squeeze %dma_wait3A_181 : memref<1x400xi32, #tpu.memory_space<hbm>> -> memref<400xi32, #tpu.memory_space<hbm>>
      tpu.wait_dma2 semaphore(%arg15 : memref<!tpu.dma_semaphore, #tpu.memory_space<semaphore_mem>>) src(%dma_wait3A_182 : memref<400xi32, #tpu.memory_space<hbm>>) dst(%arg8 : memref<400xi32, #tpu.memory_space<vmem>>)
      %dma_start3A_183 = arith.constant 0 : i32
      %dma_start3A_184 = arith.constant 0 : i32
      %dma_start3A_185 = tpu.memref_slice %arg7[%dma_start3A_183, %dma_start3A_184] : memref<50176x32xf32, #tpu.memory_space<vmem_shared>> -> memref<50176x32xf32, #tpu.memory_space<vmem_shared>>
      tpu.enqueue_indirect_dma source(%arg12 : memref<400x32xf32, #tpu.memory_space<vmem>>) target(%dma_start3A_185 : memref<50176x32xf32, #tpu.memory_space<vmem_shared>>) offsets(%arg8 : memref<400xi32, #tpu.memory_space<vmem>>) semaphore(%arg21 : memref<!tpu.dma_semaphore, #tpu.memory_space<semaphore_mem>>) {add = true}
      %dma_wait3A_186 = arith.constant 0 : i32
      %dma_wait3A_187 = tpu.memref_slice %arg3[%dma_wait3A_186, %add3A_172] : memref<2x800000xi32, #tpu.memory_space<hbm>> -> memref<1x400xi32, #tpu.memory_space<hbm>>
      %dma_wait3A_188 = tpu.memref_squeeze %dma_wait3A_187 : memref<1x400xi32, #tpu.memory_space<hbm>> -> memref<400xi32, #tpu.memory_space<hbm>>
      %dma_wait3A_189 = tpu.memref_slice %arg3[%dma_wait3A_186, %add3A_172] : memref<2x800000xi32, #tpu.memory_space<hbm>> -> memref<1x400xi32, #tpu.memory_space<hbm>>
      %dma_wait3A_190 = tpu.memref_squeeze %dma_wait3A_189 : memref<1x400xi32, #tpu.memory_space<hbm>> -> memref<400xi32, #tpu.memory_space<hbm>>
      tpu.wait_dma2 semaphore(%arg16 : memref<!tpu.dma_semaphore, #tpu.memory_space<semaphore_mem>>) src(%dma_wait3A_190 : memref<400xi32, #tpu.memory_space<hbm>>) dst(%arg9 : memref<400xi32, #tpu.memory_space<vmem>>)
      %dma_start3A_191 = arith.constant 0 : i32
      %dma_start3A_192 = arith.constant 0 : i32
      %dma_start3A_193 = tpu.memref_slice %arg7[%dma_start3A_191, %dma_start3A_192] : memref<50176x32xf32, #tpu.memory_space<vmem_shared>> -> memref<50176x32xf32, #tpu.memory_space<vmem_shared>>
      tpu.enqueue_indirect_dma source(%arg12 : memref<400x32xf32, #tpu.memory_space<vmem>>) target(%dma_start3A_193 : memref<50176x32xf32, #tpu.memory_space<vmem_shared>>) offsets(%arg9 : memref<400xi32, #tpu.memory_space<vmem>>) semaphore(%arg22 : memref<!tpu.dma_semaphore, #tpu.memory_space<semaphore_mem>>) {add = true}
      %dma_wait3A_194 = arith.constant 0 : i32
      %dma_wait3A_195 = arith.constant 0 : i32
      %dma_wait3A_196 = tpu.memref_slice %arg7[%dma_wait3A_194, %dma_wait3A_195] : memref<50176x32xf32, #tpu.memory_space<vmem_shared>> -> memref<50176x32xf32, #tpu.memory_space<vmem_shared>>
      tpu.wait_indirect_dma semaphore(%arg21 : memref<!tpu.dma_semaphore, #tpu.memory_space<semaphore_mem>>) src(%arg12 : memref<400x32xf32, #tpu.memory_space<vmem>>) dst(%dma_wait3A_196 : memref<50176x32xf32, #tpu.memory_space<vmem_shared>>)
      %dma_wait3A_197 = arith.constant 0 : i32
      %dma_wait3A_198 = arith.constant 0 : i32
      %dma_wait3A_199 = tpu.memref_slice %arg7[%dma_wait3A_197, %dma_wait3A_198] : memref<50176x32xf32, #tpu.memory_space<vmem_shared>> -> memref<50176x32xf32, #tpu.memory_space<vmem_shared>>
      tpu.wait_indirect_dma semaphore(%arg22 : memref<!tpu.dma_semaphore, #tpu.memory_space<semaphore_mem>>) src(%arg12 : memref<400x32xf32, #tpu.memory_space<vmem>>) dst(%dma_wait3A_199 : memref<50176x32xf32, #tpu.memory_space<vmem_shared>>)
      %scan3A_200 = arith.constant 0 : i32
      scf.yield %scan3A_200 : i32
    }
    %scan3A_39 = arith.constant 62 : i32
    %mul3A_40 = arith.constant 50000 : i32
    %mul3A_41 = arith.muli %arg1, %mul3A_40 : i32
    %add3A_42 = arith.constant 49600 : i32
    %add3A_43 = arith.addi %mul3A_41, %add3A_42 : i32
    %run_scoped3A = arith.constant 0 : i32
    "tpu.region"() ({
      %run_scoped3A_157 = tpu.sem_alloc : memref<!tpu.dma_semaphore, #tpu.memory_space<semaphore_mem>>
      %dma_start3A_158 = tpu.memref_slice %arg3[%run_scoped3A, %add3A_43] : memref<2x800000xi32, #tpu.memory_space<hbm>> -> memref<1x400xi32, #tpu.memory_space<hbm>>
      %dma_start3A_159 = tpu.memref_squeeze %dma_start3A_158 : memref<1x400xi32, #tpu.memory_space<hbm>> -> memref<400xi32, #tpu.memory_space<hbm>>
      %dma_start3A_160 = tpu.memref_slice %arg3[%run_scoped3A, %add3A_43] : memref<2x800000xi32, #tpu.memory_space<hbm>> -> memref<1x400xi32, #tpu.memory_space<hbm>>
      %dma_start3A_161 = tpu.memref_squeeze %dma_start3A_160 : memref<1x400xi32, #tpu.memory_space<hbm>> -> memref<400xi32, #tpu.memory_space<hbm>>
      tpu.enqueue_dma source(%dma_start3A_161 : memref<400xi32, #tpu.memory_space<hbm>>) target(%arg8 : memref<400xi32, #tpu.memory_space<vmem>>) target_semaphore(%run_scoped3A_157 : memref<!tpu.dma_semaphore, #tpu.memory_space<semaphore_mem>>)
      %dma_wait3A_162 = tpu.memref_slice %arg3[%run_scoped3A, %add3A_43] : memref<2x800000xi32, #tpu.memory_space<hbm>> -> memref<1x400xi32, #tpu.memory_space<hbm>>
      %dma_wait3A_163 = tpu.memref_squeeze %dma_wait3A_162 : memref<1x400xi32, #tpu.memory_space<hbm>> -> memref<400xi32, #tpu.memory_space<hbm>>
      %dma_wait3A_164 = tpu.memref_slice %arg3[%run_scoped3A, %add3A_43] : memref<2x800000xi32, #tpu.memory_space<hbm>> -> memref<1x400xi32, #tpu.memory_space<hbm>>
      %dma_wait3A_165 = tpu.memref_squeeze %dma_wait3A_164 : memref<1x400xi32, #tpu.memory_space<hbm>> -> memref<400xi32, #tpu.memory_space<hbm>>
      tpu.wait_dma2 semaphore(%run_scoped3A_157 : memref<!tpu.dma_semaphore, #tpu.memory_space<semaphore_mem>>) src(%dma_wait3A_165 : memref<400xi32, #tpu.memory_space<hbm>>) dst(%arg8 : memref<400xi32, #tpu.memory_space<vmem>>)
      tpu.yield
    }) : () -> ()
    "tpu.region"() ({
      %run_scoped3A_157 = tpu.sem_alloc : memref<!tpu.dma_semaphore, #tpu.memory_space<semaphore_mem>>
      %dma_start3A_158 = arith.constant 0 : i32
      %dma_start3A_159 = arith.constant 0 : i32
      %dma_start3A_160 = tpu.memref_slice %arg7[%dma_start3A_158, %dma_start3A_159] : memref<50176x32xf32, #tpu.memory_space<vmem_shared>> -> memref<50176x32xf32, #tpu.memory_space<vmem_shared>>
      tpu.enqueue_indirect_dma source(%arg12 : memref<400x32xf32, #tpu.memory_space<vmem>>) target(%dma_start3A_160 : memref<50176x32xf32, #tpu.memory_space<vmem_shared>>) offsets(%arg8 : memref<400xi32, #tpu.memory_space<vmem>>) semaphore(%run_scoped3A_157 : memref<!tpu.dma_semaphore, #tpu.memory_space<semaphore_mem>>) {add = true}
      %dma_wait3A_161 = arith.constant 0 : i32
      %dma_wait3A_162 = arith.constant 0 : i32
      %dma_wait3A_163 = tpu.memref_slice %arg7[%dma_wait3A_161, %dma_wait3A_162] : memref<50176x32xf32, #tpu.memory_space<vmem_shared>> -> memref<50176x32xf32, #tpu.memory_space<vmem_shared>>
      tpu.wait_indirect_dma semaphore(%run_scoped3A_157 : memref<!tpu.dma_semaphore, #tpu.memory_space<semaphore_mem>>) src(%arg12 : memref<400x32xf32, #tpu.memory_space<vmem>>) dst(%dma_wait3A_163 : memref<50176x32xf32, #tpu.memory_space<vmem_shared>>)
      tpu.yield
    }) : () -> ()
    %barrier3A_44 = arith.constant 0 : index
    tpu.barrier barrier_id(%barrier3A_44)
    %broadcast_in_dim3A_45 = arith.constant 0 : i32
    "tpu.trace_stop"() : () -> ()
    %broadcast_in_dim3A_46 = vector.broadcast %broadcast_in_dim3A_45 : i32 to vector<16xi32>
    %add3A_47 = arith.constant 1597463007 : i32
    %add3A_48 = vector.broadcast %add3A_47 : i32 to vector<16xi32>
    %add3A_49 = arith.addi %broadcast_in_dim3A_46, %add3A_48 : vector<16xi32>
    "tpu.trace_start"() <{level = 10 : i32, message = "ph_init"}> : () -> ()
    %scan3A_50 = arith.constant 0 : i32
    %scan3A_51 = arith.constant 0 : i32
    %scan3A_52 = arith.constant 49 : i32
    %scan3A_53 = arith.addi %scan3A_51, %scan3A_52 : i32
    %scan3A_54 = arith.constant 1 : i32
    %scan3A_55 = scf.for %scan3A_157 = %scan3A_51 to %scan3A_53 step %scan3A_54 iter_args(%scan3A_158 = %scan3A_50) -> (i32)  : i32 {
      %mul3A_159 = arith.constant 64 : i32
      %mul3A_160 = arith.muli %scan3A_157, %mul3A_159 : i32
      %add3A_161 = arith.addi %add3A, %mul3A_160 : i32
      %mul3A_162 = arith.constant 64 : i32
      %mul3A_163 = arith.muli %scan3A_157, %mul3A_162 : i32
      %add3A_164 = arith.addi %mul3A_0, %mul3A_163 : i32
      %dma_start3A_165 = arith.constant 0 : i32
      %dma_start3A_166 = arith.constant 0 : i32
      %dma_start3A_167 = tpu.memref_slice %arg13[%dma_start3A_165, %dma_start3A_166] : memref<400x32xf32, #tpu.memory_space<vmem>> -> memref<64x32xf32, #tpu.memory_space<vmem>>
      %dma_start3A_168 = arith.constant 0 : i32
      %dma_start3A_169 = tpu.memref_slice %arg7[%add3A_164, %dma_start3A_168] : memref<50176x32xf32, #tpu.memory_space<vmem_shared>> -> memref<64x32xf32, #tpu.memory_space<vmem_shared>>
      %dma_start3A_170 = arith.constant 0 : i32
      %dma_start3A_171 = arith.constant 0 : i32
      %dma_start3A_172 = tpu.memref_slice %arg13[%dma_start3A_170, %dma_start3A_171] : memref<400x32xf32, #tpu.memory_space<vmem>> -> memref<64x32xf32, #tpu.memory_space<vmem>>
      %dma_start3A_173 = arith.constant 0 : i32
      %dma_start3A_174 = tpu.memref_slice %arg7[%add3A_164, %dma_start3A_173] : memref<50176x32xf32, #tpu.memory_space<vmem_shared>> -> memref<64x32xf32, #tpu.memory_space<vmem_shared>>
      tpu.enqueue_dma source(%dma_start3A_174 : memref<64x32xf32, #tpu.memory_space<vmem_shared>>) target(%dma_start3A_172 : memref<64x32xf32, #tpu.memory_space<vmem>>) target_semaphore(%arg15 : memref<!tpu.dma_semaphore, #tpu.memory_space<semaphore_mem>>)
      %mul3A_175 = arith.constant 32 : i32
      %mul3A_176 = arith.muli %arg0, %mul3A_175 : i32
      %dma_start3A_177 = arith.constant 0 : i32
      %dma_start3A_178 = arith.constant 0 : i32
      %dma_start3A_179 = tpu.memref_slice %arg12[%dma_start3A_177, %dma_start3A_178] : memref<400x32xf32, #tpu.memory_space<vmem>> -> memref<64x32xf32, #tpu.memory_space<vmem>>
      %dma_start3A_180 = tpu.memref_slice %arg2[%add3A_164, %mul3A_176] : memref<50176x64xf32, #tpu.memory_space<hbm>> -> memref<64x32xf32, #tpu.memory_space<hbm>>
      %dma_start3A_181 = arith.constant 0 : i32
      %dma_start3A_182 = arith.constant 0 : i32
      %dma_start3A_183 = tpu.memref_slice %arg12[%dma_start3A_181, %dma_start3A_182] : memref<400x32xf32, #tpu.memory_space<vmem>> -> memref<64x32xf32, #tpu.memory_space<vmem>>
      %dma_start3A_184 = tpu.memref_slice %arg2[%add3A_164, %mul3A_176] : memref<50176x64xf32, #tpu.memory_space<hbm>> -> memref<64x32xf32, #tpu.memory_space<hbm>>
      tpu.enqueue_dma source(%dma_start3A_184 : memref<64x32xf32, #tpu.memory_space<hbm>>) target(%dma_start3A_183 : memref<64x32xf32, #tpu.memory_space<vmem>>) target_semaphore(%arg16 : memref<!tpu.dma_semaphore, #tpu.memory_space<semaphore_mem>>)
      %dma_wait3A_185 = arith.constant 0 : i32
      %dma_wait3A_186 = arith.constant 0 : i32
      %dma_wait3A_187 = tpu.memref_slice %arg13[%dma_wait3A_185, %dma_wait3A_186] : memref<400x32xf32, #tpu.memory_space<vmem>> -> memref<64x32xf32, #tpu.memory_space<vmem>>
      %dma_wait3A_188 = arith.constant 0 : i32
      %dma_wait3A_189 = tpu.memref_slice %arg7[%add3A_164, %dma_wait3A_188] : memref<50176x32xf32, #tpu.memory_space<vmem_shared>> -> memref<64x32xf32, #tpu.memory_space<vmem_shared>>
      %dma_wait3A_190 = arith.constant 0 : i32
      %dma_wait3A_191 = arith.constant 0 : i32
      %dma_wait3A_192 = tpu.memref_slice %arg13[%dma_wait3A_190, %dma_wait3A_191] : memref<400x32xf32, #tpu.memory_space<vmem>> -> memref<64x32xf32, #tpu.memory_space<vmem>>
      %dma_wait3A_193 = arith.constant 0 : i32
      %dma_wait3A_194 = tpu.memref_slice %arg7[%add3A_164, %dma_wait3A_193] : memref<50176x32xf32, #tpu.memory_space<vmem_shared>> -> memref<64x32xf32, #tpu.memory_space<vmem_shared>>
      tpu.wait_dma2 semaphore(%arg15 : memref<!tpu.dma_semaphore, #tpu.memory_space<semaphore_mem>>) src(%dma_wait3A_194 : memref<64x32xf32, #tpu.memory_space<vmem_shared>>) dst(%dma_wait3A_192 : memref<64x32xf32, #tpu.memory_space<vmem>>)
      %dma_wait3A_195 = arith.constant 0 : i32
      %dma_wait3A_196 = arith.constant 0 : i32
      %dma_wait3A_197 = tpu.memref_slice %arg12[%dma_wait3A_195, %dma_wait3A_196] : memref<400x32xf32, #tpu.memory_space<vmem>> -> memref<64x32xf32, #tpu.memory_space<vmem>>
      %dma_wait3A_198 = tpu.memref_slice %arg2[%add3A_164, %mul3A_176] : memref<50176x64xf32, #tpu.memory_space<hbm>> -> memref<64x32xf32, #tpu.memory_space<hbm>>
      %dma_wait3A_199 = arith.constant 0 : i32
      %dma_wait3A_200 = arith.constant 0 : i32
      %dma_wait3A_201 = tpu.memref_slice %arg12[%dma_wait3A_199, %dma_wait3A_200] : memref<400x32xf32, #tpu.memory_space<vmem>> -> memref<64x32xf32, #tpu.memory_space<vmem>>
      %dma_wait3A_202 = tpu.memref_slice %arg2[%add3A_164, %mul3A_176] : memref<50176x64xf32, #tpu.memory_space<hbm>> -> memref<64x32xf32, #tpu.memory_space<hbm>>
      tpu.wait_dma2 semaphore(%arg16 : memref<!tpu.dma_semaphore, #tpu.memory_space<semaphore_mem>>) src(%dma_wait3A_202 : memref<64x32xf32, #tpu.memory_space<hbm>>) dst(%dma_wait3A_201 : memref<64x32xf32, #tpu.memory_space<vmem>>)
      %scan3A_203 = arith.constant 0 : i32
      %scan3A_204 = arith.constant 0 : i32
      %scan3A_205 = arith.constant 64 : i32
      %scan3A_206 = arith.addi %scan3A_204, %scan3A_205 : i32
      %scan3A_207 = arith.constant 1 : i32
      %scan3A_208 = scf.for %scan3A_266 = %scan3A_204 to %scan3A_206 step %scan3A_207 iter_args(%scan3A_267 = %scan3A_203) -> (i32)  : i32 {
        %get3A = arith.index_cast %scan3A_266 : i32 to index
        %get3A_268 = arith.constant 0 : index
        %get3A_269 = tpu.vector_load %arg13[%get3A, %get3A_268] {strides = array<i32>} : memref<400x32xf32, #tpu.memory_space<vmem>>, vector<16xf32>,
        %bitcast3A = vector.bitcast %get3A_269 : vector<16xf32> to vector<16xi32>
        %shift_right_arithmetic3A = arith.constant 1 : i32
        %shift_right_arithmetic3A_270 = vector.broadcast %shift_right_arithmetic3A : i32 to vector<16xi32>
        %shift_right_arithmetic3A_271 = arith.shrsi %bitcast3A, %shift_right_arithmetic3A_270 : vector<16xi32>
        %sub3A = arith.subi %add3A_49, %shift_right_arithmetic3A_271 : vector<16xi32>
        %bitcast3A_272 = vector.bitcast %sub3A : vector<16xi32> to vector<16xf32>
        %mul3A_273 = arith.constant 5.000000e-01 : f32
        %mul3A_274 = vector.broadcast %mul3A_273 : f32 to vector<16xf32>
        %mul3A_275 = arith.mulf %mul3A_274, %get3A_269 : vector<16xf32>
        %mul3A_276 = arith.mulf %mul3A_275, %bitcast3A_272 : vector<16xf32>
        %mul3A_277 = arith.mulf %mul3A_276, %bitcast3A_272 : vector<16xf32>
        %sub3A_278 = arith.constant 1.500000e+00 : f32
        %sub3A_279 = vector.broadcast %sub3A_278 : f32 to vector<16xf32>
        %sub3A_280 = arith.subf %sub3A_279, %mul3A_277 : vector<16xf32>
        %mul3A_281 = arith.mulf %bitcast3A_272, %sub3A_280 : vector<16xf32>
        %mul3A_282 = arith.constant 5.000000e-01 : f32
        %mul3A_283 = vector.broadcast %mul3A_282 : f32 to vector<16xf32>
        %mul3A_284 = arith.mulf %mul3A_283, %get3A_269 : vector<16xf32>
        %mul3A_285 = arith.mulf %mul3A_284, %mul3A_281 : vector<16xf32>
        %mul3A_286 = arith.mulf %mul3A_285, %mul3A_281 : vector<16xf32>
        %sub3A_287 = arith.constant 1.500000e+00 : f32
        %sub3A_288 = vector.broadcast %sub3A_287 : f32 to vector<16xf32>
        %sub3A_289 = arith.subf %sub3A_288, %mul3A_286 : vector<16xf32>
        %mul3A_290 = arith.mulf %mul3A_281, %sub3A_289 : vector<16xf32>
        %mul3A_291 = arith.constant 5.000000e-01 : f32
        %mul3A_292 = vector.broadcast %mul3A_291 : f32 to vector<16xf32>
        %mul3A_293 = arith.mulf %mul3A_292, %get3A_269 : vector<16xf32>
        %mul3A_294 = arith.mulf %mul3A_293, %mul3A_290 : vector<16xf32>
        %mul3A_295 = arith.mulf %mul3A_294, %mul3A_290 : vector<16xf32>
        %sub3A_296 = arith.constant 1.500000e+00 : f32
        %sub3A_297 = vector.broadcast %sub3A_296 : f32 to vector<16xf32>
        %sub3A_298 = arith.subf %sub3A_297, %mul3A_295 : vector<16xf32>
        %mul3A_299 = arith.mulf %mul3A_290, %sub3A_298 : vector<16xf32>
        %gt3A = arith.constant 5.000000e-01 : f32
        %gt3A_300 = vector.broadcast %gt3A : f32 to vector<16xf32>
        %gt3A_301 = arith.cmpf ogt, %get3A_269, %gt3A_300 : vector<16xf32>
        %jit3A = arith.constant 0.000000e+00 : f32
        %broadcast_in_dim3A_302 = vector.broadcast %jit3A : f32 to vector<16xf32>
        %select_n3A = arith.select %gt3A_301, %mul3A_299, %broadcast_in_dim3A_302 : vector<16xi1>, vector<16xf32>
        %swap3A = arith.index_cast %scan3A_266 : i32 to index
        %swap3A_303 = arith.constant 0 : index
        %swap3A_304 = tpu.vector_load %arg13[%swap3A, %swap3A_303] {strides = array<i32>} : memref<400x32xf32, #tpu.memory_space<vmem>>, vector<16xf32>,
        tpu.vector_store %arg13[%swap3A, %swap3A_303], %select_n3A {strides = array<i32>} : memref<400x32xf32, #tpu.memory_space<vmem>>, vector<16xf32>,
        %get3A_305 = arith.index_cast %scan3A_266 : i32 to index
        %get3A_306 = arith.constant 0 : index
        %get3A_307 = tpu.vector_load %arg12[%get3A_305, %get3A_306] {strides = array<i32>} : memref<400x32xf32, #tpu.memory_space<vmem>>, vector<16xf32>,
        %mul3A_308 = arith.constant 2.500000e-01 : f32
        %mul3A_309 = vector.broadcast %mul3A_308 : f32 to vector<16xf32>
        %mul3A_310 = arith.mulf %mul3A_309, %get3A_307 : vector<16xf32>
        %swap3A_311 = arith.index_cast %scan3A_266 : i32 to index
        %swap3A_312 = arith.constant 0 : index
        %swap3A_313 = tpu.vector_load %arg14[%swap3A_311, %swap3A_312] {strides = array<i32>} : memref<64x32xf32, #tpu.memory_space<vmem>>, vector<16xf32>,
        tpu.vector_store %arg14[%swap3A_311, %swap3A_312], %mul3A_310 {strides = array<i32>} : memref<64x32xf32, #tpu.memory_space<vmem>>, vector<16xf32>,
        %mul3A_314 = arith.mulf %select_n3A, %get3A_307 : vector<16xf32>
        %swap3A_315 = arith.index_cast %scan3A_266 : i32 to index
        %swap3A_316 = arith.constant 0 : index
        %swap3A_317 = tpu.vector_load %arg12[%swap3A_315, %swap3A_316] {strides = array<i32>} : memref<400x32xf32, #tpu.memory_space<vmem>>, vector<16xf32>,
        tpu.vector_store %arg12[%swap3A_315, %swap3A_316], %mul3A_314 {strides = array<i32>} : memref<400x32xf32, #tpu.memory_space<vmem>>, vector<16xf32>,
        %get3A_318 = arith.index_cast %scan3A_266 : i32 to index
        %get3A_319 = arith.constant 16 : index
        %get3A_320 = tpu.vector_load %arg13[%get3A_318, %get3A_319] {strides = array<i32>} : memref<400x32xf32, #tpu.memory_space<vmem>>, vector<16xf32>,
        %bitcast3A_321 = vector.bitcast %get3A_320 : vector<16xf32> to vector<16xi32>
        %shift_right_arithmetic3A_322 = arith.constant 1 : i32
        %shift_right_arithmetic3A_323 = vector.broadcast %shift_right_arithmetic3A_322 : i32 to vector<16xi32>
        %shift_right_arithmetic3A_324 = arith.shrsi %bitcast3A_321, %shift_right_arithmetic3A_323 : vector<16xi32>
        %sub3A_325 = arith.subi %add3A_49, %shift_right_arithmetic3A_324 : vector<16xi32>
        %bitcast3A_326 = vector.bitcast %sub3A_325 : vector<16xi32> to vector<16xf32>
        %mul3A_327 = arith.constant 5.000000e-01 : f32
        %mul3A_328 = vector.broadcast %mul3A_327 : f32 to vector<16xf32>
        %mul3A_329 = arith.mulf %mul3A_328, %get3A_320 : vector<16xf32>
        %mul3A_330 = arith.mulf %mul3A_329, %bitcast3A_326 : vector<16xf32>
        %mul3A_331 = arith.mulf %mul3A_330, %bitcast3A_326 : vector<16xf32>
        %sub3A_332 = arith.constant 1.500000e+00 : f32
        %sub3A_333 = vector.broadcast %sub3A_332 : f32 to vector<16xf32>
        %sub3A_334 = arith.subf %sub3A_333, %mul3A_331 : vector<16xf32>
        %mul3A_335 = arith.mulf %bitcast3A_326, %sub3A_334 : vector<16xf32>
        %mul3A_336 = arith.constant 5.000000e-01 : f32
        %mul3A_337 = vector.broadcast %mul3A_336 : f32 to vector<16xf32>
        %mul3A_338 = arith.mulf %mul3A_337, %get3A_320 : vector<16xf32>
        %mul3A_339 = arith.mulf %mul3A_338, %mul3A_335 : vector<16xf32>
        %mul3A_340 = arith.mulf %mul3A_339, %mul3A_335 : vector<16xf32>
        %sub3A_341 = arith.constant 1.500000e+00 : f32
        %sub3A_342 = vector.broadcast %sub3A_341 : f32 to vector<16xf32>
        %sub3A_343 = arith.subf %sub3A_342, %mul3A_340 : vector<16xf32>
        %mul3A_344 = arith.mulf %mul3A_335, %sub3A_343 : vector<16xf32>
        %mul3A_345 = arith.constant 5.000000e-01 : f32
        %mul3A_346 = vector.broadcast %mul3A_345 : f32 to vector<16xf32>
        %mul3A_347 = arith.mulf %mul3A_346, %get3A_320 : vector<16xf32>
        %mul3A_348 = arith.mulf %mul3A_347, %mul3A_344 : vector<16xf32>
        %mul3A_349 = arith.mulf %mul3A_348, %mul3A_344 : vector<16xf32>
        %sub3A_350 = arith.constant 1.500000e+00 : f32
        %sub3A_351 = vector.broadcast %sub3A_350 : f32 to vector<16xf32>
        %sub3A_352 = arith.subf %sub3A_351, %mul3A_349 : vector<16xf32>
        %mul3A_353 = arith.mulf %mul3A_344, %sub3A_352 : vector<16xf32>
        %gt3A_354 = arith.constant 5.000000e-01 : f32
        %gt3A_355 = vector.broadcast %gt3A_354 : f32 to vector<16xf32>
        %gt3A_356 = arith.cmpf ogt, %get3A_320, %gt3A_355 : vector<16xf32>
        %jit3A_357 = arith.constant 0.000000e+00 : f32
        %broadcast_in_dim3A_358 = vector.broadcast %jit3A_357 : f32 to vector<16xf32>
        %select_n3A_359 = arith.select %gt3A_356, %mul3A_353, %broadcast_in_dim3A_358 : vector<16xi1>, vector<16xf32>
        %swap3A_360 = arith.index_cast %scan3A_266 : i32 to index
        %swap3A_361 = arith.constant 16 : index
        %swap3A_362 = tpu.vector_load %arg13[%swap3A_360, %swap3A_361] {strides = array<i32>} : memref<400x32xf32, #tpu.memory_space<vmem>>, vector<16xf32>,
        tpu.vector_store %arg13[%swap3A_360, %swap3A_361], %select_n3A_359 {strides = array<i32>} : memref<400x32xf32, #tpu.memory_space<vmem>>, vector<16xf32>,
        %get3A_363 = arith.index_cast %scan3A_266 : i32 to index
        %get3A_364 = arith.constant 16 : index
        %get3A_365 = tpu.vector_load %arg12[%get3A_363, %get3A_364] {strides = array<i32>} : memref<400x32xf32, #tpu.memory_space<vmem>>, vector<16xf32>,
        %mul3A_366 = arith.constant 2.500000e-01 : f32
        %mul3A_367 = vector.broadcast %mul3A_366 : f32 to vector<16xf32>
        %mul3A_368 = arith.mulf %mul3A_367, %get3A_365 : vector<16xf32>
        %swap3A_369 = arith.index_cast %scan3A_266 : i32 to index
        %swap3A_370 = arith.constant 16 : index
        %swap3A_371 = tpu.vector_load %arg14[%swap3A_369, %swap3A_370] {strides = array<i32>} : memref<64x32xf32, #tpu.memory_space<vmem>>, vector<16xf32>,
        tpu.vector_store %arg14[%swap3A_369, %swap3A_370], %mul3A_368 {strides = array<i32>} : memref<64x32xf32, #tpu.memory_space<vmem>>, vector<16xf32>,
        %mul3A_372 = arith.mulf %select_n3A_359, %get3A_365 : vector<16xf32>
        %swap3A_373 = arith.index_cast %scan3A_266 : i32 to index
        %swap3A_374 = arith.constant 16 : index
        %swap3A_375 = tpu.vector_load %arg12[%swap3A_373, %swap3A_374] {strides = array<i32>} : memref<400x32xf32, #tpu.memory_space<vmem>>, vector<16xf32>,
        tpu.vector_store %arg12[%swap3A_373, %swap3A_374], %mul3A_372 {strides = array<i32>} : memref<400x32xf32, #tpu.memory_space<vmem>>, vector<16xf32>,
        %scan3A_376 = arith.constant 0 : i32
        scf.yield %scan3A_376 : i32
      }
      %scan3A_209 = arith.constant 64 : i32
      %dma_start3A_210 = arith.constant 0 : i32
      %dma_start3A_211 = arith.constant 0 : i32
      %dma_start3A_212 = tpu.memref_slice %arg13[%dma_start3A_210, %dma_start3A_211] : memref<400x32xf32, #tpu.memory_space<vmem>> -> memref<64x32xf32, #tpu.memory_space<vmem>>
      %dma_start3A_213 = arith.constant 0 : i32
      %dma_start3A_214 = tpu.memref_slice %arg6[%add3A_161, %dma_start3A_213] : memref<100352x32xf32, #tpu.memory_space<hbm>> -> memref<64x32xf32, #tpu.memory_space<hbm>>
      %dma_start3A_215 = arith.constant 0 : i32
      %dma_start3A_216 = tpu.memref_slice %arg6[%add3A_161, %dma_start3A_215] : memref<100352x32xf32, #tpu.memory_space<hbm>> -> memref<64x32xf32, #tpu.memory_space<hbm>>
      %dma_start3A_217 = arith.constant 0 : i32
      %dma_start3A_218 = arith.constant 0 : i32
      %dma_start3A_219 = tpu.memref_slice %arg13[%dma_start3A_217, %dma_start3A_218] : memref<400x32xf32, #tpu.memory_space<vmem>> -> memref<64x32xf32, #tpu.memory_space<vmem>>
      tpu.enqueue_dma source(%dma_start3A_219 : memref<64x32xf32, #tpu.memory_space<vmem>>) target(%dma_start3A_216 : memref<64x32xf32, #tpu.memory_space<hbm>>) target_semaphore(%arg15 : memref<!tpu.dma_semaphore, #tpu.memory_space<semaphore_mem>>)
      %mul3A_220 = arith.constant 32 : i32
      %mul3A_221 = arith.muli %arg0, %mul3A_220 : i32
      %dma_start3A_222 = tpu.memref_slice %arg4[%add3A_164, %mul3A_221] : memref<50176x64xf32, #tpu.memory_space<hbm>> -> memref<64x32xf32, #tpu.memory_space<hbm>>
      %dma_start3A_223 = tpu.memref_slice %arg4[%add3A_164, %mul3A_221] : memref<50176x64xf32, #tpu.memory_space<hbm>> -> memref<64x32xf32, #tpu.memory_space<hbm>>
      tpu.enqueue_dma source(%arg14 : memref<64x32xf32, #tpu.memory_space<vmem>>) target(%dma_start3A_223 : memref<64x32xf32, #tpu.memory_space<hbm>>) target_semaphore(%arg16 : memref<!tpu.dma_semaphore, #tpu.memory_space<semaphore_mem>>)
      %dma_start3A_224 = arith.constant 0 : i32
      %dma_start3A_225 = arith.constant 0 : i32
      %dma_start3A_226 = tpu.memref_slice %arg12[%dma_start3A_224, %dma_start3A_225] : memref<400x32xf32, #tpu.memory_space<vmem>> -> memref<64x32xf32, #tpu.memory_space<vmem>>
      %dma_start3A_227 = arith.constant 0 : i32
      %dma_start3A_228 = tpu.memref_slice %arg5[%add3A_161, %dma_start3A_227] : memref<100352x32xf32, #tpu.memory_space<hbm>> -> memref<64x32xf32, #tpu.memory_space<hbm>>
      %dma_start3A_229 = arith.constant 0 : i32
      %dma_start3A_230 = tpu.memref_slice %arg5[%add3A_161, %dma_start3A_229] : memref<100352x32xf32, #tpu.memory_space<hbm>> -> memref<64x32xf32, #tpu.memory_space<hbm>>
      %dma_start3A_231 = arith.constant 0 : i32
      %dma_start3A_232 = arith.constant 0 : i32
      %dma_start3A_233 = tpu.memref_slice %arg12[%dma_start3A_231, %dma_start3A_232] : memref<400x32xf32, #tpu.memory_space<vmem>> -> memref<64x32xf32, #tpu.memory_space<vmem>>
      tpu.enqueue_dma source(%dma_start3A_233 : memref<64x32xf32, #tpu.memory_space<vmem>>) target(%dma_start3A_230 : memref<64x32xf32, #tpu.memory_space<hbm>>) target_semaphore(%arg17 : memref<!tpu.dma_semaphore, #tpu.memory_space<semaphore_mem>>)
      %dma_wait3A_234 = arith.constant 0 : i32
      %dma_wait3A_235 = arith.constant 0 : i32
      %dma_wait3A_236 = tpu.memref_slice %arg13[%dma_wait3A_234, %dma_wait3A_235] : memref<400x32xf32, #tpu.memory_space<vmem>> -> memref<64x32xf32, #tpu.memory_space<vmem>>
      %dma_wait3A_237 = arith.constant 0 : i32
      %dma_wait3A_238 = tpu.memref_slice %arg6[%add3A_161, %dma_wait3A_237] : memref<100352x32xf32, #tpu.memory_space<hbm>> -> memref<64x32xf32, #tpu.memory_space<hbm>>
      %dma_wait3A_239 = arith.constant 0 : i32
      %dma_wait3A_240 = tpu.memref_slice %arg6[%add3A_161, %dma_wait3A_239] : memref<100352x32xf32, #tpu.memory_space<hbm>> -> memref<64x32xf32, #tpu.memory_space<hbm>>
      %dma_wait3A_241 = arith.constant 0 : i32
      %dma_wait3A_242 = arith.constant 0 : i32
      %dma_wait3A_243 = tpu.memref_slice %arg13[%dma_wait3A_241, %dma_wait3A_242] : memref<400x32xf32, #tpu.memory_space<vmem>> -> memref<64x32xf32, #tpu.memory_space<vmem>>
      tpu.wait_dma2 semaphore(%arg15 : memref<!tpu.dma_semaphore, #tpu.memory_space<semaphore_mem>>) src(%dma_wait3A_243 : memref<64x32xf32, #tpu.memory_space<vmem>>) dst(%dma_wait3A_240 : memref<64x32xf32, #tpu.memory_space<hbm>>)
      %dma_wait3A_244 = tpu.memref_slice %arg4[%add3A_164, %mul3A_221] : memref<50176x64xf32, #tpu.memory_space<hbm>> -> memref<64x32xf32, #tpu.memory_space<hbm>>
      %dma_wait3A_245 = tpu.memref_slice %arg4[%add3A_164, %mul3A_221] : memref<50176x64xf32, #tpu.memory_space<hbm>> -> memref<64x32xf32, #tpu.memory_space<hbm>>
      tpu.wait_dma2 semaphore(%arg16 : memref<!tpu.dma_semaphore, #tpu.memory_space<semaphore_mem>>) src(%arg14 : memref<64x32xf32, #tpu.memory_space<vmem>>) dst(%dma_wait3A_245 : memref<64x32xf32, #tpu.memory_space<hbm>>)
      %dma_wait3A_246 = arith.constant 0 : i32
      %dma_wait3A_247 = arith.constant 0 : i32
      %dma_wait3A_248 = tpu.memref_slice %arg12[%dma_wait3A_246, %dma_wait3A_247] : memref<400x32xf32, #tpu.memory_space<vmem>> -> memref<64x32xf32, #tpu.memory_space<vmem>>
      %dma_wait3A_249 = arith.constant 0 : i32
      %dma_wait3A_250 = tpu.memref_slice %arg5[%add3A_161, %dma_wait3A_249] : memref<100352x32xf32, #tpu.memory_space<hbm>> -> memref<64x32xf32, #tpu.memory_space<hbm>>
      %dma_wait3A_251 = arith.constant 0 : i32
      %dma_wait3A_252 = tpu.memref_slice %arg5[%add3A_161, %dma_wait3A_251] : memref<100352x32xf32, #tpu.memory_space<hbm>> -> memref<64x32xf32, #tpu.memory_space<hbm>>
      %dma_wait3A_253 = arith.constant 0 : i32
      %dma_wait3A_254 = arith.constant 0 : i32
      %dma_wait3A_255 = tpu.memref_slice %arg12[%dma_wait3A_253, %dma_wait3A_254] : memref<400x32xf32, #tpu.memory_space<vmem>> -> memref<64x32xf32, #tpu.memory_space<vmem>>
      tpu.wait_dma2 semaphore(%arg17 : memref<!tpu.dma_semaphore, #tpu.memory_space<semaphore_mem>>) src(%dma_wait3A_255 : memref<64x32xf32, #tpu.memory_space<vmem>>) dst(%dma_wait3A_252 : memref<64x32xf32, #tpu.memory_space<hbm>>)
      %broadcast_in_dim3A_256 = arith.constant 0.000000e+00 : f32
      %broadcast_in_dim3A_257 = vector.broadcast %broadcast_in_dim3A_256 : f32 to vector<16xf32>
      %scan3A_258 = arith.constant 0 : i32
      %scan3A_259 = arith.constant 0 : i32
      %scan3A_260 = arith.constant 64 : i32
      %scan3A_261 = arith.addi %scan3A_259, %scan3A_260 : i32
      %scan3A_262 = arith.constant 1 : i32
      %scan3A_263 = scf.for %scan3A_266 = %scan3A_259 to %scan3A_261 step %scan3A_262 iter_args(%scan3A_267 = %scan3A_258) -> (i32)  : i32 {
        %swap3A = arith.index_cast %scan3A_266 : i32 to index
        %swap3A_268 = arith.constant 0 : index
        %swap3A_269 = tpu.vector_load %arg14[%swap3A, %swap3A_268] {strides = array<i32>} : memref<64x32xf32, #tpu.memory_space<vmem>>, vector<16xf32>,
        tpu.vector_store %arg14[%swap3A, %swap3A_268], %broadcast_in_dim3A_257 {strides = array<i32>} : memref<64x32xf32, #tpu.memory_space<vmem>>, vector<16xf32>,
        %swap3A_270 = arith.index_cast %scan3A_266 : i32 to index
        %swap3A_271 = arith.constant 16 : index
        %swap3A_272 = tpu.vector_load %arg14[%swap3A_270, %swap3A_271] {strides = array<i32>} : memref<64x32xf32, #tpu.memory_space<vmem>>, vector<16xf32>,
        tpu.vector_store %arg14[%swap3A_270, %swap3A_271], %broadcast_in_dim3A_257 {strides = array<i32>} : memref<64x32xf32, #tpu.memory_space<vmem>>, vector<16xf32>,
        %scan3A_273 = arith.constant 0 : i32
        scf.yield %scan3A_273 : i32
      }
      %scan3A_264 = arith.constant 64 : i32
      "tpu.region"() ({
        %run_scoped3A_266 = tpu.sem_alloc : memref<!tpu.dma_semaphore, #tpu.memory_space<semaphore_mem>>
        %dma_start3A_267 = arith.constant 0 : i32
        %dma_start3A_268 = tpu.memref_slice %arg7[%add3A_164, %dma_start3A_267] : memref<50176x32xf32, #tpu.memory_space<vmem_shared>> -> memref<64x32xf32, #tpu.memory_space<vmem_shared>>
        %dma_start3A_269 = arith.constant 0 : i32
        %dma_start3A_270 = tpu.memref_slice %arg7[%add3A_164, %dma_start3A_269] : memref<50176x32xf32, #tpu.memory_space<vmem_shared>> -> memref<64x32xf32, #tpu.memory_space<vmem_shared>>
        tpu.enqueue_dma source(%arg14 : memref<64x32xf32, #tpu.memory_space<vmem>>) target(%dma_start3A_270 : memref<64x32xf32, #tpu.memory_space<vmem_shared>>) target_semaphore(%run_scoped3A_266 : memref<!tpu.dma_semaphore, #tpu.memory_space<semaphore_mem>>)
        %dma_wait3A_271 = arith.constant 0 : i32
        %dma_wait3A_272 = tpu.memref_slice %arg7[%add3A_164, %dma_wait3A_271] : memref<50176x32xf32, #tpu.memory_space<vmem_shared>> -> memref<64x32xf32, #tpu.memory_space<vmem_shared>>
        %dma_wait3A_273 = arith.constant 0 : i32
        %dma_wait3A_274 = tpu.memref_slice %arg7[%add3A_164, %dma_wait3A_273] : memref<50176x32xf32, #tpu.memory_space<vmem_shared>> -> memref<64x32xf32, #tpu.memory_space<vmem_shared>>
        tpu.wait_dma2 semaphore(%run_scoped3A_266 : memref<!tpu.dma_semaphore, #tpu.memory_space<semaphore_mem>>) src(%arg14 : memref<64x32xf32, #tpu.memory_space<vmem>>) dst(%dma_wait3A_274 : memref<64x32xf32, #tpu.memory_space<vmem_shared>>)
        tpu.yield
      }) : () -> ()
      %scan3A_265 = arith.constant 0 : i32
      scf.yield %scan3A_265 : i32
    }
    %scan3A_56 = arith.constant 49 : i32
    %barrier3A_57 = arith.constant 0 : index
    tpu.barrier barrier_id(%barrier3A_57)
    "tpu.trace_stop"() : () -> ()
    "tpu.trace_start"() <{level = 10 : i32, message = "ph_edge0"}> : () -> ()
    %scan3A_58 = arith.constant 0 : i32
    %scan3A_59 = arith.constant 0 : i32
    %scan3A_60 = arith.constant 62 : i32
    %scan3A_61 = arith.addi %scan3A_59, %scan3A_60 : i32
    %scan3A_62 = arith.constant 1 : i32
    %scan3A_63 = scf.for %scan3A_157 = %scan3A_59 to %scan3A_61 step %scan3A_62 iter_args(%scan3A_158 = %scan3A_58) -> (i32)  : i32 {
      %mul3A_159 = arith.constant 50000 : i32
      %mul3A_160 = arith.muli %arg1, %mul3A_159 : i32
      %mul3A_161 = arith.constant 2 : i32
      %mul3A_162 = arith.muli %mul3A_161, %scan3A_157 : i32
      %mul3A_163 = arith.constant 400 : i32
      %mul3A_164 = arith.muli %mul3A_162, %mul3A_163 : i32
      %add3A_165 = arith.addi %mul3A_160, %mul3A_164 : i32
      %dma_start3A_166 = arith.constant 1 : i32
      %dma_start3A_167 = tpu.memref_slice %arg3[%dma_start3A_166, %add3A_165] : memref<2x800000xi32, #tpu.memory_space<hbm>> -> memref<1x400xi32, #tpu.memory_space<hbm>>
      %dma_start3A_168 = tpu.memref_squeeze %dma_start3A_167 : memref<1x400xi32, #tpu.memory_space<hbm>> -> memref<400xi32, #tpu.memory_space<hbm>>
      %dma_start3A_169 = tpu.memref_slice %arg3[%dma_start3A_166, %add3A_165] : memref<2x800000xi32, #tpu.memory_space<hbm>> -> memref<1x400xi32, #tpu.memory_space<hbm>>
      %dma_start3A_170 = tpu.memref_squeeze %dma_start3A_169 : memref<1x400xi32, #tpu.memory_space<hbm>> -> memref<400xi32, #tpu.memory_space<hbm>>
      tpu.enqueue_dma source(%dma_start3A_170 : memref<400xi32, #tpu.memory_space<hbm>>) target(%arg10 : memref<400xi32, #tpu.memory_space<vmem>>) target_semaphore(%arg17 : memref<!tpu.dma_semaphore, #tpu.memory_space<semaphore_mem>>)
      %add3A_171 = arith.constant 400 : i32
      %add3A_172 = arith.addi %add3A_165, %add3A_171 : i32
      %dma_start3A_173 = arith.constant 1 : i32
      %dma_start3A_174 = tpu.memref_slice %arg3[%dma_start3A_173, %add3A_172] : memref<2x800000xi32, #tpu.memory_space<hbm>> -> memref<1x400xi32, #tpu.memory_space<hbm>>
      %dma_start3A_175 = tpu.memref_squeeze %dma_start3A_174 : memref<1x400xi32, #tpu.memory_space<hbm>> -> memref<400xi32, #tpu.memory_space<hbm>>
      %dma_start3A_176 = tpu.memref_slice %arg3[%dma_start3A_173, %add3A_172] : memref<2x800000xi32, #tpu.memory_space<hbm>> -> memref<1x400xi32, #tpu.memory_space<hbm>>
      %dma_start3A_177 = tpu.memref_squeeze %dma_start3A_176 : memref<1x400xi32, #tpu.memory_space<hbm>> -> memref<400xi32, #tpu.memory_space<hbm>>
      tpu.enqueue_dma source(%dma_start3A_177 : memref<400xi32, #tpu.memory_space<hbm>>) target(%arg11 : memref<400xi32, #tpu.memory_space<vmem>>) target_semaphore(%arg18 : memref<!tpu.dma_semaphore, #tpu.memory_space<semaphore_mem>>)
      %dma_start3A_178 = arith.constant 0 : i32
      %dma_start3A_179 = tpu.memref_slice %arg3[%dma_start3A_178, %add3A_165] : memref<2x800000xi32, #tpu.memory_space<hbm>> -> memref<1x400xi32, #tpu.memory_space<hbm>>
      %dma_start3A_180 = tpu.memref_squeeze %dma_start3A_179 : memref<1x400xi32, #tpu.memory_space<hbm>> -> memref<400xi32, #tpu.memory_space<hbm>>
      %dma_start3A_181 = tpu.memref_slice %arg3[%dma_start3A_178, %add3A_165] : memref<2x800000xi32, #tpu.memory_space<hbm>> -> memref<1x400xi32, #tpu.memory_space<hbm>>
      %dma_start3A_182 = tpu.memref_squeeze %dma_start3A_181 : memref<1x400xi32, #tpu.memory_space<hbm>> -> memref<400xi32, #tpu.memory_space<hbm>>
      tpu.enqueue_dma source(%dma_start3A_182 : memref<400xi32, #tpu.memory_space<hbm>>) target(%arg8 : memref<400xi32, #tpu.memory_space<vmem>>) target_semaphore(%arg15 : memref<!tpu.dma_semaphore, #tpu.memory_space<semaphore_mem>>)
      %add3A_183 = arith.constant 400 : i32
      %add3A_184 = arith.addi %add3A_165, %add3A_183 : i32
      %dma_start3A_185 = arith.constant 0 : i32
      %dma_start3A_186 = tpu.memref_slice %arg3[%dma_start3A_185, %add3A_184] : memref<2x800000xi32, #tpu.memory_space<hbm>> -> memref<1x400xi32, #tpu.memory_space<hbm>>
      %dma_start3A_187 = tpu.memref_squeeze %dma_start3A_186 : memref<1x400xi32, #tpu.memory_space<hbm>> -> memref<400xi32, #tpu.memory_space<hbm>>
      %dma_start3A_188 = tpu.memref_slice %arg3[%dma_start3A_185, %add3A_184] : memref<2x800000xi32, #tpu.memory_space<hbm>> -> memref<1x400xi32, #tpu.memory_space<hbm>>
      %dma_start3A_189 = tpu.memref_squeeze %dma_start3A_188 : memref<1x400xi32, #tpu.memory_space<hbm>> -> memref<400xi32, #tpu.memory_space<hbm>>
      tpu.enqueue_dma source(%dma_start3A_189 : memref<400xi32, #tpu.memory_space<hbm>>) target(%arg9 : memref<400xi32, #tpu.memory_space<vmem>>) target_semaphore(%arg16 : memref<!tpu.dma_semaphore, #tpu.memory_space<semaphore_mem>>)
      %dma_wait3A_190 = arith.constant 1 : i32
      %dma_wait3A_191 = tpu.memref_slice %arg3[%dma_wait3A_190, %add3A_165] : memref<2x800000xi32, #tpu.memory_space<hbm>> -> memref<1x400xi32, #tpu.memory_space<hbm>>
      %dma_wait3A_192 = tpu.memref_squeeze %dma_wait3A_191 : memref<1x400xi32, #tpu.memory_space<hbm>> -> memref<400xi32, #tpu.memory_space<hbm>>
      %dma_wait3A_193 = tpu.memref_slice %arg3[%dma_wait3A_190, %add3A_165] : memref<2x800000xi32, #tpu.memory_space<hbm>> -> memref<1x400xi32, #tpu.memory_space<hbm>>
      %dma_wait3A_194 = tpu.memref_squeeze %dma_wait3A_193 : memref<1x400xi32, #tpu.memory_space<hbm>> -> memref<400xi32, #tpu.memory_space<hbm>>
      tpu.wait_dma2 semaphore(%arg17 : memref<!tpu.dma_semaphore, #tpu.memory_space<semaphore_mem>>) src(%dma_wait3A_194 : memref<400xi32, #tpu.memory_space<hbm>>) dst(%arg10 : memref<400xi32, #tpu.memory_space<vmem>>)
      %mul3A_195 = arith.constant 50176 : i32
      %mul3A_196 = arith.muli %arg0, %mul3A_195 : i32
      %dma_start3A_197 = arith.constant 0 : i32
      %dma_start3A_198 = tpu.memref_slice %arg5[%mul3A_196, %dma_start3A_197] : memref<100352x32xf32, #tpu.memory_space<hbm>> -> memref<50176x32xf32, #tpu.memory_space<hbm>>
      %dma_start3A_199 = arith.constant 0 : i32
      %dma_start3A_200 = arith.constant 0 : i32
      %dma_start3A_201 = tpu.memref_slice %dma_start3A_198[%dma_start3A_199, %dma_start3A_200] : memref<50176x32xf32, #tpu.memory_space<hbm>> -> memref<50176x32xf32, #tpu.memory_space<hbm>>
      tpu.enqueue_indirect_dma source(%dma_start3A_201 : memref<50176x32xf32, #tpu.memory_space<hbm>>) target(%arg12 : memref<400x32xf32, #tpu.memory_space<vmem>>) offsets(%arg10 : memref<400xi32, #tpu.memory_space<vmem>>) semaphore(%arg19 : memref<!tpu.dma_semaphore, #tpu.memory_space<semaphore_mem>>)
      %dma_wait3A_202 = arith.constant 1 : i32
      %dma_wait3A_203 = tpu.memref_slice %arg3[%dma_wait3A_202, %add3A_172] : memref<2x800000xi32, #tpu.memory_space<hbm>> -> memref<1x400xi32, #tpu.memory_space<hbm>>
      %dma_wait3A_204 = tpu.memref_squeeze %dma_wait3A_203 : memref<1x400xi32, #tpu.memory_space<hbm>> -> memref<400xi32, #tpu.memory_space<hbm>>
      %dma_wait3A_205 = tpu.memref_slice %arg3[%dma_wait3A_202, %add3A_172] : memref<2x800000xi32, #tpu.memory_space<hbm>> -> memref<1x400xi32, #tpu.memory_space<hbm>>
      %dma_wait3A_206 = tpu.memref_squeeze %dma_wait3A_205 : memref<1x400xi32, #tpu.memory_space<hbm>> -> memref<400xi32, #tpu.memory_space<hbm>>
      tpu.wait_dma2 semaphore(%arg18 : memref<!tpu.dma_semaphore, #tpu.memory_space<semaphore_mem>>) src(%dma_wait3A_206 : memref<400xi32, #tpu.memory_space<hbm>>) dst(%arg11 : memref<400xi32, #tpu.memory_space<vmem>>)
      %mul3A_207 = arith.constant 50176 : i32
      %mul3A_208 = arith.muli %arg0, %mul3A_207 : i32
      %dma_start3A_209 = arith.constant 0 : i32
      %dma_start3A_210 = tpu.memref_slice %arg5[%mul3A_208, %dma_start3A_209] : memref<100352x32xf32, #tpu.memory_space<hbm>> -> memref<50176x32xf32, #tpu.memory_space<hbm>>
      %dma_start3A_211 = arith.constant 0 : i32
      %dma_start3A_212 = arith.constant 0 : i32
      %dma_start3A_213 = tpu.memref_slice %dma_start3A_210[%dma_start3A_211, %dma_start3A_212] : memref<50176x32xf32, #tpu.memory_space<hbm>> -> memref<50176x32xf32, #tpu.memory_space<hbm>>
      tpu.enqueue_indirect_dma source(%dma_start3A_213 : memref<50176x32xf32, #tpu.memory_space<hbm>>) target(%arg13 : memref<400x32xf32, #tpu.memory_space<vmem>>) offsets(%arg11 : memref<400xi32, #tpu.memory_space<vmem>>) semaphore(%arg20 : memref<!tpu.dma_semaphore, #tpu.memory_space<semaphore_mem>>)
      %dma_wait3A_214 = arith.constant 0 : i32
      %dma_wait3A_215 = tpu.memref_slice %arg5[%mul3A_196, %dma_wait3A_214] : memref<100352x32xf32, #tpu.memory_space<hbm>> -> memref<50176x32xf32, #tpu.memory_space<hbm>>
      %dma_wait3A_216 = arith.constant 0 : i32
      %dma_wait3A_217 = arith.constant 0 : i32
      %dma_wait3A_218 = tpu.memref_slice %dma_wait3A_215[%dma_wait3A_216, %dma_wait3A_217] : memref<50176x32xf32, #tpu.memory_space<hbm>> -> memref<50176x32xf32, #tpu.memory_space<hbm>>
      tpu.wait_indirect_dma semaphore(%arg19 : memref<!tpu.dma_semaphore, #tpu.memory_space<semaphore_mem>>) src(%dma_wait3A_218 : memref<50176x32xf32, #tpu.memory_space<hbm>>) dst(%arg12 : memref<400x32xf32, #tpu.memory_space<vmem>>)
      %dma_wait3A_219 = arith.constant 0 : i32
      %dma_wait3A_220 = tpu.memref_slice %arg3[%dma_wait3A_219, %add3A_165] : memref<2x800000xi32, #tpu.memory_space<hbm>> -> memref<1x400xi32, #tpu.memory_space<hbm>>
      %dma_wait3A_221 = tpu.memref_squeeze %dma_wait3A_220 : memref<1x400xi32, #tpu.memory_space<hbm>> -> memref<400xi32, #tpu.memory_space<hbm>>
      %dma_wait3A_222 = tpu.memref_slice %arg3[%dma_wait3A_219, %add3A_165] : memref<2x800000xi32, #tpu.memory_space<hbm>> -> memref<1x400xi32, #tpu.memory_space<hbm>>
      %dma_wait3A_223 = tpu.memref_squeeze %dma_wait3A_222 : memref<1x400xi32, #tpu.memory_space<hbm>> -> memref<400xi32, #tpu.memory_space<hbm>>
      tpu.wait_dma2 semaphore(%arg15 : memref<!tpu.dma_semaphore, #tpu.memory_space<semaphore_mem>>) src(%dma_wait3A_223 : memref<400xi32, #tpu.memory_space<hbm>>) dst(%arg8 : memref<400xi32, #tpu.memory_space<vmem>>)
      %dma_start3A_224 = arith.constant 0 : i32
      %dma_start3A_225 = arith.constant 0 : i32
      %dma_start3A_226 = tpu.memref_slice %arg7[%dma_start3A_224, %dma_start3A_225] : memref<50176x32xf32, #tpu.memory_space<vmem_shared>> -> memref<50176x32xf32, #tpu.memory_space<vmem_shared>>
      tpu.enqueue_indirect_dma source(%arg12 : memref<400x32xf32, #tpu.memory_space<vmem>>) target(%dma_start3A_226 : memref<50176x32xf32, #tpu.memory_space<vmem_shared>>) offsets(%arg8 : memref<400xi32, #tpu.memory_space<vmem>>) semaphore(%arg21 : memref<!tpu.dma_semaphore, #tpu.memory_space<semaphore_mem>>) {add = true}
      %dma_wait3A_227 = arith.constant 0 : i32
      %dma_wait3A_228 = tpu.memref_slice %arg5[%mul3A_208, %dma_wait3A_227] : memref<100352x32xf32, #tpu.memory_space<hbm>> -> memref<50176x32xf32, #tpu.memory_space<hbm>>
      %dma_wait3A_229 = arith.constant 0 : i32
      %dma_wait3A_230 = arith.constant 0 : i32
      %dma_wait3A_231 = tpu.memref_slice %dma_wait3A_228[%dma_wait3A_229, %dma_wait3A_230] : memref<50176x32xf32, #tpu.memory_space<hbm>> -> memref<50176x32xf32, #tpu.memory_space<hbm>>
      tpu.wait_indirect_dma semaphore(%arg20 : memref<!tpu.dma_semaphore, #tpu.memory_space<semaphore_mem>>) src(%dma_wait3A_231 : memref<50176x32xf32, #tpu.memory_space<hbm>>) dst(%arg13 : memref<400x32xf32, #tpu.memory_space<vmem>>)
      %dma_wait3A_232 = arith.constant 0 : i32
      %dma_wait3A_233 = tpu.memref_slice %arg3[%dma_wait3A_232, %add3A_184] : memref<2x800000xi32, #tpu.memory_space<hbm>> -> memref<1x400xi32, #tpu.memory_space<hbm>>
      %dma_wait3A_234 = tpu.memref_squeeze %dma_wait3A_233 : memref<1x400xi32, #tpu.memory_space<hbm>> -> memref<400xi32, #tpu.memory_space<hbm>>
      %dma_wait3A_235 = tpu.memref_slice %arg3[%dma_wait3A_232, %add3A_184] : memref<2x800000xi32, #tpu.memory_space<hbm>> -> memref<1x400xi32, #tpu.memory_space<hbm>>
      %dma_wait3A_236 = tpu.memref_squeeze %dma_wait3A_235 : memref<1x400xi32, #tpu.memory_space<hbm>> -> memref<400xi32, #tpu.memory_space<hbm>>
      tpu.wait_dma2 semaphore(%arg16 : memref<!tpu.dma_semaphore, #tpu.memory_space<semaphore_mem>>) src(%dma_wait3A_236 : memref<400xi32, #tpu.memory_space<hbm>>) dst(%arg9 : memref<400xi32, #tpu.memory_space<vmem>>)
      %dma_start3A_237 = arith.constant 0 : i32
      %dma_start3A_238 = arith.constant 0 : i32
      %dma_start3A_239 = tpu.memref_slice %arg7[%dma_start3A_237, %dma_start3A_238] : memref<50176x32xf32, #tpu.memory_space<vmem_shared>> -> memref<50176x32xf32, #tpu.memory_space<vmem_shared>>
      tpu.enqueue_indirect_dma source(%arg13 : memref<400x32xf32, #tpu.memory_space<vmem>>) target(%dma_start3A_239 : memref<50176x32xf32, #tpu.memory_space<vmem_shared>>) offsets(%arg9 : memref<400xi32, #tpu.memory_space<vmem>>) semaphore(%arg22 : memref<!tpu.dma_semaphore, #tpu.memory_space<semaphore_mem>>) {add = true}
      %dma_wait3A_240 = arith.constant 0 : i32
      %dma_wait3A_241 = arith.constant 0 : i32
      %dma_wait3A_242 = tpu.memref_slice %arg7[%dma_wait3A_240, %dma_wait3A_241] : memref<50176x32xf32, #tpu.memory_space<vmem_shared>> -> memref<50176x32xf32, #tpu.memory_space<vmem_shared>>
      tpu.wait_indirect_dma semaphore(%arg21 : memref<!tpu.dma_semaphore, #tpu.memory_space<semaphore_mem>>) src(%arg12 : memref<400x32xf32, #tpu.memory_space<vmem>>) dst(%dma_wait3A_242 : memref<50176x32xf32, #tpu.memory_space<vmem_shared>>)
      %dma_wait3A_243 = arith.constant 0 : i32
      %dma_wait3A_244 = arith.constant 0 : i32
      %dma_wait3A_245 = tpu.memref_slice %arg7[%dma_wait3A_243, %dma_wait3A_244] : memref<50176x32xf32, #tpu.memory_space<vmem_shared>> -> memref<50176x32xf32, #tpu.memory_space<vmem_shared>>
      tpu.wait_indirect_dma semaphore(%arg22 : memref<!tpu.dma_semaphore, #tpu.memory_space<semaphore_mem>>) src(%arg13 : memref<400x32xf32, #tpu.memory_space<vmem>>) dst(%dma_wait3A_245 : memref<50176x32xf32, #tpu.memory_space<vmem_shared>>)
      %scan3A_246 = arith.constant 0 : i32
      scf.yield %scan3A_246 : i32
    }
    %scan3A_64 = arith.constant 62 : i32
    %mul3A_65 = arith.constant 50000 : i32
    %mul3A_66 = arith.muli %arg1, %mul3A_65 : i32
    %add3A_67 = arith.constant 49600 : i32
    %add3A_68 = arith.addi %mul3A_66, %add3A_67 : i32
    %run_scoped3A_69 = arith.constant 1 : i32
    "tpu.region"() ({
      %run_scoped3A_157 = tpu.sem_alloc : memref<!tpu.dma_semaphore, #tpu.memory_space<semaphore_mem>>
      %dma_start3A_158 = tpu.memref_slice %arg3[%run_scoped3A_69, %add3A_68] : memref<2x800000xi32, #tpu.memory_space<hbm>> -> memref<1x400xi32, #tpu.memory_space<hbm>>
      %dma_start3A_159 = tpu.memref_squeeze %dma_start3A_158 : memref<1x400xi32, #tpu.memory_space<hbm>> -> memref<400xi32, #tpu.memory_space<hbm>>
      %dma_start3A_160 = tpu.memref_slice %arg3[%run_scoped3A_69, %add3A_68] : memref<2x800000xi32, #tpu.memory_space<hbm>> -> memref<1x400xi32, #tpu.memory_space<hbm>>
      %dma_start3A_161 = tpu.memref_squeeze %dma_start3A_160 : memref<1x400xi32, #tpu.memory_space<hbm>> -> memref<400xi32, #tpu.memory_space<hbm>>
      tpu.enqueue_dma source(%dma_start3A_161 : memref<400xi32, #tpu.memory_space<hbm>>) target(%arg10 : memref<400xi32, #tpu.memory_space<vmem>>) target_semaphore(%run_scoped3A_157 : memref<!tpu.dma_semaphore, #tpu.memory_space<semaphore_mem>>)
      %dma_wait3A_162 = tpu.memref_slice %arg3[%run_scoped3A_69, %add3A_68] : memref<2x800000xi32, #tpu.memory_space<hbm>> -> memref<1x400xi32, #tpu.memory_space<hbm>>
      %dma_wait3A_163 = tpu.memref_squeeze %dma_wait3A_162 : memref<1x400xi32, #tpu.memory_space<hbm>> -> memref<400xi32, #tpu.memory_space<hbm>>
      %dma_wait3A_164 = tpu.memref_slice %arg3[%run_scoped3A_69, %add3A_68] : memref<2x800000xi32, #tpu.memory_space<hbm>> -> memref<1x400xi32, #tpu.memory_space<hbm>>
      %dma_wait3A_165 = tpu.memref_squeeze %dma_wait3A_164 : memref<1x400xi32, #tpu.memory_space<hbm>> -> memref<400xi32, #tpu.memory_space<hbm>>
      tpu.wait_dma2 semaphore(%run_scoped3A_157 : memref<!tpu.dma_semaphore, #tpu.memory_space<semaphore_mem>>) src(%dma_wait3A_165 : memref<400xi32, #tpu.memory_space<hbm>>) dst(%arg10 : memref<400xi32, #tpu.memory_space<vmem>>)
      tpu.yield
    }) : () -> ()
    %mul3A_70 = arith.constant 50176 : i32
    %mul3A_71 = arith.muli %arg0, %mul3A_70 : i32
    %dma_start3A = arith.constant 0 : i32
    %dma_start3A_72 = tpu.memref_slice %arg5[%mul3A_71, %dma_start3A] : memref<100352x32xf32, #tpu.memory_space<hbm>> -> memref<50176x32xf32, #tpu.memory_space<hbm>>
    %dma_start3A_73 = arith.constant 0 : i32
    %dma_start3A_74 = arith.constant 0 : i32
    %dma_start3A_75 = tpu.memref_slice %dma_start3A_72[%dma_start3A_73, %dma_start3A_74] : memref<50176x32xf32, #tpu.memory_space<hbm>> -> memref<50176x32xf32, #tpu.memory_space<hbm>>
    tpu.enqueue_indirect_dma source(%dma_start3A_75 : memref<50176x32xf32, #tpu.memory_space<hbm>>) target(%arg12 : memref<400x32xf32, #tpu.memory_space<vmem>>) offsets(%arg10 : memref<400xi32, #tpu.memory_space<vmem>>) semaphore(%arg19 : memref<!tpu.dma_semaphore, #tpu.memory_space<semaphore_mem>>)
    %dma_wait3A = arith.constant 0 : i32
    %dma_wait3A_76 = tpu.memref_slice %arg5[%mul3A_71, %dma_wait3A] : memref<100352x32xf32, #tpu.memory_space<hbm>> -> memref<50176x32xf32, #tpu.memory_space<hbm>>
    %dma_wait3A_77 = arith.constant 0 : i32
    %dma_wait3A_78 = arith.constant 0 : i32
    %dma_wait3A_79 = tpu.memref_slice %dma_wait3A_76[%dma_wait3A_77, %dma_wait3A_78] : memref<50176x32xf32, #tpu.memory_space<hbm>> -> memref<50176x32xf32, #tpu.memory_space<hbm>>
    tpu.wait_indirect_dma semaphore(%arg19 : memref<!tpu.dma_semaphore, #tpu.memory_space<semaphore_mem>>) src(%dma_wait3A_79 : memref<50176x32xf32, #tpu.memory_space<hbm>>) dst(%arg12 : memref<400x32xf32, #tpu.memory_space<vmem>>)
    %run_scoped3A_80 = arith.constant 0 : i32
    "tpu.region"() ({
      %run_scoped3A_157 = tpu.sem_alloc : memref<!tpu.dma_semaphore, #tpu.memory_space<semaphore_mem>>
      %dma_start3A_158 = tpu.memref_slice %arg3[%run_scoped3A_80, %add3A_68] : memref<2x800000xi32, #tpu.memory_space<hbm>> -> memref<1x400xi32, #tpu.memory_space<hbm>>
      %dma_start3A_159 = tpu.memref_squeeze %dma_start3A_158 : memref<1x400xi32, #tpu.memory_space<hbm>> -> memref<400xi32, #tpu.memory_space<hbm>>
      %dma_start3A_160 = tpu.memref_slice %arg3[%run_scoped3A_80, %add3A_68] : memref<2x800000xi32, #tpu.memory_space<hbm>> -> memref<1x400xi32, #tpu.memory_space<hbm>>
      %dma_start3A_161 = tpu.memref_squeeze %dma_start3A_160 : memref<1x400xi32, #tpu.memory_space<hbm>> -> memref<400xi32, #tpu.memory_space<hbm>>
      tpu.enqueue_dma source(%dma_start3A_161 : memref<400xi32, #tpu.memory_space<hbm>>) target(%arg8 : memref<400xi32, #tpu.memory_space<vmem>>) target_semaphore(%run_scoped3A_157 : memref<!tpu.dma_semaphore, #tpu.memory_space<semaphore_mem>>)
      %dma_wait3A_162 = tpu.memref_slice %arg3[%run_scoped3A_80, %add3A_68] : memref<2x800000xi32, #tpu.memory_space<hbm>> -> memref<1x400xi32, #tpu.memory_space<hbm>>
      %dma_wait3A_163 = tpu.memref_squeeze %dma_wait3A_162 : memref<1x400xi32, #tpu.memory_space<hbm>> -> memref<400xi32, #tpu.memory_space<hbm>>
      %dma_wait3A_164 = tpu.memref_slice %arg3[%run_scoped3A_80, %add3A_68] : memref<2x800000xi32, #tpu.memory_space<hbm>> -> memref<1x400xi32, #tpu.memory_space<hbm>>
      %dma_wait3A_165 = tpu.memref_squeeze %dma_wait3A_164 : memref<1x400xi32, #tpu.memory_space<hbm>> -> memref<400xi32, #tpu.memory_space<hbm>>
      tpu.wait_dma2 semaphore(%run_scoped3A_157 : memref<!tpu.dma_semaphore, #tpu.memory_space<semaphore_mem>>) src(%dma_wait3A_165 : memref<400xi32, #tpu.memory_space<hbm>>) dst(%arg8 : memref<400xi32, #tpu.memory_space<vmem>>)
      tpu.yield
    }) : () -> ()
    "tpu.region"() ({
      %run_scoped3A_157 = tpu.sem_alloc : memref<!tpu.dma_semaphore, #tpu.memory_space<semaphore_mem>>
      %dma_start3A_158 = arith.constant 0 : i32
      %dma_start3A_159 = arith.constant 0 : i32
      %dma_start3A_160 = tpu.memref_slice %arg7[%dma_start3A_158, %dma_start3A_159] : memref<50176x32xf32, #tpu.memory_space<vmem_shared>> -> memref<50176x32xf32, #tpu.memory_space<vmem_shared>>
      tpu.enqueue_indirect_dma source(%arg12 : memref<400x32xf32, #tpu.memory_space<vmem>>) target(%dma_start3A_160 : memref<50176x32xf32, #tpu.memory_space<vmem_shared>>) offsets(%arg8 : memref<400xi32, #tpu.memory_space<vmem>>) semaphore(%run_scoped3A_157 : memref<!tpu.dma_semaphore, #tpu.memory_space<semaphore_mem>>) {add = true}
      %dma_wait3A_161 = arith.constant 0 : i32
      %dma_wait3A_162 = arith.constant 0 : i32
      %dma_wait3A_163 = tpu.memref_slice %arg7[%dma_wait3A_161, %dma_wait3A_162] : memref<50176x32xf32, #tpu.memory_space<vmem_shared>> -> memref<50176x32xf32, #tpu.memory_space<vmem_shared>>
      tpu.wait_indirect_dma semaphore(%run_scoped3A_157 : memref<!tpu.dma_semaphore, #tpu.memory_space<semaphore_mem>>) src(%arg12 : memref<400x32xf32, #tpu.memory_space<vmem>>) dst(%dma_wait3A_163 : memref<50176x32xf32, #tpu.memory_space<vmem_shared>>)
      tpu.yield
    }) : () -> ()
    %barrier3A_81 = arith.constant 0 : index
    tpu.barrier barrier_id(%barrier3A_81)
    "tpu.trace_stop"() : () -> ()
    "tpu.trace_start"() <{level = 10 : i32, message = "ph_dense0"}> : () -> ()
    %scan3A_82 = arith.constant 0 : i32
    %scan3A_83 = arith.constant 0 : i32
    %scan3A_84 = arith.constant 49 : i32
    %scan3A_85 = arith.addi %scan3A_83, %scan3A_84 : i32
    %scan3A_86 = arith.constant 1 : i32
    %scan3A_87 = scf.for %scan3A_157 = %scan3A_83 to %scan3A_85 step %scan3A_86 iter_args(%scan3A_158 = %scan3A_82) -> (i32)  : i32 {
      %mul3A_159 = arith.constant 64 : i32
      %mul3A_160 = arith.muli %scan3A_157, %mul3A_159 : i32
      %add3A_161 = arith.addi %add3A, %mul3A_160 : i32
      %mul3A_162 = arith.constant 64 : i32
      %mul3A_163 = arith.muli %scan3A_157, %mul3A_162 : i32
      %add3A_164 = arith.addi %mul3A_0, %mul3A_163 : i32
      %dma_start3A_165 = arith.constant 0 : i32
      %dma_start3A_166 = arith.constant 0 : i32
      %dma_start3A_167 = tpu.memref_slice %arg12[%dma_start3A_165, %dma_start3A_166] : memref<400x32xf32, #tpu.memory_space<vmem>> -> memref<64x32xf32, #tpu.memory_space<vmem>>
      %dma_start3A_168 = arith.constant 0 : i32
      %dma_start3A_169 = tpu.memref_slice %arg7[%add3A_164, %dma_start3A_168] : memref<50176x32xf32, #tpu.memory_space<vmem_shared>> -> memref<64x32xf32, #tpu.memory_space<vmem_shared>>
      %dma_start3A_170 = arith.constant 0 : i32
      %dma_start3A_171 = arith.constant 0 : i32
      %dma_start3A_172 = tpu.memref_slice %arg12[%dma_start3A_170, %dma_start3A_171] : memref<400x32xf32, #tpu.memory_space<vmem>> -> memref<64x32xf32, #tpu.memory_space<vmem>>
      %dma_start3A_173 = arith.constant 0 : i32
      %dma_start3A_174 = tpu.memref_slice %arg7[%add3A_164, %dma_start3A_173] : memref<50176x32xf32, #tpu.memory_space<vmem_shared>> -> memref<64x32xf32, #tpu.memory_space<vmem_shared>>
      tpu.enqueue_dma source(%dma_start3A_174 : memref<64x32xf32, #tpu.memory_space<vmem_shared>>) target(%dma_start3A_172 : memref<64x32xf32, #tpu.memory_space<vmem>>) target_semaphore(%arg15 : memref<!tpu.dma_semaphore, #tpu.memory_space<semaphore_mem>>)
      %mul3A_175 = arith.constant 32 : i32
      %mul3A_176 = arith.muli %arg0, %mul3A_175 : i32
      %dma_start3A_177 = tpu.memref_slice %arg4[%add3A_164, %mul3A_176] : memref<50176x64xf32, #tpu.memory_space<hbm>> -> memref<64x32xf32, #tpu.memory_space<hbm>>
      %dma_start3A_178 = tpu.memref_slice %arg4[%add3A_164, %mul3A_176] : memref<50176x64xf32, #tpu.memory_space<hbm>> -> memref<64x32xf32, #tpu.memory_space<hbm>>
      tpu.enqueue_dma source(%dma_start3A_178 : memref<64x32xf32, #tpu.memory_space<hbm>>) target(%arg14 : memref<64x32xf32, #tpu.memory_space<vmem>>) target_semaphore(%arg16 : memref<!tpu.dma_semaphore, #tpu.memory_space<semaphore_mem>>)
      %dma_start3A_179 = arith.constant 0 : i32
      %dma_start3A_180 = arith.constant 0 : i32
      %dma_start3A_181 = tpu.memref_slice %arg13[%dma_start3A_179, %dma_start3A_180] : memref<400x32xf32, #tpu.memory_space<vmem>> -> memref<64x32xf32, #tpu.memory_space<vmem>>
      %dma_start3A_182 = arith.constant 0 : i32
      %dma_start3A_183 = tpu.memref_slice %arg6[%add3A_161, %dma_start3A_182] : memref<100352x32xf32, #tpu.memory_space<hbm>> -> memref<64x32xf32, #tpu.memory_space<hbm>>
      %dma_start3A_184 = arith.constant 0 : i32
      %dma_start3A_185 = arith.constant 0 : i32
      %dma_start3A_186 = tpu.memref_slice %arg13[%dma_start3A_184, %dma_start3A_185] : memref<400x32xf32, #tpu.memory_space<vmem>> -> memref<64x32xf32, #tpu.memory_space<vmem>>
      %dma_start3A_187 = arith.constant 0 : i32
      %dma_start3A_188 = tpu.memref_slice %arg6[%add3A_161, %dma_start3A_187] : memref<100352x32xf32, #tpu.memory_space<hbm>> -> memref<64x32xf32, #tpu.memory_space<hbm>>
      tpu.enqueue_dma source(%dma_start3A_188 : memref<64x32xf32, #tpu.memory_space<hbm>>) target(%dma_start3A_186 : memref<64x32xf32, #tpu.memory_space<vmem>>) target_semaphore(%arg17 : memref<!tpu.dma_semaphore, #tpu.memory_space<semaphore_mem>>)
      %dma_wait3A_189 = arith.constant 0 : i32
      %dma_wait3A_190 = arith.constant 0 : i32
      %dma_wait3A_191 = tpu.memref_slice %arg12[%dma_wait3A_189, %dma_wait3A_190] : memref<400x32xf32, #tpu.memory_space<vmem>> -> memref<64x32xf32, #tpu.memory_space<vmem>>
      %dma_wait3A_192 = arith.constant 0 : i32
      %dma_wait3A_193 = tpu.memref_slice %arg7[%add3A_164, %dma_wait3A_192] : memref<50176x32xf32, #tpu.memory_space<vmem_shared>> -> memref<64x32xf32, #tpu.memory_space<vmem_shared>>
      %dma_wait3A_194 = arith.constant 0 : i32
      %dma_wait3A_195 = arith.constant 0 : i32
      %dma_wait3A_196 = tpu.memref_slice %arg12[%dma_wait3A_194, %dma_wait3A_195] : memref<400x32xf32, #tpu.memory_space<vmem>> -> memref<64x32xf32, #tpu.memory_space<vmem>>
      %dma_wait3A_197 = arith.constant 0 : i32
      %dma_wait3A_198 = tpu.memref_slice %arg7[%add3A_164, %dma_wait3A_197] : memref<50176x32xf32, #tpu.memory_space<vmem_shared>> -> memref<64x32xf32, #tpu.memory_space<vmem_shared>>
      tpu.wait_dma2 semaphore(%arg15 : memref<!tpu.dma_semaphore, #tpu.memory_space<semaphore_mem>>) src(%dma_wait3A_198 : memref<64x32xf32, #tpu.memory_space<vmem_shared>>) dst(%dma_wait3A_196 : memref<64x32xf32, #tpu.memory_space<vmem>>)
      %dma_wait3A_199 = tpu.memref_slice %arg4[%add3A_164, %mul3A_176] : memref<50176x64xf32, #tpu.memory_space<hbm>> -> memref<64x32xf32, #tpu.memory_space<hbm>>
      %dma_wait3A_200 = tpu.memref_slice %arg4[%add3A_164, %mul3A_176] : memref<50176x64xf32, #tpu.memory_space<hbm>> -> memref<64x32xf32, #tpu.memory_space<hbm>>
      tpu.wait_dma2 semaphore(%arg16 : memref<!tpu.dma_semaphore, #tpu.memory_space<semaphore_mem>>) src(%dma_wait3A_200 : memref<64x32xf32, #tpu.memory_space<hbm>>) dst(%arg14 : memref<64x32xf32, #tpu.memory_space<vmem>>)
      %dma_wait3A_201 = arith.constant 0 : i32
      %dma_wait3A_202 = arith.constant 0 : i32
      %dma_wait3A_203 = tpu.memref_slice %arg13[%dma_wait3A_201, %dma_wait3A_202] : memref<400x32xf32, #tpu.memory_space<vmem>> -> memref<64x32xf32, #tpu.memory_space<vmem>>
      %dma_wait3A_204 = arith.constant 0 : i32
      %dma_wait3A_205 = tpu.memref_slice %arg6[%add3A_161, %dma_wait3A_204] : memref<100352x32xf32, #tpu.memory_space<hbm>> -> memref<64x32xf32, #tpu.memory_space<hbm>>
      %dma_wait3A_206 = arith.constant 0 : i32
      %dma_wait3A_207 = arith.constant 0 : i32
      %dma_wait3A_208 = tpu.memref_slice %arg13[%dma_wait3A_206, %dma_wait3A_207] : memref<400x32xf32, #tpu.memory_space<vmem>> -> memref<64x32xf32, #tpu.memory_space<vmem>>
      %dma_wait3A_209 = arith.constant 0 : i32
      %dma_wait3A_210 = tpu.memref_slice %arg6[%add3A_161, %dma_wait3A_209] : memref<100352x32xf32, #tpu.memory_space<hbm>> -> memref<64x32xf32, #tpu.memory_space<hbm>>
      tpu.wait_dma2 semaphore(%arg17 : memref<!tpu.dma_semaphore, #tpu.memory_space<semaphore_mem>>) src(%dma_wait3A_210 : memref<64x32xf32, #tpu.memory_space<hbm>>) dst(%dma_wait3A_208 : memref<64x32xf32, #tpu.memory_space<vmem>>)
      %scan3A_211 = arith.constant 0 : i32
      %scan3A_212 = arith.constant 0 : i32
      %scan3A_213 = arith.constant 64 : i32
      %scan3A_214 = arith.addi %scan3A_212, %scan3A_213 : i32
      %scan3A_215 = arith.constant 1 : i32
      %scan3A_216 = scf.for %scan3A_254 = %scan3A_212 to %scan3A_214 step %scan3A_215 iter_args(%scan3A_255 = %scan3A_211) -> (i32)  : i32 {
        %get3A = arith.index_cast %scan3A_254 : i32 to index
        %get3A_256 = arith.constant 0 : index
        %get3A_257 = tpu.vector_load %arg12[%get3A, %get3A_256] {strides = array<i32>} : memref<400x32xf32, #tpu.memory_space<vmem>>, vector<16xf32>,
        %get3A_258 = arith.index_cast %scan3A_254 : i32 to index
        %get3A_259 = arith.constant 0 : index
        %get3A_260 = tpu.vector_load %arg13[%get3A_258, %get3A_259] {strides = array<i32>} : memref<400x32xf32, #tpu.memory_space<vmem>>, vector<16xf32>,
        %mul3A_261 = arith.mulf %get3A_260, %get3A_257 : vector<16xf32>
        %get3A_262 = arith.index_cast %scan3A_254 : i32 to index
        %get3A_263 = arith.constant 0 : index
        %get3A_264 = tpu.vector_load %arg14[%get3A_262, %get3A_263] {strides = array<i32>} : memref<64x32xf32, #tpu.memory_space<vmem>>, vector<16xf32>,
        %mul3A_265 = arith.constant 2.500000e-01 : f32
        %mul3A_266 = vector.broadcast %mul3A_265 : f32 to vector<16xf32>
        %mul3A_267 = arith.mulf %mul3A_266, %mul3A_261 : vector<16xf32>
        %add3A_268 = arith.addf %get3A_264, %mul3A_267 : vector<16xf32>
        %swap3A = arith.index_cast %scan3A_254 : i32 to index
        %swap3A_269 = arith.constant 0 : index
        %swap3A_270 = tpu.vector_load %arg14[%swap3A, %swap3A_269] {strides = array<i32>} : memref<64x32xf32, #tpu.memory_space<vmem>>, vector<16xf32>,
        tpu.vector_store %arg14[%swap3A, %swap3A_269], %add3A_268 {strides = array<i32>} : memref<64x32xf32, #tpu.memory_space<vmem>>, vector<16xf32>,
        %mul3A_271 = arith.mulf %get3A_260, %mul3A_261 : vector<16xf32>
        %swap3A_272 = arith.index_cast %scan3A_254 : i32 to index
        %swap3A_273 = arith.constant 0 : index
        %swap3A_274 = tpu.vector_load %arg12[%swap3A_272, %swap3A_273] {strides = array<i32>} : memref<400x32xf32, #tpu.memory_space<vmem>>, vector<16xf32>,
        tpu.vector_store %arg12[%swap3A_272, %swap3A_273], %mul3A_271 {strides = array<i32>} : memref<400x32xf32, #tpu.memory_space<vmem>>, vector<16xf32>,
        %get3A_275 = arith.index_cast %scan3A_254 : i32 to index
        %get3A_276 = arith.constant 16 : index
        %get3A_277 = tpu.vector_load %arg12[%get3A_275, %get3A_276] {strides = array<i32>} : memref<400x32xf32, #tpu.memory_space<vmem>>, vector<16xf32>,
        %get3A_278 = arith.index_cast %scan3A_254 : i32 to index
        %get3A_279 = arith.constant 16 : index
        %get3A_280 = tpu.vector_load %arg13[%get3A_278, %get3A_279] {strides = array<i32>} : memref<400x32xf32, #tpu.memory_space<vmem>>, vector<16xf32>,
        %mul3A_281 = arith.mulf %get3A_280, %get3A_277 : vector<16xf32>
        %get3A_282 = arith.index_cast %scan3A_254 : i32 to index
        %get3A_283 = arith.constant 16 : index
        %get3A_284 = tpu.vector_load %arg14[%get3A_282, %get3A_283] {strides = array<i32>} : memref<64x32xf32, #tpu.memory_space<vmem>>, vector<16xf32>,
        %mul3A_285 = arith.constant 2.500000e-01 : f32
        %mul3A_286 = vector.broadcast %mul3A_285 : f32 to vector<16xf32>
        %mul3A_287 = arith.mulf %mul3A_286, %mul3A_281 : vector<16xf32>
        %add3A_288 = arith.addf %get3A_284, %mul3A_287 : vector<16xf32>
        %swap3A_289 = arith.index_cast %scan3A_254 : i32 to index
        %swap3A_290 = arith.constant 16 : index
        %swap3A_291 = tpu.vector_load %arg14[%swap3A_289, %swap3A_290] {strides = array<i32>} : memref<64x32xf32, #tpu.memory_space<vmem>>, vector<16xf32>,
        tpu.vector_store %arg14[%swap3A_289, %swap3A_290], %add3A_288 {strides = array<i32>} : memref<64x32xf32, #tpu.memory_space<vmem>>, vector<16xf32>,
        %mul3A_292 = arith.mulf %get3A_280, %mul3A_281 : vector<16xf32>
        %swap3A_293 = arith.index_cast %scan3A_254 : i32 to index
        %swap3A_294 = arith.constant 16 : index
        %swap3A_295 = tpu.vector_load %arg12[%swap3A_293, %swap3A_294] {strides = array<i32>} : memref<400x32xf32, #tpu.memory_space<vmem>>, vector<16xf32>,
        tpu.vector_store %arg12[%swap3A_293, %swap3A_294], %mul3A_292 {strides = array<i32>} : memref<400x32xf32, #tpu.memory_space<vmem>>, vector<16xf32>,
        %scan3A_296 = arith.constant 0 : i32
        scf.yield %scan3A_296 : i32
      }
      %scan3A_217 = arith.constant 64 : i32
      %mul3A_218 = arith.constant 32 : i32
      %mul3A_219 = arith.muli %arg0, %mul3A_218 : i32
      %dma_start3A_220 = tpu.memref_slice %arg4[%add3A_164, %mul3A_219] : memref<50176x64xf32, #tpu.memory_space<hbm>> -> memref<64x32xf32, #tpu.memory_space<hbm>>
      %dma_start3A_221 = tpu.memref_slice %arg4[%add3A_164, %mul3A_219] : memref<50176x64xf32, #tpu.memory_space<hbm>> -> memref<64x32xf32, #tpu.memory_space<hbm>>
      tpu.enqueue_dma source(%arg14 : memref<64x32xf32, #tpu.memory_space<vmem>>) target(%dma_start3A_221 : memref<64x32xf32, #tpu.memory_space<hbm>>) target_semaphore(%arg16 : memref<!tpu.dma_semaphore, #tpu.memory_space<semaphore_mem>>)
      %dma_start3A_222 = arith.constant 0 : i32
      %dma_start3A_223 = arith.constant 0 : i32
      %dma_start3A_224 = tpu.memref_slice %arg12[%dma_start3A_222, %dma_start3A_223] : memref<400x32xf32, #tpu.memory_space<vmem>> -> memref<64x32xf32, #tpu.memory_space<vmem>>
      %dma_start3A_225 = arith.constant 0 : i32
      %dma_start3A_226 = tpu.memref_slice %arg5[%add3A_161, %dma_start3A_225] : memref<100352x32xf32, #tpu.memory_space<hbm>> -> memref<64x32xf32, #tpu.memory_space<hbm>>
      %dma_start3A_227 = arith.constant 0 : i32
      %dma_start3A_228 = tpu.memref_slice %arg5[%add3A_161, %dma_start3A_227] : memref<100352x32xf32, #tpu.memory_space<hbm>> -> memref<64x32xf32, #tpu.memory_space<hbm>>
      %dma_start3A_229 = arith.constant 0 : i32
      %dma_start3A_230 = arith.constant 0 : i32
      %dma_start3A_231 = tpu.memref_slice %arg12[%dma_start3A_229, %dma_start3A_230] : memref<400x32xf32, #tpu.memory_space<vmem>> -> memref<64x32xf32, #tpu.memory_space<vmem>>
      tpu.enqueue_dma source(%dma_start3A_231 : memref<64x32xf32, #tpu.memory_space<vmem>>) target(%dma_start3A_228 : memref<64x32xf32, #tpu.memory_space<hbm>>) target_semaphore(%arg15 : memref<!tpu.dma_semaphore, #tpu.memory_space<semaphore_mem>>)
      %dma_wait3A_232 = arith.constant 0 : i32
      %dma_wait3A_233 = arith.constant 0 : i32
      %dma_wait3A_234 = tpu.memref_slice %arg12[%dma_wait3A_232, %dma_wait3A_233] : memref<400x32xf32, #tpu.memory_space<vmem>> -> memref<64x32xf32, #tpu.memory_space<vmem>>
      %dma_wait3A_235 = arith.constant 0 : i32
      %dma_wait3A_236 = tpu.memref_slice %arg5[%add3A_161, %dma_wait3A_235] : memref<100352x32xf32, #tpu.memory_space<hbm>> -> memref<64x32xf32, #tpu.memory_space<hbm>>
      %dma_wait3A_237 = arith.constant 0 : i32
      %dma_wait3A_238 = tpu.memref_slice %arg5[%add3A_161, %dma_wait3A_237] : memref<100352x32xf32, #tpu.memory_space<hbm>> -> memref<64x32xf32, #tpu.memory_space<hbm>>
      %dma_wait3A_239 = arith.constant 0 : i32
      %dma_wait3A_240 = arith.constant 0 : i32
      %dma_wait3A_241 = tpu.memref_slice %arg12[%dma_wait3A_239, %dma_wait3A_240] : memref<400x32xf32, #tpu.memory_space<vmem>> -> memref<64x32xf32, #tpu.memory_space<vmem>>
      tpu.wait_dma2 semaphore(%arg15 : memref<!tpu.dma_semaphore, #tpu.memory_space<semaphore_mem>>) src(%dma_wait3A_241 : memref<64x32xf32, #tpu.memory_space<vmem>>) dst(%dma_wait3A_238 : memref<64x32xf32, #tpu.memory_space<hbm>>)
      %dma_wait3A_242 = tpu.memref_slice %arg4[%add3A_164, %mul3A_219] : memref<50176x64xf32, #tpu.memory_space<hbm>> -> memref<64x32xf32, #tpu.memory_space<hbm>>
      %dma_wait3A_243 = tpu.memref_slice %arg4[%add3A_164, %mul3A_219] : memref<50176x64xf32, #tpu.memory_space<hbm>> -> memref<64x32xf32, #tpu.memory_space<hbm>>
      tpu.wait_dma2 semaphore(%arg16 : memref<!tpu.dma_semaphore, #tpu.memory_space<semaphore_mem>>) src(%arg14 : memref<64x32xf32, #tpu.memory_space<vmem>>) dst(%dma_wait3A_243 : memref<64x32xf32, #tpu.memory_space<hbm>>)
      %broadcast_in_dim3A_244 = arith.constant 0.000000e+00 : f32
      %broadcast_in_dim3A_245 = vector.broadcast %broadcast_in_dim3A_244 : f32 to vector<16xf32>
      %scan3A_246 = arith.constant 0 : i32
      %scan3A_247 = arith.constant 0 : i32
      %scan3A_248 = arith.constant 64 : i32
      %scan3A_249 = arith.addi %scan3A_247, %scan3A_248 : i32
      %scan3A_250 = arith.constant 1 : i32
      %scan3A_251 = scf.for %scan3A_254 = %scan3A_247 to %scan3A_249 step %scan3A_250 iter_args(%scan3A_255 = %scan3A_246) -> (i32)  : i32 {
        %swap3A = arith.index_cast %scan3A_254 : i32 to index
        %swap3A_256 = arith.constant 0 : index
        %swap3A_257 = tpu.vector_load %arg14[%swap3A, %swap3A_256] {strides = array<i32>} : memref<64x32xf32, #tpu.memory_space<vmem>>, vector<16xf32>,
        tpu.vector_store %arg14[%swap3A, %swap3A_256], %broadcast_in_dim3A_245 {strides = array<i32>} : memref<64x32xf32, #tpu.memory_space<vmem>>, vector<16xf32>,
        %swap3A_258 = arith.index_cast %scan3A_254 : i32 to index
        %swap3A_259 = arith.constant 16 : index
        %swap3A_260 = tpu.vector_load %arg14[%swap3A_258, %swap3A_259] {strides = array<i32>} : memref<64x32xf32, #tpu.memory_space<vmem>>, vector<16xf32>,
        tpu.vector_store %arg14[%swap3A_258, %swap3A_259], %broadcast_in_dim3A_245 {strides = array<i32>} : memref<64x32xf32, #tpu.memory_space<vmem>>, vector<16xf32>,
        %scan3A_261 = arith.constant 0 : i32
        scf.yield %scan3A_261 : i32
      }
      %scan3A_252 = arith.constant 64 : i32
      "tpu.region"() ({
        %run_scoped3A_254 = tpu.sem_alloc : memref<!tpu.dma_semaphore, #tpu.memory_space<semaphore_mem>>
        %dma_start3A_255 = arith.constant 0 : i32
        %dma_start3A_256 = tpu.memref_slice %arg7[%add3A_164, %dma_start3A_255] : memref<50176x32xf32, #tpu.memory_space<vmem_shared>> -> memref<64x32xf32, #tpu.memory_space<vmem_shared>>
        %dma_start3A_257 = arith.constant 0 : i32
        %dma_start3A_258 = tpu.memref_slice %arg7[%add3A_164, %dma_start3A_257] : memref<50176x32xf32, #tpu.memory_space<vmem_shared>> -> memref<64x32xf32, #tpu.memory_space<vmem_shared>>
        tpu.enqueue_dma source(%arg14 : memref<64x32xf32, #tpu.memory_space<vmem>>) target(%dma_start3A_258 : memref<64x32xf32, #tpu.memory_space<vmem_shared>>) target_semaphore(%run_scoped3A_254 : memref<!tpu.dma_semaphore, #tpu.memory_space<semaphore_mem>>)
        %dma_wait3A_259 = arith.constant 0 : i32
        %dma_wait3A_260 = tpu.memref_slice %arg7[%add3A_164, %dma_wait3A_259] : memref<50176x32xf32, #tpu.memory_space<vmem_shared>> -> memref<64x32xf32, #tpu.memory_space<vmem_shared>>
        %dma_wait3A_261 = arith.constant 0 : i32
        %dma_wait3A_262 = tpu.memref_slice %arg7[%add3A_164, %dma_wait3A_261] : memref<50176x32xf32, #tpu.memory_space<vmem_shared>> -> memref<64x32xf32, #tpu.memory_space<vmem_shared>>
        tpu.wait_dma2 semaphore(%run_scoped3A_254 : memref<!tpu.dma_semaphore, #tpu.memory_space<semaphore_mem>>) src(%arg14 : memref<64x32xf32, #tpu.memory_space<vmem>>) dst(%dma_wait3A_262 : memref<64x32xf32, #tpu.memory_space<vmem_shared>>)
        tpu.yield
      }) : () -> ()
      %scan3A_253 = arith.constant 0 : i32
      scf.yield %scan3A_253 : i32
    }
    %scan3A_88 = arith.constant 49 : i32
    %barrier3A_89 = arith.constant 0 : index
    tpu.barrier barrier_id(%barrier3A_89)
    "tpu.trace_stop"() : () -> ()
    "tpu.trace_start"() <{level = 10 : i32, message = "ph_edge1"}> : () -> ()
    %scan3A_90 = arith.constant 0 : i32
    %scan3A_91 = arith.constant 0 : i32
    %scan3A_92 = arith.constant 62 : i32
    %scan3A_93 = arith.addi %scan3A_91, %scan3A_92 : i32
    %scan3A_94 = arith.constant 1 : i32
    %scan3A_95 = scf.for %scan3A_157 = %scan3A_91 to %scan3A_93 step %scan3A_94 iter_args(%scan3A_158 = %scan3A_90) -> (i32)  : i32 {
      %mul3A_159 = arith.constant 50000 : i32
      %mul3A_160 = arith.muli %arg1, %mul3A_159 : i32
      %mul3A_161 = arith.constant 2 : i32
      %mul3A_162 = arith.muli %mul3A_161, %scan3A_157 : i32
      %mul3A_163 = arith.constant 400 : i32
      %mul3A_164 = arith.muli %mul3A_162, %mul3A_163 : i32
      %add3A_165 = arith.addi %mul3A_160, %mul3A_164 : i32
      %dma_start3A_166 = arith.constant 1 : i32
      %dma_start3A_167 = tpu.memref_slice %arg3[%dma_start3A_166, %add3A_165] : memref<2x800000xi32, #tpu.memory_space<hbm>> -> memref<1x400xi32, #tpu.memory_space<hbm>>
      %dma_start3A_168 = tpu.memref_squeeze %dma_start3A_167 : memref<1x400xi32, #tpu.memory_space<hbm>> -> memref<400xi32, #tpu.memory_space<hbm>>
      %dma_start3A_169 = tpu.memref_slice %arg3[%dma_start3A_166, %add3A_165] : memref<2x800000xi32, #tpu.memory_space<hbm>> -> memref<1x400xi32, #tpu.memory_space<hbm>>
      %dma_start3A_170 = tpu.memref_squeeze %dma_start3A_169 : memref<1x400xi32, #tpu.memory_space<hbm>> -> memref<400xi32, #tpu.memory_space<hbm>>
      tpu.enqueue_dma source(%dma_start3A_170 : memref<400xi32, #tpu.memory_space<hbm>>) target(%arg10 : memref<400xi32, #tpu.memory_space<vmem>>) target_semaphore(%arg17 : memref<!tpu.dma_semaphore, #tpu.memory_space<semaphore_mem>>)
      %add3A_171 = arith.constant 400 : i32
      %add3A_172 = arith.addi %add3A_165, %add3A_171 : i32
      %dma_start3A_173 = arith.constant 1 : i32
      %dma_start3A_174 = tpu.memref_slice %arg3[%dma_start3A_173, %add3A_172] : memref<2x800000xi32, #tpu.memory_space<hbm>> -> memref<1x400xi32, #tpu.memory_space<hbm>>
      %dma_start3A_175 = tpu.memref_squeeze %dma_start3A_174 : memref<1x400xi32, #tpu.memory_space<hbm>> -> memref<400xi32, #tpu.memory_space<hbm>>
      %dma_start3A_176 = tpu.memref_slice %arg3[%dma_start3A_173, %add3A_172] : memref<2x800000xi32, #tpu.memory_space<hbm>> -> memref<1x400xi32, #tpu.memory_space<hbm>>
      %dma_start3A_177 = tpu.memref_squeeze %dma_start3A_176 : memref<1x400xi32, #tpu.memory_space<hbm>> -> memref<400xi32, #tpu.memory_space<hbm>>
      tpu.enqueue_dma source(%dma_start3A_177 : memref<400xi32, #tpu.memory_space<hbm>>) target(%arg11 : memref<400xi32, #tpu.memory_space<vmem>>) target_semaphore(%arg18 : memref<!tpu.dma_semaphore, #tpu.memory_space<semaphore_mem>>)
      %dma_start3A_178 = arith.constant 0 : i32
      %dma_start3A_179 = tpu.memref_slice %arg3[%dma_start3A_178, %add3A_165] : memref<2x800000xi32, #tpu.memory_space<hbm>> -> memref<1x400xi32, #tpu.memory_space<hbm>>
      %dma_start3A_180 = tpu.memref_squeeze %dma_start3A_179 : memref<1x400xi32, #tpu.memory_space<hbm>> -> memref<400xi32, #tpu.memory_space<hbm>>
      %dma_start3A_181 = tpu.memref_slice %arg3[%dma_start3A_178, %add3A_165] : memref<2x800000xi32, #tpu.memory_space<hbm>> -> memref<1x400xi32, #tpu.memory_space<hbm>>
      %dma_start3A_182 = tpu.memref_squeeze %dma_start3A_181 : memref<1x400xi32, #tpu.memory_space<hbm>> -> memref<400xi32, #tpu.memory_space<hbm>>
      tpu.enqueue_dma source(%dma_start3A_182 : memref<400xi32, #tpu.memory_space<hbm>>) target(%arg8 : memref<400xi32, #tpu.memory_space<vmem>>) target_semaphore(%arg15 : memref<!tpu.dma_semaphore, #tpu.memory_space<semaphore_mem>>)
      %add3A_183 = arith.constant 400 : i32
      %add3A_184 = arith.addi %add3A_165, %add3A_183 : i32
      %dma_start3A_185 = arith.constant 0 : i32
      %dma_start3A_186 = tpu.memref_slice %arg3[%dma_start3A_185, %add3A_184] : memref<2x800000xi32, #tpu.memory_space<hbm>> -> memref<1x400xi32, #tpu.memory_space<hbm>>
      %dma_start3A_187 = tpu.memref_squeeze %dma_start3A_186 : memref<1x400xi32, #tpu.memory_space<hbm>> -> memref<400xi32, #tpu.memory_space<hbm>>
      %dma_start3A_188 = tpu.memref_slice %arg3[%dma_start3A_185, %add3A_184] : memref<2x800000xi32, #tpu.memory_space<hbm>> -> memref<1x400xi32, #tpu.memory_space<hbm>>
      %dma_start3A_189 = tpu.memref_squeeze %dma_start3A_188 : memref<1x400xi32, #tpu.memory_space<hbm>> -> memref<400xi32, #tpu.memory_space<hbm>>
      tpu.enqueue_dma source(%dma_start3A_189 : memref<400xi32, #tpu.memory_space<hbm>>) target(%arg9 : memref<400xi32, #tpu.memory_space<vmem>>) target_semaphore(%arg16 : memref<!tpu.dma_semaphore, #tpu.memory_space<semaphore_mem>>)
      %dma_wait3A_190 = arith.constant 1 : i32
      %dma_wait3A_191 = tpu.memref_slice %arg3[%dma_wait3A_190, %add3A_165] : memref<2x800000xi32, #tpu.memory_space<hbm>> -> memref<1x400xi32, #tpu.memory_space<hbm>>
      %dma_wait3A_192 = tpu.memref_squeeze %dma_wait3A_191 : memref<1x400xi32, #tpu.memory_space<hbm>> -> memref<400xi32, #tpu.memory_space<hbm>>
      %dma_wait3A_193 = tpu.memref_slice %arg3[%dma_wait3A_190, %add3A_165] : memref<2x800000xi32, #tpu.memory_space<hbm>> -> memref<1x400xi32, #tpu.memory_space<hbm>>
      %dma_wait3A_194 = tpu.memref_squeeze %dma_wait3A_193 : memref<1x400xi32, #tpu.memory_space<hbm>> -> memref<400xi32, #tpu.memory_space<hbm>>
      tpu.wait_dma2 semaphore(%arg17 : memref<!tpu.dma_semaphore, #tpu.memory_space<semaphore_mem>>) src(%dma_wait3A_194 : memref<400xi32, #tpu.memory_space<hbm>>) dst(%arg10 : memref<400xi32, #tpu.memory_space<vmem>>)
      %mul3A_195 = arith.constant 50176 : i32
      %mul3A_196 = arith.muli %arg0, %mul3A_195 : i32
      %dma_start3A_197 = arith.constant 0 : i32
      %dma_start3A_198 = tpu.memref_slice %arg5[%mul3A_196, %dma_start3A_197] : memref<100352x32xf32, #tpu.memory_space<hbm>> -> memref<50176x32xf32, #tpu.memory_space<hbm>>
      %dma_start3A_199 = arith.constant 0 : i32
      %dma_start3A_200 = arith.constant 0 : i32
      %dma_start3A_201 = tpu.memref_slice %dma_start3A_198[%dma_start3A_199, %dma_start3A_200] : memref<50176x32xf32, #tpu.memory_space<hbm>> -> memref<50176x32xf32, #tpu.memory_space<hbm>>
      tpu.enqueue_indirect_dma source(%dma_start3A_201 : memref<50176x32xf32, #tpu.memory_space<hbm>>) target(%arg12 : memref<400x32xf32, #tpu.memory_space<vmem>>) offsets(%arg10 : memref<400xi32, #tpu.memory_space<vmem>>) semaphore(%arg19 : memref<!tpu.dma_semaphore, #tpu.memory_space<semaphore_mem>>)
      %dma_wait3A_202 = arith.constant 1 : i32
      %dma_wait3A_203 = tpu.memref_slice %arg3[%dma_wait3A_202, %add3A_172] : memref<2x800000xi32, #tpu.memory_space<hbm>> -> memref<1x400xi32, #tpu.memory_space<hbm>>
      %dma_wait3A_204 = tpu.memref_squeeze %dma_wait3A_203 : memref<1x400xi32, #tpu.memory_space<hbm>> -> memref<400xi32, #tpu.memory_space<hbm>>
      %dma_wait3A_205 = tpu.memref_slice %arg3[%dma_wait3A_202, %add3A_172] : memref<2x800000xi32, #tpu.memory_space<hbm>> -> memref<1x400xi32, #tpu.memory_space<hbm>>
      %dma_wait3A_206 = tpu.memref_squeeze %dma_wait3A_205 : memref<1x400xi32, #tpu.memory_space<hbm>> -> memref<400xi32, #tpu.memory_space<hbm>>
      tpu.wait_dma2 semaphore(%arg18 : memref<!tpu.dma_semaphore, #tpu.memory_space<semaphore_mem>>) src(%dma_wait3A_206 : memref<400xi32, #tpu.memory_space<hbm>>) dst(%arg11 : memref<400xi32, #tpu.memory_space<vmem>>)
      %mul3A_207 = arith.constant 50176 : i32
      %mul3A_208 = arith.muli %arg0, %mul3A_207 : i32
      %dma_start3A_209 = arith.constant 0 : i32
      %dma_start3A_210 = tpu.memref_slice %arg5[%mul3A_208, %dma_start3A_209] : memref<100352x32xf32, #tpu.memory_space<hbm>> -> memref<50176x32xf32, #tpu.memory_space<hbm>>
      %dma_start3A_211 = arith.constant 0 : i32
      %dma_start3A_212 = arith.constant 0 : i32
      %dma_start3A_213 = tpu.memref_slice %dma_start3A_210[%dma_start3A_211, %dma_start3A_212] : memref<50176x32xf32, #tpu.memory_space<hbm>> -> memref<50176x32xf32, #tpu.memory_space<hbm>>
      tpu.enqueue_indirect_dma source(%dma_start3A_213 : memref<50176x32xf32, #tpu.memory_space<hbm>>) target(%arg13 : memref<400x32xf32, #tpu.memory_space<vmem>>) offsets(%arg11 : memref<400xi32, #tpu.memory_space<vmem>>) semaphore(%arg20 : memref<!tpu.dma_semaphore, #tpu.memory_space<semaphore_mem>>)
      %dma_wait3A_214 = arith.constant 0 : i32
      %dma_wait3A_215 = tpu.memref_slice %arg5[%mul3A_196, %dma_wait3A_214] : memref<100352x32xf32, #tpu.memory_space<hbm>> -> memref<50176x32xf32, #tpu.memory_space<hbm>>
      %dma_wait3A_216 = arith.constant 0 : i32
      %dma_wait3A_217 = arith.constant 0 : i32
      %dma_wait3A_218 = tpu.memref_slice %dma_wait3A_215[%dma_wait3A_216, %dma_wait3A_217] : memref<50176x32xf32, #tpu.memory_space<hbm>> -> memref<50176x32xf32, #tpu.memory_space<hbm>>
      tpu.wait_indirect_dma semaphore(%arg19 : memref<!tpu.dma_semaphore, #tpu.memory_space<semaphore_mem>>) src(%dma_wait3A_218 : memref<50176x32xf32, #tpu.memory_space<hbm>>) dst(%arg12 : memref<400x32xf32, #tpu.memory_space<vmem>>)
      %dma_wait3A_219 = arith.constant 0 : i32
      %dma_wait3A_220 = tpu.memref_slice %arg3[%dma_wait3A_219, %add3A_165] : memref<2x800000xi32, #tpu.memory_space<hbm>> -> memref<1x400xi32, #tpu.memory_space<hbm>>
      %dma_wait3A_221 = tpu.memref_squeeze %dma_wait3A_220 : memref<1x400xi32, #tpu.memory_space<hbm>> -> memref<400xi32, #tpu.memory_space<hbm>>
      %dma_wait3A_222 = tpu.memref_slice %arg3[%dma_wait3A_219, %add3A_165] : memref<2x800000xi32, #tpu.memory_space<hbm>> -> memref<1x400xi32, #tpu.memory_space<hbm>>
      %dma_wait3A_223 = tpu.memref_squeeze %dma_wait3A_222 : memref<1x400xi32, #tpu.memory_space<hbm>> -> memref<400xi32, #tpu.memory_space<hbm>>
      tpu.wait_dma2 semaphore(%arg15 : memref<!tpu.dma_semaphore, #tpu.memory_space<semaphore_mem>>) src(%dma_wait3A_223 : memref<400xi32, #tpu.memory_space<hbm>>) dst(%arg8 : memref<400xi32, #tpu.memory_space<vmem>>)
      %dma_start3A_224 = arith.constant 0 : i32
      %dma_start3A_225 = arith.constant 0 : i32
      %dma_start3A_226 = tpu.memref_slice %arg7[%dma_start3A_224, %dma_start3A_225] : memref<50176x32xf32, #tpu.memory_space<vmem_shared>> -> memref<50176x32xf32, #tpu.memory_space<vmem_shared>>
      tpu.enqueue_indirect_dma source(%arg12 : memref<400x32xf32, #tpu.memory_space<vmem>>) target(%dma_start3A_226 : memref<50176x32xf32, #tpu.memory_space<vmem_shared>>) offsets(%arg8 : memref<400xi32, #tpu.memory_space<vmem>>) semaphore(%arg21 : memref<!tpu.dma_semaphore, #tpu.memory_space<semaphore_mem>>) {add = true}
      %dma_wait3A_227 = arith.constant 0 : i32
      %dma_wait3A_228 = tpu.memref_slice %arg5[%mul3A_208, %dma_wait3A_227] : memref<100352x32xf32, #tpu.memory_space<hbm>> -> memref<50176x32xf32, #tpu.memory_space<hbm>>
      %dma_wait3A_229 = arith.constant 0 : i32
      %dma_wait3A_230 = arith.constant 0 : i32
      %dma_wait3A_231 = tpu.memref_slice %dma_wait3A_228[%dma_wait3A_229, %dma_wait3A_230] : memref<50176x32xf32, #tpu.memory_space<hbm>> -> memref<50176x32xf32, #tpu.memory_space<hbm>>
      tpu.wait_indirect_dma semaphore(%arg20 : memref<!tpu.dma_semaphore, #tpu.memory_space<semaphore_mem>>) src(%dma_wait3A_231 : memref<50176x32xf32, #tpu.memory_space<hbm>>) dst(%arg13 : memref<400x32xf32, #tpu.memory_space<vmem>>)
      %dma_wait3A_232 = arith.constant 0 : i32
      %dma_wait3A_233 = tpu.memref_slice %arg3[%dma_wait3A_232, %add3A_184] : memref<2x800000xi32, #tpu.memory_space<hbm>> -> memref<1x400xi32, #tpu.memory_space<hbm>>
      %dma_wait3A_234 = tpu.memref_squeeze %dma_wait3A_233 : memref<1x400xi32, #tpu.memory_space<hbm>> -> memref<400xi32, #tpu.memory_space<hbm>>
      %dma_wait3A_235 = tpu.memref_slice %arg3[%dma_wait3A_232, %add3A_184] : memref<2x800000xi32, #tpu.memory_space<hbm>> -> memref<1x400xi32, #tpu.memory_space<hbm>>
      %dma_wait3A_236 = tpu.memref_squeeze %dma_wait3A_235 : memref<1x400xi32, #tpu.memory_space<hbm>> -> memref<400xi32, #tpu.memory_space<hbm>>
      tpu.wait_dma2 semaphore(%arg16 : memref<!tpu.dma_semaphore, #tpu.memory_space<semaphore_mem>>) src(%dma_wait3A_236 : memref<400xi32, #tpu.memory_space<hbm>>) dst(%arg9 : memref<400xi32, #tpu.memory_space<vmem>>)
      %dma_start3A_237 = arith.constant 0 : i32
      %dma_start3A_238 = arith.constant 0 : i32
      %dma_start3A_239 = tpu.memref_slice %arg7[%dma_start3A_237, %dma_start3A_238] : memref<50176x32xf32, #tpu.memory_space<vmem_shared>> -> memref<50176x32xf32, #tpu.memory_space<vmem_shared>>
      tpu.enqueue_indirect_dma source(%arg13 : memref<400x32xf32, #tpu.memory_space<vmem>>) target(%dma_start3A_239 : memref<50176x32xf32, #tpu.memory_space<vmem_shared>>) offsets(%arg9 : memref<400xi32, #tpu.memory_space<vmem>>) semaphore(%arg22 : memref<!tpu.dma_semaphore, #tpu.memory_space<semaphore_mem>>) {add = true}
      %dma_wait3A_240 = arith.constant 0 : i32
      %dma_wait3A_241 = arith.constant 0 : i32
      %dma_wait3A_242 = tpu.memref_slice %arg7[%dma_wait3A_240, %dma_wait3A_241] : memref<50176x32xf32, #tpu.memory_space<vmem_shared>> -> memref<50176x32xf32, #tpu.memory_space<vmem_shared>>
      tpu.wait_indirect_dma semaphore(%arg21 : memref<!tpu.dma_semaphore, #tpu.memory_space<semaphore_mem>>) src(%arg12 : memref<400x32xf32, #tpu.memory_space<vmem>>) dst(%dma_wait3A_242 : memref<50176x32xf32, #tpu.memory_space<vmem_shared>>)
      %dma_wait3A_243 = arith.constant 0 : i32
      %dma_wait3A_244 = arith.constant 0 : i32
      %dma_wait3A_245 = tpu.memref_slice %arg7[%dma_wait3A_243, %dma_wait3A_244] : memref<50176x32xf32, #tpu.memory_space<vmem_shared>> -> memref<50176x32xf32, #tpu.memory_space<vmem_shared>>
      tpu.wait_indirect_dma semaphore(%arg22 : memref<!tpu.dma_semaphore, #tpu.memory_space<semaphore_mem>>) src(%arg13 : memref<400x32xf32, #tpu.memory_space<vmem>>) dst(%dma_wait3A_245 : memref<50176x32xf32, #tpu.memory_space<vmem_shared>>)
      %scan3A_246 = arith.constant 0 : i32
      scf.yield %scan3A_246 : i32
    }
    %scan3A_96 = arith.constant 62 : i32
    %mul3A_97 = arith.constant 50000 : i32
    %mul3A_98 = arith.muli %arg1, %mul3A_97 : i32
    %add3A_99 = arith.constant 49600 : i32
    %add3A_100 = arith.addi %mul3A_98, %add3A_99 : i32
    %run_scoped3A_101 = arith.constant 1 : i32
    "tpu.region"() ({
      %run_scoped3A_157 = tpu.sem_alloc : memref<!tpu.dma_semaphore, #tpu.memory_space<semaphore_mem>>
      %dma_start3A_158 = tpu.memref_slice %arg3[%run_scoped3A_101, %add3A_100] : memref<2x800000xi32, #tpu.memory_space<hbm>> -> memref<1x400xi32, #tpu.memory_space<hbm>>
      %dma_start3A_159 = tpu.memref_squeeze %dma_start3A_158 : memref<1x400xi32, #tpu.memory_space<hbm>> -> memref<400xi32, #tpu.memory_space<hbm>>
      %dma_start3A_160 = tpu.memref_slice %arg3[%run_scoped3A_101, %add3A_100] : memref<2x800000xi32, #tpu.memory_space<hbm>> -> memref<1x400xi32, #tpu.memory_space<hbm>>
      %dma_start3A_161 = tpu.memref_squeeze %dma_start3A_160 : memref<1x400xi32, #tpu.memory_space<hbm>> -> memref<400xi32, #tpu.memory_space<hbm>>
      tpu.enqueue_dma source(%dma_start3A_161 : memref<400xi32, #tpu.memory_space<hbm>>) target(%arg10 : memref<400xi32, #tpu.memory_space<vmem>>) target_semaphore(%run_scoped3A_157 : memref<!tpu.dma_semaphore, #tpu.memory_space<semaphore_mem>>)
      %dma_wait3A_162 = tpu.memref_slice %arg3[%run_scoped3A_101, %add3A_100] : memref<2x800000xi32, #tpu.memory_space<hbm>> -> memref<1x400xi32, #tpu.memory_space<hbm>>
      %dma_wait3A_163 = tpu.memref_squeeze %dma_wait3A_162 : memref<1x400xi32, #tpu.memory_space<hbm>> -> memref<400xi32, #tpu.memory_space<hbm>>
      %dma_wait3A_164 = tpu.memref_slice %arg3[%run_scoped3A_101, %add3A_100] : memref<2x800000xi32, #tpu.memory_space<hbm>> -> memref<1x400xi32, #tpu.memory_space<hbm>>
      %dma_wait3A_165 = tpu.memref_squeeze %dma_wait3A_164 : memref<1x400xi32, #tpu.memory_space<hbm>> -> memref<400xi32, #tpu.memory_space<hbm>>
      tpu.wait_dma2 semaphore(%run_scoped3A_157 : memref<!tpu.dma_semaphore, #tpu.memory_space<semaphore_mem>>) src(%dma_wait3A_165 : memref<400xi32, #tpu.memory_space<hbm>>) dst(%arg10 : memref<400xi32, #tpu.memory_space<vmem>>)
      tpu.yield
    }) : () -> ()
    %mul3A_102 = arith.constant 50176 : i32
    %mul3A_103 = arith.muli %arg0, %mul3A_102 : i32
    %dma_start3A_104 = arith.constant 0 : i32
    %dma_start3A_105 = tpu.memref_slice %arg5[%mul3A_103, %dma_start3A_104] : memref<100352x32xf32, #tpu.memory_space<hbm>> -> memref<50176x32xf32, #tpu.memory_space<hbm>>
    %dma_start3A_106 = arith.constant 0 : i32
    %dma_start3A_107 = arith.constant 0 : i32
    %dma_start3A_108 = tpu.memref_slice %dma_start3A_105[%dma_start3A_106, %dma_start3A_107] : memref<50176x32xf32, #tpu.memory_space<hbm>> -> memref<50176x32xf32, #tpu.memory_space<hbm>>
    tpu.enqueue_indirect_dma source(%dma_start3A_108 : memref<50176x32xf32, #tpu.memory_space<hbm>>) target(%arg12 : memref<400x32xf32, #tpu.memory_space<vmem>>) offsets(%arg10 : memref<400xi32, #tpu.memory_space<vmem>>) semaphore(%arg19 : memref<!tpu.dma_semaphore, #tpu.memory_space<semaphore_mem>>)
    %dma_wait3A_109 = arith.constant 0 : i32
    %dma_wait3A_110 = tpu.memref_slice %arg5[%mul3A_103, %dma_wait3A_109] : memref<100352x32xf32, #tpu.memory_space<hbm>> -> memref<50176x32xf32, #tpu.memory_space<hbm>>
    %dma_wait3A_111 = arith.constant 0 : i32
    %dma_wait3A_112 = arith.constant 0 : i32
    %dma_wait3A_113 = tpu.memref_slice %dma_wait3A_110[%dma_wait3A_111, %dma_wait3A_112] : memref<50176x32xf32, #tpu.memory_space<hbm>> -> memref<50176x32xf32, #tpu.memory_space<hbm>>
    tpu.wait_indirect_dma semaphore(%arg19 : memref<!tpu.dma_semaphore, #tpu.memory_space<semaphore_mem>>) src(%dma_wait3A_113 : memref<50176x32xf32, #tpu.memory_space<hbm>>) dst(%arg12 : memref<400x32xf32, #tpu.memory_space<vmem>>)
    %run_scoped3A_114 = arith.constant 0 : i32
    "tpu.region"() ({
      %run_scoped3A_157 = tpu.sem_alloc : memref<!tpu.dma_semaphore, #tpu.memory_space<semaphore_mem>>
      %dma_start3A_158 = tpu.memref_slice %arg3[%run_scoped3A_114, %add3A_100] : memref<2x800000xi32, #tpu.memory_space<hbm>> -> memref<1x400xi32, #tpu.memory_space<hbm>>
      %dma_start3A_159 = tpu.memref_squeeze %dma_start3A_158 : memref<1x400xi32, #tpu.memory_space<hbm>> -> memref<400xi32, #tpu.memory_space<hbm>>
      %dma_start3A_160 = tpu.memref_slice %arg3[%run_scoped3A_114, %add3A_100] : memref<2x800000xi32, #tpu.memory_space<hbm>> -> memref<1x400xi32, #tpu.memory_space<hbm>>
      %dma_start3A_161 = tpu.memref_squeeze %dma_start3A_160 : memref<1x400xi32, #tpu.memory_space<hbm>> -> memref<400xi32, #tpu.memory_space<hbm>>
      tpu.enqueue_dma source(%dma_start3A_161 : memref<400xi32, #tpu.memory_space<hbm>>) target(%arg8 : memref<400xi32, #tpu.memory_space<vmem>>) target_semaphore(%run_scoped3A_157 : memref<!tpu.dma_semaphore, #tpu.memory_space<semaphore_mem>>)
      %dma_wait3A_162 = tpu.memref_slice %arg3[%run_scoped3A_114, %add3A_100] : memref<2x800000xi32, #tpu.memory_space<hbm>> -> memref<1x400xi32, #tpu.memory_space<hbm>>
      %dma_wait3A_163 = tpu.memref_squeeze %dma_wait3A_162 : memref<1x400xi32, #tpu.memory_space<hbm>> -> memref<400xi32, #tpu.memory_space<hbm>>
      %dma_wait3A_164 = tpu.memref_slice %arg3[%run_scoped3A_114, %add3A_100] : memref<2x800000xi32, #tpu.memory_space<hbm>> -> memref<1x400xi32, #tpu.memory_space<hbm>>
      %dma_wait3A_165 = tpu.memref_squeeze %dma_wait3A_164 : memref<1x400xi32, #tpu.memory_space<hbm>> -> memref<400xi32, #tpu.memory_space<hbm>>
      tpu.wait_dma2 semaphore(%run_scoped3A_157 : memref<!tpu.dma_semaphore, #tpu.memory_space<semaphore_mem>>) src(%dma_wait3A_165 : memref<400xi32, #tpu.memory_space<hbm>>) dst(%arg8 : memref<400xi32, #tpu.memory_space<vmem>>)
      tpu.yield
    }) : () -> ()
    "tpu.region"() ({
      %run_scoped3A_157 = tpu.sem_alloc : memref<!tpu.dma_semaphore, #tpu.memory_space<semaphore_mem>>
      %dma_start3A_158 = arith.constant 0 : i32
      %dma_start3A_159 = arith.constant 0 : i32
      %dma_start3A_160 = tpu.memref_slice %arg7[%dma_start3A_158, %dma_start3A_159] : memref<50176x32xf32, #tpu.memory_space<vmem_shared>> -> memref<50176x32xf32, #tpu.memory_space<vmem_shared>>
      tpu.enqueue_indirect_dma source(%arg12 : memref<400x32xf32, #tpu.memory_space<vmem>>) target(%dma_start3A_160 : memref<50176x32xf32, #tpu.memory_space<vmem_shared>>) offsets(%arg8 : memref<400xi32, #tpu.memory_space<vmem>>) semaphore(%run_scoped3A_157 : memref<!tpu.dma_semaphore, #tpu.memory_space<semaphore_mem>>) {add = true}
      %dma_wait3A_161 = arith.constant 0 : i32
      %dma_wait3A_162 = arith.constant 0 : i32
      %dma_wait3A_163 = tpu.memref_slice %arg7[%dma_wait3A_161, %dma_wait3A_162] : memref<50176x32xf32, #tpu.memory_space<vmem_shared>> -> memref<50176x32xf32, #tpu.memory_space<vmem_shared>>
      tpu.wait_indirect_dma semaphore(%run_scoped3A_157 : memref<!tpu.dma_semaphore, #tpu.memory_space<semaphore_mem>>) src(%arg12 : memref<400x32xf32, #tpu.memory_space<vmem>>) dst(%dma_wait3A_163 : memref<50176x32xf32, #tpu.memory_space<vmem_shared>>)
      tpu.yield
    }) : () -> ()
    %barrier3A_115 = arith.constant 0 : index
    tpu.barrier barrier_id(%barrier3A_115)
    "tpu.trace_stop"() : () -> ()
    "tpu.trace_start"() <{level = 10 : i32, message = "ph_dense1"}> : () -> ()
    %scan3A_116 = arith.constant 0 : i32
    %scan3A_117 = arith.constant 0 : i32
    %scan3A_118 = arith.constant 49 : i32
    %scan3A_119 = arith.addi %scan3A_117, %scan3A_118 : i32
    %scan3A_120 = arith.constant 1 : i32
    %scan3A_121 = scf.for %scan3A_157 = %scan3A_117 to %scan3A_119 step %scan3A_120 iter_args(%scan3A_158 = %scan3A_116) -> (i32)  : i32 {
      %mul3A_159 = arith.constant 64 : i32
      %mul3A_160 = arith.muli %scan3A_157, %mul3A_159 : i32
      %add3A_161 = arith.addi %add3A, %mul3A_160 : i32
      %mul3A_162 = arith.constant 64 : i32
      %mul3A_163 = arith.muli %scan3A_157, %mul3A_162 : i32
      %add3A_164 = arith.addi %mul3A_0, %mul3A_163 : i32
      %dma_start3A_165 = arith.constant 0 : i32
      %dma_start3A_166 = arith.constant 0 : i32
      %dma_start3A_167 = tpu.memref_slice %arg12[%dma_start3A_165, %dma_start3A_166] : memref<400x32xf32, #tpu.memory_space<vmem>> -> memref<64x32xf32, #tpu.memory_space<vmem>>
      %dma_start3A_168 = arith.constant 0 : i32
      %dma_start3A_169 = tpu.memref_slice %arg7[%add3A_164, %dma_start3A_168] : memref<50176x32xf32, #tpu.memory_space<vmem_shared>> -> memref<64x32xf32, #tpu.memory_space<vmem_shared>>
      %dma_start3A_170 = arith.constant 0 : i32
      %dma_start3A_171 = arith.constant 0 : i32
      %dma_start3A_172 = tpu.memref_slice %arg12[%dma_start3A_170, %dma_start3A_171] : memref<400x32xf32, #tpu.memory_space<vmem>> -> memref<64x32xf32, #tpu.memory_space<vmem>>
      %dma_start3A_173 = arith.constant 0 : i32
      %dma_start3A_174 = tpu.memref_slice %arg7[%add3A_164, %dma_start3A_173] : memref<50176x32xf32, #tpu.memory_space<vmem_shared>> -> memref<64x32xf32, #tpu.memory_space<vmem_shared>>
      tpu.enqueue_dma source(%dma_start3A_174 : memref<64x32xf32, #tpu.memory_space<vmem_shared>>) target(%dma_start3A_172 : memref<64x32xf32, #tpu.memory_space<vmem>>) target_semaphore(%arg15 : memref<!tpu.dma_semaphore, #tpu.memory_space<semaphore_mem>>)
      %mul3A_175 = arith.constant 32 : i32
      %mul3A_176 = arith.muli %arg0, %mul3A_175 : i32
      %dma_start3A_177 = tpu.memref_slice %arg4[%add3A_164, %mul3A_176] : memref<50176x64xf32, #tpu.memory_space<hbm>> -> memref<64x32xf32, #tpu.memory_space<hbm>>
      %dma_start3A_178 = tpu.memref_slice %arg4[%add3A_164, %mul3A_176] : memref<50176x64xf32, #tpu.memory_space<hbm>> -> memref<64x32xf32, #tpu.memory_space<hbm>>
      tpu.enqueue_dma source(%dma_start3A_178 : memref<64x32xf32, #tpu.memory_space<hbm>>) target(%arg14 : memref<64x32xf32, #tpu.memory_space<vmem>>) target_semaphore(%arg16 : memref<!tpu.dma_semaphore, #tpu.memory_space<semaphore_mem>>)
      %dma_start3A_179 = arith.constant 0 : i32
      %dma_start3A_180 = arith.constant 0 : i32
      %dma_start3A_181 = tpu.memref_slice %arg13[%dma_start3A_179, %dma_start3A_180] : memref<400x32xf32, #tpu.memory_space<vmem>> -> memref<64x32xf32, #tpu.memory_space<vmem>>
      %dma_start3A_182 = arith.constant 0 : i32
      %dma_start3A_183 = tpu.memref_slice %arg6[%add3A_161, %dma_start3A_182] : memref<100352x32xf32, #tpu.memory_space<hbm>> -> memref<64x32xf32, #tpu.memory_space<hbm>>
      %dma_start3A_184 = arith.constant 0 : i32
      %dma_start3A_185 = arith.constant 0 : i32
      %dma_start3A_186 = tpu.memref_slice %arg13[%dma_start3A_184, %dma_start3A_185] : memref<400x32xf32, #tpu.memory_space<vmem>> -> memref<64x32xf32, #tpu.memory_space<vmem>>
      %dma_start3A_187 = arith.constant 0 : i32
      %dma_start3A_188 = tpu.memref_slice %arg6[%add3A_161, %dma_start3A_187] : memref<100352x32xf32, #tpu.memory_space<hbm>> -> memref<64x32xf32, #tpu.memory_space<hbm>>
      tpu.enqueue_dma source(%dma_start3A_188 : memref<64x32xf32, #tpu.memory_space<hbm>>) target(%dma_start3A_186 : memref<64x32xf32, #tpu.memory_space<vmem>>) target_semaphore(%arg17 : memref<!tpu.dma_semaphore, #tpu.memory_space<semaphore_mem>>)
      %dma_wait3A_189 = arith.constant 0 : i32
      %dma_wait3A_190 = arith.constant 0 : i32
      %dma_wait3A_191 = tpu.memref_slice %arg12[%dma_wait3A_189, %dma_wait3A_190] : memref<400x32xf32, #tpu.memory_space<vmem>> -> memref<64x32xf32, #tpu.memory_space<vmem>>
      %dma_wait3A_192 = arith.constant 0 : i32
      %dma_wait3A_193 = tpu.memref_slice %arg7[%add3A_164, %dma_wait3A_192] : memref<50176x32xf32, #tpu.memory_space<vmem_shared>> -> memref<64x32xf32, #tpu.memory_space<vmem_shared>>
      %dma_wait3A_194 = arith.constant 0 : i32
      %dma_wait3A_195 = arith.constant 0 : i32
      %dma_wait3A_196 = tpu.memref_slice %arg12[%dma_wait3A_194, %dma_wait3A_195] : memref<400x32xf32, #tpu.memory_space<vmem>> -> memref<64x32xf32, #tpu.memory_space<vmem>>
      %dma_wait3A_197 = arith.constant 0 : i32
      %dma_wait3A_198 = tpu.memref_slice %arg7[%add3A_164, %dma_wait3A_197] : memref<50176x32xf32, #tpu.memory_space<vmem_shared>> -> memref<64x32xf32, #tpu.memory_space<vmem_shared>>
      tpu.wait_dma2 semaphore(%arg15 : memref<!tpu.dma_semaphore, #tpu.memory_space<semaphore_mem>>) src(%dma_wait3A_198 : memref<64x32xf32, #tpu.memory_space<vmem_shared>>) dst(%dma_wait3A_196 : memref<64x32xf32, #tpu.memory_space<vmem>>)
      %dma_wait3A_199 = tpu.memref_slice %arg4[%add3A_164, %mul3A_176] : memref<50176x64xf32, #tpu.memory_space<hbm>> -> memref<64x32xf32, #tpu.memory_space<hbm>>
      %dma_wait3A_200 = tpu.memref_slice %arg4[%add3A_164, %mul3A_176] : memref<50176x64xf32, #tpu.memory_space<hbm>> -> memref<64x32xf32, #tpu.memory_space<hbm>>
      tpu.wait_dma2 semaphore(%arg16 : memref<!tpu.dma_semaphore, #tpu.memory_space<semaphore_mem>>) src(%dma_wait3A_200 : memref<64x32xf32, #tpu.memory_space<hbm>>) dst(%arg14 : memref<64x32xf32, #tpu.memory_space<vmem>>)
      %dma_wait3A_201 = arith.constant 0 : i32
      %dma_wait3A_202 = arith.constant 0 : i32
      %dma_wait3A_203 = tpu.memref_slice %arg13[%dma_wait3A_201, %dma_wait3A_202] : memref<400x32xf32, #tpu.memory_space<vmem>> -> memref<64x32xf32, #tpu.memory_space<vmem>>
      %dma_wait3A_204 = arith.constant 0 : i32
      %dma_wait3A_205 = tpu.memref_slice %arg6[%add3A_161, %dma_wait3A_204] : memref<100352x32xf32, #tpu.memory_space<hbm>> -> memref<64x32xf32, #tpu.memory_space<hbm>>
      %dma_wait3A_206 = arith.constant 0 : i32
      %dma_wait3A_207 = arith.constant 0 : i32
      %dma_wait3A_208 = tpu.memref_slice %arg13[%dma_wait3A_206, %dma_wait3A_207] : memref<400x32xf32, #tpu.memory_space<vmem>> -> memref<64x32xf32, #tpu.memory_space<vmem>>
      %dma_wait3A_209 = arith.constant 0 : i32
      %dma_wait3A_210 = tpu.memref_slice %arg6[%add3A_161, %dma_wait3A_209] : memref<100352x32xf32, #tpu.memory_space<hbm>> -> memref<64x32xf32, #tpu.memory_space<hbm>>
      tpu.wait_dma2 semaphore(%arg17 : memref<!tpu.dma_semaphore, #tpu.memory_space<semaphore_mem>>) src(%dma_wait3A_210 : memref<64x32xf32, #tpu.memory_space<hbm>>) dst(%dma_wait3A_208 : memref<64x32xf32, #tpu.memory_space<vmem>>)
      %scan3A_211 = arith.constant 0 : i32
      %scan3A_212 = arith.constant 0 : i32
      %scan3A_213 = arith.constant 64 : i32
      %scan3A_214 = arith.addi %scan3A_212, %scan3A_213 : i32
      %scan3A_215 = arith.constant 1 : i32
      %scan3A_216 = scf.for %scan3A_254 = %scan3A_212 to %scan3A_214 step %scan3A_215 iter_args(%scan3A_255 = %scan3A_211) -> (i32)  : i32 {
        %get3A = arith.index_cast %scan3A_254 : i32 to index
        %get3A_256 = arith.constant 0 : index
        %get3A_257 = tpu.vector_load %arg12[%get3A, %get3A_256] {strides = array<i32>} : memref<400x32xf32, #tpu.memory_space<vmem>>, vector<16xf32>,
        %get3A_258 = arith.index_cast %scan3A_254 : i32 to index
        %get3A_259 = arith.constant 0 : index
        %get3A_260 = tpu.vector_load %arg13[%get3A_258, %get3A_259] {strides = array<i32>} : memref<400x32xf32, #tpu.memory_space<vmem>>, vector<16xf32>,
        %mul3A_261 = arith.mulf %get3A_260, %get3A_257 : vector<16xf32>
        %get3A_262 = arith.index_cast %scan3A_254 : i32 to index
        %get3A_263 = arith.constant 0 : index
        %get3A_264 = tpu.vector_load %arg14[%get3A_262, %get3A_263] {strides = array<i32>} : memref<64x32xf32, #tpu.memory_space<vmem>>, vector<16xf32>,
        %mul3A_265 = arith.constant 2.500000e-01 : f32
        %mul3A_266 = vector.broadcast %mul3A_265 : f32 to vector<16xf32>
        %mul3A_267 = arith.mulf %mul3A_266, %mul3A_261 : vector<16xf32>
        %add3A_268 = arith.addf %get3A_264, %mul3A_267 : vector<16xf32>
        %swap3A = arith.index_cast %scan3A_254 : i32 to index
        %swap3A_269 = arith.constant 0 : index
        %swap3A_270 = tpu.vector_load %arg14[%swap3A, %swap3A_269] {strides = array<i32>} : memref<64x32xf32, #tpu.memory_space<vmem>>, vector<16xf32>,
        tpu.vector_store %arg14[%swap3A, %swap3A_269], %add3A_268 {strides = array<i32>} : memref<64x32xf32, #tpu.memory_space<vmem>>, vector<16xf32>,
        %mul3A_271 = arith.mulf %get3A_260, %mul3A_261 : vector<16xf32>
        %swap3A_272 = arith.index_cast %scan3A_254 : i32 to index
        %swap3A_273 = arith.constant 0 : index
        %swap3A_274 = tpu.vector_load %arg12[%swap3A_272, %swap3A_273] {strides = array<i32>} : memref<400x32xf32, #tpu.memory_space<vmem>>, vector<16xf32>,
        tpu.vector_store %arg12[%swap3A_272, %swap3A_273], %mul3A_271 {strides = array<i32>} : memref<400x32xf32, #tpu.memory_space<vmem>>, vector<16xf32>,
        %get3A_275 = arith.index_cast %scan3A_254 : i32 to index
        %get3A_276 = arith.constant 16 : index
        %get3A_277 = tpu.vector_load %arg12[%get3A_275, %get3A_276] {strides = array<i32>} : memref<400x32xf32, #tpu.memory_space<vmem>>, vector<16xf32>,
        %get3A_278 = arith.index_cast %scan3A_254 : i32 to index
        %get3A_279 = arith.constant 16 : index
        %get3A_280 = tpu.vector_load %arg13[%get3A_278, %get3A_279] {strides = array<i32>} : memref<400x32xf32, #tpu.memory_space<vmem>>, vector<16xf32>,
        %mul3A_281 = arith.mulf %get3A_280, %get3A_277 : vector<16xf32>
        %get3A_282 = arith.index_cast %scan3A_254 : i32 to index
        %get3A_283 = arith.constant 16 : index
        %get3A_284 = tpu.vector_load %arg14[%get3A_282, %get3A_283] {strides = array<i32>} : memref<64x32xf32, #tpu.memory_space<vmem>>, vector<16xf32>,
        %mul3A_285 = arith.constant 2.500000e-01 : f32
        %mul3A_286 = vector.broadcast %mul3A_285 : f32 to vector<16xf32>
        %mul3A_287 = arith.mulf %mul3A_286, %mul3A_281 : vector<16xf32>
        %add3A_288 = arith.addf %get3A_284, %mul3A_287 : vector<16xf32>
        %swap3A_289 = arith.index_cast %scan3A_254 : i32 to index
        %swap3A_290 = arith.constant 16 : index
        %swap3A_291 = tpu.vector_load %arg14[%swap3A_289, %swap3A_290] {strides = array<i32>} : memref<64x32xf32, #tpu.memory_space<vmem>>, vector<16xf32>,
        tpu.vector_store %arg14[%swap3A_289, %swap3A_290], %add3A_288 {strides = array<i32>} : memref<64x32xf32, #tpu.memory_space<vmem>>, vector<16xf32>,
        %mul3A_292 = arith.mulf %get3A_280, %mul3A_281 : vector<16xf32>
        %swap3A_293 = arith.index_cast %scan3A_254 : i32 to index
        %swap3A_294 = arith.constant 16 : index
        %swap3A_295 = tpu.vector_load %arg12[%swap3A_293, %swap3A_294] {strides = array<i32>} : memref<400x32xf32, #tpu.memory_space<vmem>>, vector<16xf32>,
        tpu.vector_store %arg12[%swap3A_293, %swap3A_294], %mul3A_292 {strides = array<i32>} : memref<400x32xf32, #tpu.memory_space<vmem>>, vector<16xf32>,
        %scan3A_296 = arith.constant 0 : i32
        scf.yield %scan3A_296 : i32
      }
      %scan3A_217 = arith.constant 64 : i32
      %mul3A_218 = arith.constant 32 : i32
      %mul3A_219 = arith.muli %arg0, %mul3A_218 : i32
      %dma_start3A_220 = tpu.memref_slice %arg4[%add3A_164, %mul3A_219] : memref<50176x64xf32, #tpu.memory_space<hbm>> -> memref<64x32xf32, #tpu.memory_space<hbm>>
      %dma_start3A_221 = tpu.memref_slice %arg4[%add3A_164, %mul3A_219] : memref<50176x64xf32, #tpu.memory_space<hbm>> -> memref<64x32xf32, #tpu.memory_space<hbm>>
      tpu.enqueue_dma source(%arg14 : memref<64x32xf32, #tpu.memory_space<vmem>>) target(%dma_start3A_221 : memref<64x32xf32, #tpu.memory_space<hbm>>) target_semaphore(%arg16 : memref<!tpu.dma_semaphore, #tpu.memory_space<semaphore_mem>>)
      %dma_start3A_222 = arith.constant 0 : i32
      %dma_start3A_223 = arith.constant 0 : i32
      %dma_start3A_224 = tpu.memref_slice %arg12[%dma_start3A_222, %dma_start3A_223] : memref<400x32xf32, #tpu.memory_space<vmem>> -> memref<64x32xf32, #tpu.memory_space<vmem>>
      %dma_start3A_225 = arith.constant 0 : i32
      %dma_start3A_226 = tpu.memref_slice %arg5[%add3A_161, %dma_start3A_225] : memref<100352x32xf32, #tpu.memory_space<hbm>> -> memref<64x32xf32, #tpu.memory_space<hbm>>
      %dma_start3A_227 = arith.constant 0 : i32
      %dma_start3A_228 = tpu.memref_slice %arg5[%add3A_161, %dma_start3A_227] : memref<100352x32xf32, #tpu.memory_space<hbm>> -> memref<64x32xf32, #tpu.memory_space<hbm>>
      %dma_start3A_229 = arith.constant 0 : i32
      %dma_start3A_230 = arith.constant 0 : i32
      %dma_start3A_231 = tpu.memref_slice %arg12[%dma_start3A_229, %dma_start3A_230] : memref<400x32xf32, #tpu.memory_space<vmem>> -> memref<64x32xf32, #tpu.memory_space<vmem>>
      tpu.enqueue_dma source(%dma_start3A_231 : memref<64x32xf32, #tpu.memory_space<vmem>>) target(%dma_start3A_228 : memref<64x32xf32, #tpu.memory_space<hbm>>) target_semaphore(%arg15 : memref<!tpu.dma_semaphore, #tpu.memory_space<semaphore_mem>>)
      %dma_wait3A_232 = arith.constant 0 : i32
      %dma_wait3A_233 = arith.constant 0 : i32
      %dma_wait3A_234 = tpu.memref_slice %arg12[%dma_wait3A_232, %dma_wait3A_233] : memref<400x32xf32, #tpu.memory_space<vmem>> -> memref<64x32xf32, #tpu.memory_space<vmem>>
      %dma_wait3A_235 = arith.constant 0 : i32
      %dma_wait3A_236 = tpu.memref_slice %arg5[%add3A_161, %dma_wait3A_235] : memref<100352x32xf32, #tpu.memory_space<hbm>> -> memref<64x32xf32, #tpu.memory_space<hbm>>
      %dma_wait3A_237 = arith.constant 0 : i32
      %dma_wait3A_238 = tpu.memref_slice %arg5[%add3A_161, %dma_wait3A_237] : memref<100352x32xf32, #tpu.memory_space<hbm>> -> memref<64x32xf32, #tpu.memory_space<hbm>>
      %dma_wait3A_239 = arith.constant 0 : i32
      %dma_wait3A_240 = arith.constant 0 : i32
      %dma_wait3A_241 = tpu.memref_slice %arg12[%dma_wait3A_239, %dma_wait3A_240] : memref<400x32xf32, #tpu.memory_space<vmem>> -> memref<64x32xf32, #tpu.memory_space<vmem>>
      tpu.wait_dma2 semaphore(%arg15 : memref<!tpu.dma_semaphore, #tpu.memory_space<semaphore_mem>>) src(%dma_wait3A_241 : memref<64x32xf32, #tpu.memory_space<vmem>>) dst(%dma_wait3A_238 : memref<64x32xf32, #tpu.memory_space<hbm>>)
      %dma_wait3A_242 = tpu.memref_slice %arg4[%add3A_164, %mul3A_219] : memref<50176x64xf32, #tpu.memory_space<hbm>> -> memref<64x32xf32, #tpu.memory_space<hbm>>
      %dma_wait3A_243 = tpu.memref_slice %arg4[%add3A_164, %mul3A_219] : memref<50176x64xf32, #tpu.memory_space<hbm>> -> memref<64x32xf32, #tpu.memory_space<hbm>>
      tpu.wait_dma2 semaphore(%arg16 : memref<!tpu.dma_semaphore, #tpu.memory_space<semaphore_mem>>) src(%arg14 : memref<64x32xf32, #tpu.memory_space<vmem>>) dst(%dma_wait3A_243 : memref<64x32xf32, #tpu.memory_space<hbm>>)
      %broadcast_in_dim3A_244 = arith.constant 0.000000e+00 : f32
      %broadcast_in_dim3A_245 = vector.broadcast %broadcast_in_dim3A_244 : f32 to vector<16xf32>
      %scan3A_246 = arith.constant 0 : i32
      %scan3A_247 = arith.constant 0 : i32
      %scan3A_248 = arith.constant 64 : i32
      %scan3A_249 = arith.addi %scan3A_247, %scan3A_248 : i32
      %scan3A_250 = arith.constant 1 : i32
      %scan3A_251 = scf.for %scan3A_254 = %scan3A_247 to %scan3A_249 step %scan3A_250 iter_args(%scan3A_255 = %scan3A_246) -> (i32)  : i32 {
        %swap3A = arith.index_cast %scan3A_254 : i32 to index
        %swap3A_256 = arith.constant 0 : index
        %swap3A_257 = tpu.vector_load %arg14[%swap3A, %swap3A_256] {strides = array<i32>} : memref<64x32xf32, #tpu.memory_space<vmem>>, vector<16xf32>,
        tpu.vector_store %arg14[%swap3A, %swap3A_256], %broadcast_in_dim3A_245 {strides = array<i32>} : memref<64x32xf32, #tpu.memory_space<vmem>>, vector<16xf32>,
        %swap3A_258 = arith.index_cast %scan3A_254 : i32 to index
        %swap3A_259 = arith.constant 16 : index
        %swap3A_260 = tpu.vector_load %arg14[%swap3A_258, %swap3A_259] {strides = array<i32>} : memref<64x32xf32, #tpu.memory_space<vmem>>, vector<16xf32>,
        tpu.vector_store %arg14[%swap3A_258, %swap3A_259], %broadcast_in_dim3A_245 {strides = array<i32>} : memref<64x32xf32, #tpu.memory_space<vmem>>, vector<16xf32>,
        %scan3A_261 = arith.constant 0 : i32
        scf.yield %scan3A_261 : i32
      }
      %scan3A_252 = arith.constant 64 : i32
      "tpu.region"() ({
        %run_scoped3A_254 = tpu.sem_alloc : memref<!tpu.dma_semaphore, #tpu.memory_space<semaphore_mem>>
        %dma_start3A_255 = arith.constant 0 : i32
        %dma_start3A_256 = tpu.memref_slice %arg7[%add3A_164, %dma_start3A_255] : memref<50176x32xf32, #tpu.memory_space<vmem_shared>> -> memref<64x32xf32, #tpu.memory_space<vmem_shared>>
        %dma_start3A_257 = arith.constant 0 : i32
        %dma_start3A_258 = tpu.memref_slice %arg7[%add3A_164, %dma_start3A_257] : memref<50176x32xf32, #tpu.memory_space<vmem_shared>> -> memref<64x32xf32, #tpu.memory_space<vmem_shared>>
        tpu.enqueue_dma source(%arg14 : memref<64x32xf32, #tpu.memory_space<vmem>>) target(%dma_start3A_258 : memref<64x32xf32, #tpu.memory_space<vmem_shared>>) target_semaphore(%run_scoped3A_254 : memref<!tpu.dma_semaphore, #tpu.memory_space<semaphore_mem>>)
        %dma_wait3A_259 = arith.constant 0 : i32
        %dma_wait3A_260 = tpu.memref_slice %arg7[%add3A_164, %dma_wait3A_259] : memref<50176x32xf32, #tpu.memory_space<vmem_shared>> -> memref<64x32xf32, #tpu.memory_space<vmem_shared>>
        %dma_wait3A_261 = arith.constant 0 : i32
        %dma_wait3A_262 = tpu.memref_slice %arg7[%add3A_164, %dma_wait3A_261] : memref<50176x32xf32, #tpu.memory_space<vmem_shared>> -> memref<64x32xf32, #tpu.memory_space<vmem_shared>>
        tpu.wait_dma2 semaphore(%run_scoped3A_254 : memref<!tpu.dma_semaphore, #tpu.memory_space<semaphore_mem>>) src(%arg14 : memref<64x32xf32, #tpu.memory_space<vmem>>) dst(%dma_wait3A_262 : memref<64x32xf32, #tpu.memory_space<vmem_shared>>)
        tpu.yield
      }) : () -> ()
      %scan3A_253 = arith.constant 0 : i32
      scf.yield %scan3A_253 : i32
    }
    %scan3A_122 = arith.constant 49 : i32
    %barrier3A_123 = arith.constant 0 : index
    tpu.barrier barrier_id(%barrier3A_123)
    "tpu.trace_stop"() : () -> ()
    "tpu.trace_start"() <{level = 10 : i32, message = "ph_edge2"}> : () -> ()
    %scan3A_124 = arith.constant 0 : i32
    %scan3A_125 = arith.constant 0 : i32
    %scan3A_126 = arith.constant 62 : i32
    %scan3A_127 = arith.addi %scan3A_125, %scan3A_126 : i32
    %scan3A_128 = arith.constant 1 : i32
    %scan3A_129 = scf.for %scan3A_157 = %scan3A_125 to %scan3A_127 step %scan3A_128 iter_args(%scan3A_158 = %scan3A_124) -> (i32)  : i32 {
      %mul3A_159 = arith.constant 50000 : i32
      %mul3A_160 = arith.muli %arg1, %mul3A_159 : i32
      %mul3A_161 = arith.constant 2 : i32
      %mul3A_162 = arith.muli %mul3A_161, %scan3A_157 : i32
      %mul3A_163 = arith.constant 400 : i32
      %mul3A_164 = arith.muli %mul3A_162, %mul3A_163 : i32
      %add3A_165 = arith.addi %mul3A_160, %mul3A_164 : i32
      %dma_start3A_166 = arith.constant 1 : i32
      %dma_start3A_167 = tpu.memref_slice %arg3[%dma_start3A_166, %add3A_165] : memref<2x800000xi32, #tpu.memory_space<hbm>> -> memref<1x400xi32, #tpu.memory_space<hbm>>
      %dma_start3A_168 = tpu.memref_squeeze %dma_start3A_167 : memref<1x400xi32, #tpu.memory_space<hbm>> -> memref<400xi32, #tpu.memory_space<hbm>>
      %dma_start3A_169 = tpu.memref_slice %arg3[%dma_start3A_166, %add3A_165] : memref<2x800000xi32, #tpu.memory_space<hbm>> -> memref<1x400xi32, #tpu.memory_space<hbm>>
      %dma_start3A_170 = tpu.memref_squeeze %dma_start3A_169 : memref<1x400xi32, #tpu.memory_space<hbm>> -> memref<400xi32, #tpu.memory_space<hbm>>
      tpu.enqueue_dma source(%dma_start3A_170 : memref<400xi32, #tpu.memory_space<hbm>>) target(%arg10 : memref<400xi32, #tpu.memory_space<vmem>>) target_semaphore(%arg17 : memref<!tpu.dma_semaphore, #tpu.memory_space<semaphore_mem>>)
      %add3A_171 = arith.constant 400 : i32
      %add3A_172 = arith.addi %add3A_165, %add3A_171 : i32
      %dma_start3A_173 = arith.constant 1 : i32
      %dma_start3A_174 = tpu.memref_slice %arg3[%dma_start3A_173, %add3A_172] : memref<2x800000xi32, #tpu.memory_space<hbm>> -> memref<1x400xi32, #tpu.memory_space<hbm>>
      %dma_start3A_175 = tpu.memref_squeeze %dma_start3A_174 : memref<1x400xi32, #tpu.memory_space<hbm>> -> memref<400xi32, #tpu.memory_space<hbm>>
      %dma_start3A_176 = tpu.memref_slice %arg3[%dma_start3A_173, %add3A_172] : memref<2x800000xi32, #tpu.memory_space<hbm>> -> memref<1x400xi32, #tpu.memory_space<hbm>>
      %dma_start3A_177 = tpu.memref_squeeze %dma_start3A_176 : memref<1x400xi32, #tpu.memory_space<hbm>> -> memref<400xi32, #tpu.memory_space<hbm>>
      tpu.enqueue_dma source(%dma_start3A_177 : memref<400xi32, #tpu.memory_space<hbm>>) target(%arg11 : memref<400xi32, #tpu.memory_space<vmem>>) target_semaphore(%arg18 : memref<!tpu.dma_semaphore, #tpu.memory_space<semaphore_mem>>)
      %dma_start3A_178 = arith.constant 0 : i32
      %dma_start3A_179 = tpu.memref_slice %arg3[%dma_start3A_178, %add3A_165] : memref<2x800000xi32, #tpu.memory_space<hbm>> -> memref<1x400xi32, #tpu.memory_space<hbm>>
      %dma_start3A_180 = tpu.memref_squeeze %dma_start3A_179 : memref<1x400xi32, #tpu.memory_space<hbm>> -> memref<400xi32, #tpu.memory_space<hbm>>
      %dma_start3A_181 = tpu.memref_slice %arg3[%dma_start3A_178, %add3A_165] : memref<2x800000xi32, #tpu.memory_space<hbm>> -> memref<1x400xi32, #tpu.memory_space<hbm>>
      %dma_start3A_182 = tpu.memref_squeeze %dma_start3A_181 : memref<1x400xi32, #tpu.memory_space<hbm>> -> memref<400xi32, #tpu.memory_space<hbm>>
      tpu.enqueue_dma source(%dma_start3A_182 : memref<400xi32, #tpu.memory_space<hbm>>) target(%arg8 : memref<400xi32, #tpu.memory_space<vmem>>) target_semaphore(%arg15 : memref<!tpu.dma_semaphore, #tpu.memory_space<semaphore_mem>>)
      %add3A_183 = arith.constant 400 : i32
      %add3A_184 = arith.addi %add3A_165, %add3A_183 : i32
      %dma_start3A_185 = arith.constant 0 : i32
      %dma_start3A_186 = tpu.memref_slice %arg3[%dma_start3A_185, %add3A_184] : memref<2x800000xi32, #tpu.memory_space<hbm>> -> memref<1x400xi32, #tpu.memory_space<hbm>>
      %dma_start3A_187 = tpu.memref_squeeze %dma_start3A_186 : memref<1x400xi32, #tpu.memory_space<hbm>> -> memref<400xi32, #tpu.memory_space<hbm>>
      %dma_start3A_188 = tpu.memref_slice %arg3[%dma_start3A_185, %add3A_184] : memref<2x800000xi32, #tpu.memory_space<hbm>> -> memref<1x400xi32, #tpu.memory_space<hbm>>
      %dma_start3A_189 = tpu.memref_squeeze %dma_start3A_188 : memref<1x400xi32, #tpu.memory_space<hbm>> -> memref<400xi32, #tpu.memory_space<hbm>>
      tpu.enqueue_dma source(%dma_start3A_189 : memref<400xi32, #tpu.memory_space<hbm>>) target(%arg9 : memref<400xi32, #tpu.memory_space<vmem>>) target_semaphore(%arg16 : memref<!tpu.dma_semaphore, #tpu.memory_space<semaphore_mem>>)
      %dma_wait3A_190 = arith.constant 1 : i32
      %dma_wait3A_191 = tpu.memref_slice %arg3[%dma_wait3A_190, %add3A_165] : memref<2x800000xi32, #tpu.memory_space<hbm>> -> memref<1x400xi32, #tpu.memory_space<hbm>>
      %dma_wait3A_192 = tpu.memref_squeeze %dma_wait3A_191 : memref<1x400xi32, #tpu.memory_space<hbm>> -> memref<400xi32, #tpu.memory_space<hbm>>
      %dma_wait3A_193 = tpu.memref_slice %arg3[%dma_wait3A_190, %add3A_165] : memref<2x800000xi32, #tpu.memory_space<hbm>> -> memref<1x400xi32, #tpu.memory_space<hbm>>
      %dma_wait3A_194 = tpu.memref_squeeze %dma_wait3A_193 : memref<1x400xi32, #tpu.memory_space<hbm>> -> memref<400xi32, #tpu.memory_space<hbm>>
      tpu.wait_dma2 semaphore(%arg17 : memref<!tpu.dma_semaphore, #tpu.memory_space<semaphore_mem>>) src(%dma_wait3A_194 : memref<400xi32, #tpu.memory_space<hbm>>) dst(%arg10 : memref<400xi32, #tpu.memory_space<vmem>>)
      %mul3A_195 = arith.constant 50176 : i32
      %mul3A_196 = arith.muli %arg0, %mul3A_195 : i32
      %dma_start3A_197 = arith.constant 0 : i32
      %dma_start3A_198 = tpu.memref_slice %arg5[%mul3A_196, %dma_start3A_197] : memref<100352x32xf32, #tpu.memory_space<hbm>> -> memref<50176x32xf32, #tpu.memory_space<hbm>>
      %dma_start3A_199 = arith.constant 0 : i32
      %dma_start3A_200 = arith.constant 0 : i32
      %dma_start3A_201 = tpu.memref_slice %dma_start3A_198[%dma_start3A_199, %dma_start3A_200] : memref<50176x32xf32, #tpu.memory_space<hbm>> -> memref<50176x32xf32, #tpu.memory_space<hbm>>
      tpu.enqueue_indirect_dma source(%dma_start3A_201 : memref<50176x32xf32, #tpu.memory_space<hbm>>) target(%arg12 : memref<400x32xf32, #tpu.memory_space<vmem>>) offsets(%arg10 : memref<400xi32, #tpu.memory_space<vmem>>) semaphore(%arg19 : memref<!tpu.dma_semaphore, #tpu.memory_space<semaphore_mem>>)
      %dma_wait3A_202 = arith.constant 1 : i32
      %dma_wait3A_203 = tpu.memref_slice %arg3[%dma_wait3A_202, %add3A_172] : memref<2x800000xi32, #tpu.memory_space<hbm>> -> memref<1x400xi32, #tpu.memory_space<hbm>>
      %dma_wait3A_204 = tpu.memref_squeeze %dma_wait3A_203 : memref<1x400xi32, #tpu.memory_space<hbm>> -> memref<400xi32, #tpu.memory_space<hbm>>
      %dma_wait3A_205 = tpu.memref_slice %arg3[%dma_wait3A_202, %add3A_172] : memref<2x800000xi32, #tpu.memory_space<hbm>> -> memref<1x400xi32, #tpu.memory_space<hbm>>
      %dma_wait3A_206 = tpu.memref_squeeze %dma_wait3A_205 : memref<1x400xi32, #tpu.memory_space<hbm>> -> memref<400xi32, #tpu.memory_space<hbm>>
      tpu.wait_dma2 semaphore(%arg18 : memref<!tpu.dma_semaphore, #tpu.memory_space<semaphore_mem>>) src(%dma_wait3A_206 : memref<400xi32, #tpu.memory_space<hbm>>) dst(%arg11 : memref<400xi32, #tpu.memory_space<vmem>>)
      %mul3A_207 = arith.constant 50176 : i32
      %mul3A_208 = arith.muli %arg0, %mul3A_207 : i32
      %dma_start3A_209 = arith.constant 0 : i32
      %dma_start3A_210 = tpu.memref_slice %arg5[%mul3A_208, %dma_start3A_209] : memref<100352x32xf32, #tpu.memory_space<hbm>> -> memref<50176x32xf32, #tpu.memory_space<hbm>>
      %dma_start3A_211 = arith.constant 0 : i32
      %dma_start3A_212 = arith.constant 0 : i32
      %dma_start3A_213 = tpu.memref_slice %dma_start3A_210[%dma_start3A_211, %dma_start3A_212] : memref<50176x32xf32, #tpu.memory_space<hbm>> -> memref<50176x32xf32, #tpu.memory_space<hbm>>
      tpu.enqueue_indirect_dma source(%dma_start3A_213 : memref<50176x32xf32, #tpu.memory_space<hbm>>) target(%arg13 : memref<400x32xf32, #tpu.memory_space<vmem>>) offsets(%arg11 : memref<400xi32, #tpu.memory_space<vmem>>) semaphore(%arg20 : memref<!tpu.dma_semaphore, #tpu.memory_space<semaphore_mem>>)
      %dma_wait3A_214 = arith.constant 0 : i32
      %dma_wait3A_215 = tpu.memref_slice %arg5[%mul3A_196, %dma_wait3A_214] : memref<100352x32xf32, #tpu.memory_space<hbm>> -> memref<50176x32xf32, #tpu.memory_space<hbm>>
      %dma_wait3A_216 = arith.constant 0 : i32
      %dma_wait3A_217 = arith.constant 0 : i32
      %dma_wait3A_218 = tpu.memref_slice %dma_wait3A_215[%dma_wait3A_216, %dma_wait3A_217] : memref<50176x32xf32, #tpu.memory_space<hbm>> -> memref<50176x32xf32, #tpu.memory_space<hbm>>
      tpu.wait_indirect_dma semaphore(%arg19 : memref<!tpu.dma_semaphore, #tpu.memory_space<semaphore_mem>>) src(%dma_wait3A_218 : memref<50176x32xf32, #tpu.memory_space<hbm>>) dst(%arg12 : memref<400x32xf32, #tpu.memory_space<vmem>>)
      %dma_wait3A_219 = arith.constant 0 : i32
      %dma_wait3A_220 = tpu.memref_slice %arg3[%dma_wait3A_219, %add3A_165] : memref<2x800000xi32, #tpu.memory_space<hbm>> -> memref<1x400xi32, #tpu.memory_space<hbm>>
      %dma_wait3A_221 = tpu.memref_squeeze %dma_wait3A_220 : memref<1x400xi32, #tpu.memory_space<hbm>> -> memref<400xi32, #tpu.memory_space<hbm>>
      %dma_wait3A_222 = tpu.memref_slice %arg3[%dma_wait3A_219, %add3A_165] : memref<2x800000xi32, #tpu.memory_space<hbm>> -> memref<1x400xi32, #tpu.memory_space<hbm>>
      %dma_wait3A_223 = tpu.memref_squeeze %dma_wait3A_222 : memref<1x400xi32, #tpu.memory_space<hbm>> -> memref<400xi32, #tpu.memory_space<hbm>>
      tpu.wait_dma2 semaphore(%arg15 : memref<!tpu.dma_semaphore, #tpu.memory_space<semaphore_mem>>) src(%dma_wait3A_223 : memref<400xi32, #tpu.memory_space<hbm>>) dst(%arg8 : memref<400xi32, #tpu.memory_space<vmem>>)
      %dma_start3A_224 = arith.constant 0 : i32
      %dma_start3A_225 = arith.constant 0 : i32
      %dma_start3A_226 = tpu.memref_slice %arg7[%dma_start3A_224, %dma_start3A_225] : memref<50176x32xf32, #tpu.memory_space<vmem_shared>> -> memref<50176x32xf32, #tpu.memory_space<vmem_shared>>
      tpu.enqueue_indirect_dma source(%arg12 : memref<400x32xf32, #tpu.memory_space<vmem>>) target(%dma_start3A_226 : memref<50176x32xf32, #tpu.memory_space<vmem_shared>>) offsets(%arg8 : memref<400xi32, #tpu.memory_space<vmem>>) semaphore(%arg21 : memref<!tpu.dma_semaphore, #tpu.memory_space<semaphore_mem>>) {add = true}
      %dma_wait3A_227 = arith.constant 0 : i32
      %dma_wait3A_228 = tpu.memref_slice %arg5[%mul3A_208, %dma_wait3A_227] : memref<100352x32xf32, #tpu.memory_space<hbm>> -> memref<50176x32xf32, #tpu.memory_space<hbm>>
      %dma_wait3A_229 = arith.constant 0 : i32
      %dma_wait3A_230 = arith.constant 0 : i32
      %dma_wait3A_231 = tpu.memref_slice %dma_wait3A_228[%dma_wait3A_229, %dma_wait3A_230] : memref<50176x32xf32, #tpu.memory_space<hbm>> -> memref<50176x32xf32, #tpu.memory_space<hbm>>
      tpu.wait_indirect_dma semaphore(%arg20 : memref<!tpu.dma_semaphore, #tpu.memory_space<semaphore_mem>>) src(%dma_wait3A_231 : memref<50176x32xf32, #tpu.memory_space<hbm>>) dst(%arg13 : memref<400x32xf32, #tpu.memory_space<vmem>>)
      %dma_wait3A_232 = arith.constant 0 : i32
      %dma_wait3A_233 = tpu.memref_slice %arg3[%dma_wait3A_232, %add3A_184] : memref<2x800000xi32, #tpu.memory_space<hbm>> -> memref<1x400xi32, #tpu.memory_space<hbm>>
      %dma_wait3A_234 = tpu.memref_squeeze %dma_wait3A_233 : memref<1x400xi32, #tpu.memory_space<hbm>> -> memref<400xi32, #tpu.memory_space<hbm>>
      %dma_wait3A_235 = tpu.memref_slice %arg3[%dma_wait3A_232, %add3A_184] : memref<2x800000xi32, #tpu.memory_space<hbm>> -> memref<1x400xi32, #tpu.memory_space<hbm>>
      %dma_wait3A_236 = tpu.memref_squeeze %dma_wait3A_235 : memref<1x400xi32, #tpu.memory_space<hbm>> -> memref<400xi32, #tpu.memory_space<hbm>>
      tpu.wait_dma2 semaphore(%arg16 : memref<!tpu.dma_semaphore, #tpu.memory_space<semaphore_mem>>) src(%dma_wait3A_236 : memref<400xi32, #tpu.memory_space<hbm>>) dst(%arg9 : memref<400xi32, #tpu.memory_space<vmem>>)
      %dma_start3A_237 = arith.constant 0 : i32
      %dma_start3A_238 = arith.constant 0 : i32
      %dma_start3A_239 = tpu.memref_slice %arg7[%dma_start3A_237, %dma_start3A_238] : memref<50176x32xf32, #tpu.memory_space<vmem_shared>> -> memref<50176x32xf32, #tpu.memory_space<vmem_shared>>
      tpu.enqueue_indirect_dma source(%arg13 : memref<400x32xf32, #tpu.memory_space<vmem>>) target(%dma_start3A_239 : memref<50176x32xf32, #tpu.memory_space<vmem_shared>>) offsets(%arg9 : memref<400xi32, #tpu.memory_space<vmem>>) semaphore(%arg22 : memref<!tpu.dma_semaphore, #tpu.memory_space<semaphore_mem>>) {add = true}
      %dma_wait3A_240 = arith.constant 0 : i32
      %dma_wait3A_241 = arith.constant 0 : i32
      %dma_wait3A_242 = tpu.memref_slice %arg7[%dma_wait3A_240, %dma_wait3A_241] : memref<50176x32xf32, #tpu.memory_space<vmem_shared>> -> memref<50176x32xf32, #tpu.memory_space<vmem_shared>>
      tpu.wait_indirect_dma semaphore(%arg21 : memref<!tpu.dma_semaphore, #tpu.memory_space<semaphore_mem>>) src(%arg12 : memref<400x32xf32, #tpu.memory_space<vmem>>) dst(%dma_wait3A_242 : memref<50176x32xf32, #tpu.memory_space<vmem_shared>>)
      %dma_wait3A_243 = arith.constant 0 : i32
      %dma_wait3A_244 = arith.constant 0 : i32
      %dma_wait3A_245 = tpu.memref_slice %arg7[%dma_wait3A_243, %dma_wait3A_244] : memref<50176x32xf32, #tpu.memory_space<vmem_shared>> -> memref<50176x32xf32, #tpu.memory_space<vmem_shared>>
      tpu.wait_indirect_dma semaphore(%arg22 : memref<!tpu.dma_semaphore, #tpu.memory_space<semaphore_mem>>) src(%arg13 : memref<400x32xf32, #tpu.memory_space<vmem>>) dst(%dma_wait3A_245 : memref<50176x32xf32, #tpu.memory_space<vmem_shared>>)
      %scan3A_246 = arith.constant 0 : i32
      scf.yield %scan3A_246 : i32
    }
    %scan3A_130 = arith.constant 62 : i32
    %mul3A_131 = arith.constant 50000 : i32
    %mul3A_132 = arith.muli %arg1, %mul3A_131 : i32
    %add3A_133 = arith.constant 49600 : i32
    %add3A_134 = arith.addi %mul3A_132, %add3A_133 : i32
    %run_scoped3A_135 = arith.constant 1 : i32
    "tpu.region"() ({
      %run_scoped3A_157 = tpu.sem_alloc : memref<!tpu.dma_semaphore, #tpu.memory_space<semaphore_mem>>
      %dma_start3A_158 = tpu.memref_slice %arg3[%run_scoped3A_135, %add3A_134] : memref<2x800000xi32, #tpu.memory_space<hbm>> -> memref<1x400xi32, #tpu.memory_space<hbm>>
      %dma_start3A_159 = tpu.memref_squeeze %dma_start3A_158 : memref<1x400xi32, #tpu.memory_space<hbm>> -> memref<400xi32, #tpu.memory_space<hbm>>
      %dma_start3A_160 = tpu.memref_slice %arg3[%run_scoped3A_135, %add3A_134] : memref<2x800000xi32, #tpu.memory_space<hbm>> -> memref<1x400xi32, #tpu.memory_space<hbm>>
      %dma_start3A_161 = tpu.memref_squeeze %dma_start3A_160 : memref<1x400xi32, #tpu.memory_space<hbm>> -> memref<400xi32, #tpu.memory_space<hbm>>
      tpu.enqueue_dma source(%dma_start3A_161 : memref<400xi32, #tpu.memory_space<hbm>>) target(%arg10 : memref<400xi32, #tpu.memory_space<vmem>>) target_semaphore(%run_scoped3A_157 : memref<!tpu.dma_semaphore, #tpu.memory_space<semaphore_mem>>)
      %dma_wait3A_162 = tpu.memref_slice %arg3[%run_scoped3A_135, %add3A_134] : memref<2x800000xi32, #tpu.memory_space<hbm>> -> memref<1x400xi32, #tpu.memory_space<hbm>>
      %dma_wait3A_163 = tpu.memref_squeeze %dma_wait3A_162 : memref<1x400xi32, #tpu.memory_space<hbm>> -> memref<400xi32, #tpu.memory_space<hbm>>
      %dma_wait3A_164 = tpu.memref_slice %arg3[%run_scoped3A_135, %add3A_134] : memref<2x800000xi32, #tpu.memory_space<hbm>> -> memref<1x400xi32, #tpu.memory_space<hbm>>
      %dma_wait3A_165 = tpu.memref_squeeze %dma_wait3A_164 : memref<1x400xi32, #tpu.memory_space<hbm>> -> memref<400xi32, #tpu.memory_space<hbm>>
      tpu.wait_dma2 semaphore(%run_scoped3A_157 : memref<!tpu.dma_semaphore, #tpu.memory_space<semaphore_mem>>) src(%dma_wait3A_165 : memref<400xi32, #tpu.memory_space<hbm>>) dst(%arg10 : memref<400xi32, #tpu.memory_space<vmem>>)
      tpu.yield
    }) : () -> ()
    %mul3A_136 = arith.constant 50176 : i32
    %mul3A_137 = arith.muli %arg0, %mul3A_136 : i32
    %dma_start3A_138 = arith.constant 0 : i32
    %dma_start3A_139 = tpu.memref_slice %arg5[%mul3A_137, %dma_start3A_138] : memref<100352x32xf32, #tpu.memory_space<hbm>> -> memref<50176x32xf32, #tpu.memory_space<hbm>>
    %dma_start3A_140 = arith.constant 0 : i32
    %dma_start3A_141 = arith.constant 0 : i32
    %dma_start3A_142 = tpu.memref_slice %dma_start3A_139[%dma_start3A_140, %dma_start3A_141] : memref<50176x32xf32, #tpu.memory_space<hbm>> -> memref<50176x32xf32, #tpu.memory_space<hbm>>
    tpu.enqueue_indirect_dma source(%dma_start3A_142 : memref<50176x32xf32, #tpu.memory_space<hbm>>) target(%arg12 : memref<400x32xf32, #tpu.memory_space<vmem>>) offsets(%arg10 : memref<400xi32, #tpu.memory_space<vmem>>) semaphore(%arg19 : memref<!tpu.dma_semaphore, #tpu.memory_space<semaphore_mem>>)
    %dma_wait3A_143 = arith.constant 0 : i32
    %dma_wait3A_144 = tpu.memref_slice %arg5[%mul3A_137, %dma_wait3A_143] : memref<100352x32xf32, #tpu.memory_space<hbm>> -> memref<50176x32xf32, #tpu.memory_space<hbm>>
    %dma_wait3A_145 = arith.constant 0 : i32
    %dma_wait3A_146 = arith.constant 0 : i32
    %dma_wait3A_147 = tpu.memref_slice %dma_wait3A_144[%dma_wait3A_145, %dma_wait3A_146] : memref<50176x32xf32, #tpu.memory_space<hbm>> -> memref<50176x32xf32, #tpu.memory_space<hbm>>
    tpu.wait_indirect_dma semaphore(%arg19 : memref<!tpu.dma_semaphore, #tpu.memory_space<semaphore_mem>>) src(%dma_wait3A_147 : memref<50176x32xf32, #tpu.memory_space<hbm>>) dst(%arg12 : memref<400x32xf32, #tpu.memory_space<vmem>>)
    %run_scoped3A_148 = arith.constant 0 : i32
    "tpu.region"() ({
      %run_scoped3A_157 = tpu.sem_alloc : memref<!tpu.dma_semaphore, #tpu.memory_space<semaphore_mem>>
      %dma_start3A_158 = tpu.memref_slice %arg3[%run_scoped3A_148, %add3A_134] : memref<2x800000xi32, #tpu.memory_space<hbm>> -> memref<1x400xi32, #tpu.memory_space<hbm>>
      %dma_start3A_159 = tpu.memref_squeeze %dma_start3A_158 : memref<1x400xi32, #tpu.memory_space<hbm>> -> memref<400xi32, #tpu.memory_space<hbm>>
      %dma_start3A_160 = tpu.memref_slice %arg3[%run_scoped3A_148, %add3A_134] : memref<2x800000xi32, #tpu.memory_space<hbm>> -> memref<1x400xi32, #tpu.memory_space<hbm>>
      %dma_start3A_161 = tpu.memref_squeeze %dma_start3A_160 : memref<1x400xi32, #tpu.memory_space<hbm>> -> memref<400xi32, #tpu.memory_space<hbm>>
      tpu.enqueue_dma source(%dma_start3A_161 : memref<400xi32, #tpu.memory_space<hbm>>) target(%arg8 : memref<400xi32, #tpu.memory_space<vmem>>) target_semaphore(%run_scoped3A_157 : memref<!tpu.dma_semaphore, #tpu.memory_space<semaphore_mem>>)
      %dma_wait3A_162 = tpu.memref_slice %arg3[%run_scoped3A_148, %add3A_134] : memref<2x800000xi32, #tpu.memory_space<hbm>> -> memref<1x400xi32, #tpu.memory_space<hbm>>
      %dma_wait3A_163 = tpu.memref_squeeze %dma_wait3A_162 : memref<1x400xi32, #tpu.memory_space<hbm>> -> memref<400xi32, #tpu.memory_space<hbm>>
      %dma_wait3A_164 = tpu.memref_slice %arg3[%run_scoped3A_148, %add3A_134] : memref<2x800000xi32, #tpu.memory_space<hbm>> -> memref<1x400xi32, #tpu.memory_space<hbm>>
      %dma_wait3A_165 = tpu.memref_squeeze %dma_wait3A_164 : memref<1x400xi32, #tpu.memory_space<hbm>> -> memref<400xi32, #tpu.memory_space<hbm>>
      tpu.wait_dma2 semaphore(%run_scoped3A_157 : memref<!tpu.dma_semaphore, #tpu.memory_space<semaphore_mem>>) src(%dma_wait3A_165 : memref<400xi32, #tpu.memory_space<hbm>>) dst(%arg8 : memref<400xi32, #tpu.memory_space<vmem>>)
      tpu.yield
    }) : () -> ()
    "tpu.region"() ({
      %run_scoped3A_157 = tpu.sem_alloc : memref<!tpu.dma_semaphore, #tpu.memory_space<semaphore_mem>>
      %dma_start3A_158 = arith.constant 0 : i32
      %dma_start3A_159 = arith.constant 0 : i32
      %dma_start3A_160 = tpu.memref_slice %arg7[%dma_start3A_158, %dma_start3A_159] : memref<50176x32xf32, #tpu.memory_space<vmem_shared>> -> memref<50176x32xf32, #tpu.memory_space<vmem_shared>>
      tpu.enqueue_indirect_dma source(%arg12 : memref<400x32xf32, #tpu.memory_space<vmem>>) target(%dma_start3A_160 : memref<50176x32xf32, #tpu.memory_space<vmem_shared>>) offsets(%arg8 : memref<400xi32, #tpu.memory_space<vmem>>) semaphore(%run_scoped3A_157 : memref<!tpu.dma_semaphore, #tpu.memory_space<semaphore_mem>>) {add = true}
      %dma_wait3A_161 = arith.constant 0 : i32
      %dma_wait3A_162 = arith.constant 0 : i32
      %dma_wait3A_163 = tpu.memref_slice %arg7[%dma_wait3A_161, %dma_wait3A_162] : memref<50176x32xf32, #tpu.memory_space<vmem_shared>> -> memref<50176x32xf32, #tpu.memory_space<vmem_shared>>
      tpu.wait_indirect_dma semaphore(%run_scoped3A_157 : memref<!tpu.dma_semaphore, #tpu.memory_space<semaphore_mem>>) src(%arg12 : memref<400x32xf32, #tpu.memory_space<vmem>>) dst(%dma_wait3A_163 : memref<50176x32xf32, #tpu.memory_space<vmem_shared>>)
      tpu.yield
    }) : () -> ()
    %barrier3A_149 = arith.constant 0 : index
    tpu.barrier barrier_id(%barrier3A_149)
    "tpu.trace_stop"() : () -> ()
    "tpu.trace_start"() <{level = 10 : i32, message = "ph_dense2"}> : () -> ()
    %scan3A_150 = arith.constant 0 : i32
    %scan3A_151 = arith.constant 0 : i32
    %scan3A_152 = arith.constant 49 : i32
    %scan3A_153 = arith.addi %scan3A_151, %scan3A_152 : i32
    %scan3A_154 = arith.constant 1 : i32
    %scan3A_155 = scf.for %scan3A_157 = %scan3A_151 to %scan3A_153 step %scan3A_154 iter_args(%scan3A_158 = %scan3A_150) -> (i32)  : i32 {
      %mul3A_159 = arith.constant 64 : i32
      %mul3A_160 = arith.muli %scan3A_157, %mul3A_159 : i32
      %add3A_161 = arith.addi %add3A, %mul3A_160 : i32
      %mul3A_162 = arith.constant 64 : i32
      %mul3A_163 = arith.muli %scan3A_157, %mul3A_162 : i32
      %add3A_164 = arith.addi %mul3A_0, %mul3A_163 : i32
      %dma_start3A_165 = arith.constant 0 : i32
      %dma_start3A_166 = arith.constant 0 : i32
      %dma_start3A_167 = tpu.memref_slice %arg12[%dma_start3A_165, %dma_start3A_166] : memref<400x32xf32, #tpu.memory_space<vmem>> -> memref<64x32xf32, #tpu.memory_space<vmem>>
      %dma_start3A_168 = arith.constant 0 : i32
      %dma_start3A_169 = tpu.memref_slice %arg7[%add3A_164, %dma_start3A_168] : memref<50176x32xf32, #tpu.memory_space<vmem_shared>> -> memref<64x32xf32, #tpu.memory_space<vmem_shared>>
      %dma_start3A_170 = arith.constant 0 : i32
      %dma_start3A_171 = arith.constant 0 : i32
      %dma_start3A_172 = tpu.memref_slice %arg12[%dma_start3A_170, %dma_start3A_171] : memref<400x32xf32, #tpu.memory_space<vmem>> -> memref<64x32xf32, #tpu.memory_space<vmem>>
      %dma_start3A_173 = arith.constant 0 : i32
      %dma_start3A_174 = tpu.memref_slice %arg7[%add3A_164, %dma_start3A_173] : memref<50176x32xf32, #tpu.memory_space<vmem_shared>> -> memref<64x32xf32, #tpu.memory_space<vmem_shared>>
      tpu.enqueue_dma source(%dma_start3A_174 : memref<64x32xf32, #tpu.memory_space<vmem_shared>>) target(%dma_start3A_172 : memref<64x32xf32, #tpu.memory_space<vmem>>) target_semaphore(%arg15 : memref<!tpu.dma_semaphore, #tpu.memory_space<semaphore_mem>>)
      %mul3A_175 = arith.constant 32 : i32
      %mul3A_176 = arith.muli %arg0, %mul3A_175 : i32
      %dma_start3A_177 = tpu.memref_slice %arg4[%add3A_164, %mul3A_176] : memref<50176x64xf32, #tpu.memory_space<hbm>> -> memref<64x32xf32, #tpu.memory_space<hbm>>
      %dma_start3A_178 = tpu.memref_slice %arg4[%add3A_164, %mul3A_176] : memref<50176x64xf32, #tpu.memory_space<hbm>> -> memref<64x32xf32, #tpu.memory_space<hbm>>
      tpu.enqueue_dma source(%dma_start3A_178 : memref<64x32xf32, #tpu.memory_space<hbm>>) target(%arg14 : memref<64x32xf32, #tpu.memory_space<vmem>>) target_semaphore(%arg16 : memref<!tpu.dma_semaphore, #tpu.memory_space<semaphore_mem>>)
      %dma_start3A_179 = arith.constant 0 : i32
      %dma_start3A_180 = arith.constant 0 : i32
      %dma_start3A_181 = tpu.memref_slice %arg13[%dma_start3A_179, %dma_start3A_180] : memref<400x32xf32, #tpu.memory_space<vmem>> -> memref<64x32xf32, #tpu.memory_space<vmem>>
      %dma_start3A_182 = arith.constant 0 : i32
      %dma_start3A_183 = tpu.memref_slice %arg6[%add3A_161, %dma_start3A_182] : memref<100352x32xf32, #tpu.memory_space<hbm>> -> memref<64x32xf32, #tpu.memory_space<hbm>>
      %dma_start3A_184 = arith.constant 0 : i32
      %dma_start3A_185 = arith.constant 0 : i32
      %dma_start3A_186 = tpu.memref_slice %arg13[%dma_start3A_184, %dma_start3A_185] : memref<400x32xf32, #tpu.memory_space<vmem>> -> memref<64x32xf32, #tpu.memory_space<vmem>>
      %dma_start3A_187 = arith.constant 0 : i32
      %dma_start3A_188 = tpu.memref_slice %arg6[%add3A_161, %dma_start3A_187] : memref<100352x32xf32, #tpu.memory_space<hbm>> -> memref<64x32xf32, #tpu.memory_space<hbm>>
      tpu.enqueue_dma source(%dma_start3A_188 : memref<64x32xf32, #tpu.memory_space<hbm>>) target(%dma_start3A_186 : memref<64x32xf32, #tpu.memory_space<vmem>>) target_semaphore(%arg17 : memref<!tpu.dma_semaphore, #tpu.memory_space<semaphore_mem>>)
      %dma_wait3A_189 = arith.constant 0 : i32
      %dma_wait3A_190 = arith.constant 0 : i32
      %dma_wait3A_191 = tpu.memref_slice %arg12[%dma_wait3A_189, %dma_wait3A_190] : memref<400x32xf32, #tpu.memory_space<vmem>> -> memref<64x32xf32, #tpu.memory_space<vmem>>
      %dma_wait3A_192 = arith.constant 0 : i32
      %dma_wait3A_193 = tpu.memref_slice %arg7[%add3A_164, %dma_wait3A_192] : memref<50176x32xf32, #tpu.memory_space<vmem_shared>> -> memref<64x32xf32, #tpu.memory_space<vmem_shared>>
      %dma_wait3A_194 = arith.constant 0 : i32
      %dma_wait3A_195 = arith.constant 0 : i32
      %dma_wait3A_196 = tpu.memref_slice %arg12[%dma_wait3A_194, %dma_wait3A_195] : memref<400x32xf32, #tpu.memory_space<vmem>> -> memref<64x32xf32, #tpu.memory_space<vmem>>
      %dma_wait3A_197 = arith.constant 0 : i32
      %dma_wait3A_198 = tpu.memref_slice %arg7[%add3A_164, %dma_wait3A_197] : memref<50176x32xf32, #tpu.memory_space<vmem_shared>> -> memref<64x32xf32, #tpu.memory_space<vmem_shared>>
      tpu.wait_dma2 semaphore(%arg15 : memref<!tpu.dma_semaphore, #tpu.memory_space<semaphore_mem>>) src(%dma_wait3A_198 : memref<64x32xf32, #tpu.memory_space<vmem_shared>>) dst(%dma_wait3A_196 : memref<64x32xf32, #tpu.memory_space<vmem>>)
      %dma_wait3A_199 = tpu.memref_slice %arg4[%add3A_164, %mul3A_176] : memref<50176x64xf32, #tpu.memory_space<hbm>> -> memref<64x32xf32, #tpu.memory_space<hbm>>
      %dma_wait3A_200 = tpu.memref_slice %arg4[%add3A_164, %mul3A_176] : memref<50176x64xf32, #tpu.memory_space<hbm>> -> memref<64x32xf32, #tpu.memory_space<hbm>>
      tpu.wait_dma2 semaphore(%arg16 : memref<!tpu.dma_semaphore, #tpu.memory_space<semaphore_mem>>) src(%dma_wait3A_200 : memref<64x32xf32, #tpu.memory_space<hbm>>) dst(%arg14 : memref<64x32xf32, #tpu.memory_space<vmem>>)
      %dma_wait3A_201 = arith.constant 0 : i32
      %dma_wait3A_202 = arith.constant 0 : i32
      %dma_wait3A_203 = tpu.memref_slice %arg13[%dma_wait3A_201, %dma_wait3A_202] : memref<400x32xf32, #tpu.memory_space<vmem>> -> memref<64x32xf32, #tpu.memory_space<vmem>>
      %dma_wait3A_204 = arith.constant 0 : i32
      %dma_wait3A_205 = tpu.memref_slice %arg6[%add3A_161, %dma_wait3A_204] : memref<100352x32xf32, #tpu.memory_space<hbm>> -> memref<64x32xf32, #tpu.memory_space<hbm>>
      %dma_wait3A_206 = arith.constant 0 : i32
      %dma_wait3A_207 = arith.constant 0 : i32
      %dma_wait3A_208 = tpu.memref_slice %arg13[%dma_wait3A_206, %dma_wait3A_207] : memref<400x32xf32, #tpu.memory_space<vmem>> -> memref<64x32xf32, #tpu.memory_space<vmem>>
      %dma_wait3A_209 = arith.constant 0 : i32
      %dma_wait3A_210 = tpu.memref_slice %arg6[%add3A_161, %dma_wait3A_209] : memref<100352x32xf32, #tpu.memory_space<hbm>> -> memref<64x32xf32, #tpu.memory_space<hbm>>
      tpu.wait_dma2 semaphore(%arg17 : memref<!tpu.dma_semaphore, #tpu.memory_space<semaphore_mem>>) src(%dma_wait3A_210 : memref<64x32xf32, #tpu.memory_space<hbm>>) dst(%dma_wait3A_208 : memref<64x32xf32, #tpu.memory_space<vmem>>)
      %scan3A_211 = arith.constant 0 : i32
      %scan3A_212 = arith.constant 0 : i32
      %scan3A_213 = arith.constant 64 : i32
      %scan3A_214 = arith.addi %scan3A_212, %scan3A_213 : i32
      %scan3A_215 = arith.constant 1 : i32
      %scan3A_216 = scf.for %scan3A_225 = %scan3A_212 to %scan3A_214 step %scan3A_215 iter_args(%scan3A_226 = %scan3A_211) -> (i32)  : i32 {
        %get3A = arith.index_cast %scan3A_225 : i32 to index
        %get3A_227 = arith.constant 0 : index
        %get3A_228 = tpu.vector_load %arg12[%get3A, %get3A_227] {strides = array<i32>} : memref<400x32xf32, #tpu.memory_space<vmem>>, vector<16xf32>,
        %get3A_229 = arith.index_cast %scan3A_225 : i32 to index
        %get3A_230 = arith.constant 0 : index
        %get3A_231 = tpu.vector_load %arg13[%get3A_229, %get3A_230] {strides = array<i32>} : memref<400x32xf32, #tpu.memory_space<vmem>>, vector<16xf32>,
        %mul3A_232 = arith.mulf %get3A_231, %get3A_228 : vector<16xf32>
        %get3A_233 = arith.index_cast %scan3A_225 : i32 to index
        %get3A_234 = arith.constant 0 : index
        %get3A_235 = tpu.vector_load %arg14[%get3A_233, %get3A_234] {strides = array<i32>} : memref<64x32xf32, #tpu.memory_space<vmem>>, vector<16xf32>,
        %mul3A_236 = arith.constant 2.500000e-01 : f32
        %mul3A_237 = vector.broadcast %mul3A_236 : f32 to vector<16xf32>
        %mul3A_238 = arith.mulf %mul3A_237, %mul3A_232 : vector<16xf32>
        %add3A_239 = arith.addf %get3A_235, %mul3A_238 : vector<16xf32>
        %swap3A = arith.index_cast %scan3A_225 : i32 to index
        %swap3A_240 = arith.constant 0 : index
        %swap3A_241 = tpu.vector_load %arg14[%swap3A, %swap3A_240] {strides = array<i32>} : memref<64x32xf32, #tpu.memory_space<vmem>>, vector<16xf32>,
        tpu.vector_store %arg14[%swap3A, %swap3A_240], %add3A_239 {strides = array<i32>} : memref<64x32xf32, #tpu.memory_space<vmem>>, vector<16xf32>,
        %get3A_242 = arith.index_cast %scan3A_225 : i32 to index
        %get3A_243 = arith.constant 16 : index
        %get3A_244 = tpu.vector_load %arg12[%get3A_242, %get3A_243] {strides = array<i32>} : memref<400x32xf32, #tpu.memory_space<vmem>>, vector<16xf32>,
        %get3A_245 = arith.index_cast %scan3A_225 : i32 to index
        %get3A_246 = arith.constant 16 : index
        %get3A_247 = tpu.vector_load %arg13[%get3A_245, %get3A_246] {strides = array<i32>} : memref<400x32xf32, #tpu.memory_space<vmem>>, vector<16xf32>,
        %mul3A_248 = arith.mulf %get3A_247, %get3A_244 : vector<16xf32>
        %get3A_249 = arith.index_cast %scan3A_225 : i32 to index
        %get3A_250 = arith.constant 16 : index
        %get3A_251 = tpu.vector_load %arg14[%get3A_249, %get3A_250] {strides = array<i32>} : memref<64x32xf32, #tpu.memory_space<vmem>>, vector<16xf32>,
        %mul3A_252 = arith.constant 2.500000e-01 : f32
        %mul3A_253 = vector.broadcast %mul3A_252 : f32 to vector<16xf32>
        %mul3A_254 = arith.mulf %mul3A_253, %mul3A_248 : vector<16xf32>
        %add3A_255 = arith.addf %get3A_251, %mul3A_254 : vector<16xf32>
        %swap3A_256 = arith.index_cast %scan3A_225 : i32 to index
        %swap3A_257 = arith.constant 16 : index
        %swap3A_258 = tpu.vector_load %arg14[%swap3A_256, %swap3A_257] {strides = array<i32>} : memref<64x32xf32, #tpu.memory_space<vmem>>, vector<16xf32>,
        tpu.vector_store %arg14[%swap3A_256, %swap3A_257], %add3A_255 {strides = array<i32>} : memref<64x32xf32, #tpu.memory_space<vmem>>, vector<16xf32>,
        %scan3A_259 = arith.constant 0 : i32
        scf.yield %scan3A_259 : i32
      }
      %scan3A_217 = arith.constant 64 : i32
      %mul3A_218 = arith.constant 32 : i32
      %mul3A_219 = arith.muli %arg0, %mul3A_218 : i32
      %dma_start3A_220 = tpu.memref_slice %arg4[%add3A_164, %mul3A_219] : memref<50176x64xf32, #tpu.memory_space<hbm>> -> memref<64x32xf32, #tpu.memory_space<hbm>>
      %dma_start3A_221 = tpu.memref_slice %arg4[%add3A_164, %mul3A_219] : memref<50176x64xf32, #tpu.memory_space<hbm>> -> memref<64x32xf32, #tpu.memory_space<hbm>>
      tpu.enqueue_dma source(%arg14 : memref<64x32xf32, #tpu.memory_space<vmem>>) target(%dma_start3A_221 : memref<64x32xf32, #tpu.memory_space<hbm>>) target_semaphore(%arg16 : memref<!tpu.dma_semaphore, #tpu.memory_space<semaphore_mem>>)
      %dma_wait3A_222 = tpu.memref_slice %arg4[%add3A_164, %mul3A_219] : memref<50176x64xf32, #tpu.memory_space<hbm>> -> memref<64x32xf32, #tpu.memory_space<hbm>>
      %dma_wait3A_223 = tpu.memref_slice %arg4[%add3A_164, %mul3A_219] : memref<50176x64xf32, #tpu.memory_space<hbm>> -> memref<64x32xf32, #tpu.memory_space<hbm>>
      tpu.wait_dma2 semaphore(%arg16 : memref<!tpu.dma_semaphore, #tpu.memory_space<semaphore_mem>>) src(%arg14 : memref<64x32xf32, #tpu.memory_space<vmem>>) dst(%dma_wait3A_223 : memref<64x32xf32, #tpu.memory_space<hbm>>)
      %scan3A_224 = arith.constant 0 : i32
      scf.yield %scan3A_224 : i32
    }
    %scan3A_156 = arith.constant 49 : i32
    "tpu.trace_stop"() : () -> ()
    return
  }
}

</mosaic_0001>

<sc_bundles>
// kernel: _lightgcn_sc.3.cloned.1.call-start
scs
__scs_entry_jumppad:
0x0: {  	(pc) =	sbr.rel $0x88, $3  }
0x1: {  	(tag) =	ssettag $0x0;
	lr =	simm.s32 $0x1  }
0x2: {  	[smem:$0x3F9F] =	sst lr;
	_ =	strace $0xD0000000  }
0x3: {  	_ = 	snop  }
0x4: {  	_ = 	snop  }
0x5: {  	_ = 	snop  }
0x6: {  	_ = 	snop  }
0x7: {  	_ = 	snop  }
__scs_overlays_trampoline_lowered:
0x8: {  	[smem:$0x3FAE] =	sst s0  }
0x9: {  	[smem:$0x3FAF] =	sst s1  }
0xa: {  	[smem:$0x3FB0] =	sst s2  }
0xb: {  	[smem:$0x3FB1] =	sst s3  }
0xc: {  	[smem:$0x3FB2] =	sst s4  }
0xd: {  	[smem:$0x3FB3] =	sst s5  }
0xe: {  	[smem:$0x3FB4] =	sst s6  }
0xf: {  	[smem:$0x3FB5] =	sst s7  }
0x10: {  	[smem:$0x3FB6] =	sst s8  }
0x11: {  	[smem:$0x3FB7] =	sst s9;
	s0 =	simm.s32 @!p0 $0x0  }
0x12: {  	s1 =	sld [smem:$0x3F9D];
	s0 =	simm.s32 @p0 $0x1  }
0x13: {  	[smem:$0x3FB8] =	sst s0;
	s0 =	simm.s32 @!p1 $0x0  }
0x14: {  	s2 =	sld [smem:$0x3F9C];
	s0 =	simm.s32 @p1 $0x1  }
0x15: {  	[smem:$0x3FB9] =	sst s0;
	s0 =	simm.s32 @!p2 $0x0  }
0x16: {  	s3 =	sld [smem:$0x3FDB];
	s0 =	simm.s32 @p2 $0x1  }
0x17: {  	s4 =	simm.s32 $0x1BF5;
	[smem:$0x3FBB] =	sst s0  }
0x18: {  	s0 =	sld [smem:$0x3F9E];
	_ =	swait.ge [sflag:s4], $0x0  }
0x19: {  	s7 =	sld [smem:$0x3F9F]  }
0x1a: {  	s8 =	sadd.s32 $0xFFFFE003, lr  }
0x1b: {  	s9 =	sadd.s32 $0xFFFFFEF7, lr;
	s5 =	simm.s32 $0xFFFFFFFF;
	p2 =	slt.u32 s8, $0xFFFFF086  }
0x1c: {  	p1 =	slt.u32 s9, $0xF7A;
	s5 =	simm.s32 @!p2 $0x0  }
0x1d: {  	s5 =	simm.s32 @p1 $0x1;
	p0 =	seq.s32 s7, s2  }
0x1e: {  	s7 =	smul.u32 @!p0 $0xF7A, s2;
	p2 =	seq.s32 @!p0 s5, $0x0  }
0x1f: {  	s9 =	smul.u32 $0xF7A, s1;
	s8 =	simm.s32 @!p0 $0x1BF5;
	p2 =	por !p2, p0  }
0x20: {  	[sflag:s8] =	ssyncset.s32 @!p0 $0xFFFFF086;
	s6 =	sadd.s32 @!p0 s3, s7;
	s7 =	simm.s32 @!p0 $0x108  }
0x21: {  	s3 =	sadd.s32 s3, s9;
	s6 =	sadd.s32 @!p0 $0x88, s6;
	s7 =	simm.s32 @p2 $0x1082  }
0x22: {  	[simem:s7], [sflag:s8] =	dma.local @!p0 [hbm:s6], $0xF7A  }
0x23: {  	s9 =	sor.u32 $0xD0000000, s2;
	s6 =	simm.s32 $0x108;
	_ =	swait.ge @!p0 [sflag:s8], $0x0  }
0x24: {  	s3 =	sadd.s32 $0x88, s3;
	s6 =	simm.s32 @!p1 $0x1082;
	[sflag:s4] =	ssyncset.s32 $0xFFFFF086  }
0x25: {  	[simem:s6], [sflag:s4] =	dma.local [hbm:s3], $0xF7A  }
0x26: {  	[smem:$0x3F9F] =	sst s1;
	(tag) =	ssettag s2;
	_ =	strace s9  }
0x27: {  	s1 =	sld [smem:$0x3FAF]  }
0x28: {  	s2 =	sld [smem:$0x3FB0]  }
0x29: {  	s4 =	sld [smem:$0x3FB2]  }
0x2a: {  	p0 =	seq.s32 s5, $0x0;
	s5 =	sld [smem:$0x3FB3]  }
0x2b: {  	s6 =	sld [smem:$0x3FB4]  }
0x2c: {  	s7 =	sld [smem:$0x3FB5]  }
0x2d: {  	s3 =	simm.s32 $0x108;
	s8 =	sld [smem:$0x3FB6]  }
0x2e: {  	s3 =	simm.s32 @!p0 $0x1082;
	s9 =	sld [smem:$0x3FB7]  }
0x2f: {  	lr =	sadd.s32 s0, s3;
	s0 =	sld [smem:$0x3FAE]  }
0x30: {  	s3 =	sld [smem:$0x3FB1]  }
0x31: {  	[smem:$0x3FBA] =	sst s10  }
0x32: {  	s10 =	sld [smem:$0x3FB8];
	_ =	sdelay $0x3  }
0x33: {  	p0 =	seq.s32 s10, $0x1;
	s10 =	sld [smem:$0x3FBA];
	_ =	sdelay $0x3  }
0x34: {  	[smem:$0x3FBA] =	sst s10  }
0x35: {  	s10 =	sld [smem:$0x3FB9];
	_ =	sdelay $0x3  }
0x36: {  	p1 =	seq.s32 s10, $0x1;
	s10 =	sld [smem:$0x3FBA];
	_ =	sdelay $0x3  }
0x37: {  	[smem:$0x3FBA] =	sst s10  }
0x38: {  	s10 =	sld [smem:$0x3FBB]  }
0x39: {  	_ = 	snop;
	(pc) =	sbr.ind lr, $3  }
0x3a: {  	_ = 	snop  }
0x3b: {  	_ = 	snop  }
0x3c: {  	p2 =	seq.s32 s10, $0x1;
	s10 =	sld [smem:$0x3FBA]  }
0x3d: {  	_ =	shalt  }
0x3e: {  	_ =	shalt  }
0x3f: {  	_ =	shalt  }
0x40: {  	_ =	shalt  }
0x41: {  	_ =	shalt  }
0x42: {  	_ =	shalt  }
0x43: {  	_ =	shalt  }
0x44: {  	_ =	shalt  }
0x45: {  	_ =	shalt  }
0x46: {  	_ =	shalt  }
0x47: {  	_ =	shalt  }
0x48: {  	_ =	shalt  }
0x49: {  	_ =	shalt  }
0x4a: {  	_ =	shalt  }
0x4b: {  	_ =	shalt  }
0x4c: {  	_ =	shalt  }
0x4d: {  	_ =	shalt  }
0x4e: {  	_ =	shalt  }
0x4f: {  	_ =	shalt  }
0x50: {  	_ =	shalt  }
0x51: {  	_ =	shalt  }
0x52: {  	_ =	shalt  }
0x53: {  	_ =	shalt  }
0x54: {  	_ =	shalt  }
0x55: {  	_ =	shalt  }
0x56: {  	_ =	shalt  }
0x57: {  	_ =	shalt  }
0x58: {  	_ =	shalt  }
0x59: {  	_ =	shalt  }
0x5a: {  	_ =	shalt  }
0x5b: {  	_ =	shalt  }
0x5c: {  	_ =	shalt  }
0x5d: {  	_ =	shalt  }
0x5e: {  	_ =	shalt  }
0x5f: {  	_ =	shalt  }
0x60: {  	_ =	shalt  }
0x61: {  	_ =	shalt  }
0x62: {  	_ =	shalt  }
0x63: {  	_ =	shalt  }
0x64: {  	_ =	shalt  }
0x65: {  	_ =	shalt  }
0x66: {  	_ =	shalt  }
0x67: {  	_ =	shalt  }
0x68: {  	_ =	shalt  }
0x69: {  	_ =	shalt  }
0x6a: {  	_ =	shalt  }
0x6b: {  	_ =	shalt  }
0x6c: {  	_ =	shalt  }
0x6d: {  	_ =	shalt  }
0x6e: {  	_ =	shalt  }
0x6f: {  	_ =	shalt  }
0x70: {  	_ =	shalt  }
0x71: {  	_ =	shalt  }
0x72: {  	_ =	shalt  }
0x73: {  	_ =	shalt  }
0x74: {  	_ =	shalt  }
0x75: {  	_ =	shalt  }
0x76: {  	_ =	shalt  }
0x77: {  	_ =	shalt  }
0x78: {  	_ =	shalt  }
0x79: {  	_ =	shalt  }
0x7a: {  	_ =	shalt  }
0x7b: {  	_ =	shalt  }
0x7c: {  	_ =	shalt  }
0x7d: {  	_ =	shalt  }
0x7e: {  	_ =	shalt  }
0x7f: {  	_ =	shalt  }
0x80: {  	_ =	shalt  }
0x81: {  	_ =	shalt  }
0x82: {  	_ =	shalt  }
0x83: {  	_ =	shalt  }
0x84: {  	_ =	shalt  }
0x85: {  	_ =	shalt  }
0x86: {  	_ =	shalt  }
0x87: {  	_ =	shalt  }
.Lfunc_end0:
.L_simem_size_0:
called_computation_lowered:
.L_overlay_start_0:
0x88: {  	s2 =	sld [smem:$0x3FD9]  }
0x89: {  	s3 =	sld [smem:$0x3FFE];
	_ =	sdelay $0x1  }
0x8a: {  	s1 =	srdreg.scid  }
0x8b: {  	s0 =	sand.u32 $0x1, s1  }
0x8c: {  	s17 =	sshll.u32 s0, $0xA;
	s2 =	sadd.s32 s3, s2  }
0x8d: {  	s3 =	sadd.s32 s2, s17  }
0x8e: {  	[smem:$0x3FC6] =	sst s3  }
0x8f: {  	_ = 	snop  }
0x90: {  	s3 =	sld [smem:$0x3FD0];
	(tm) =	ssettm $0x1  }
0x91: {  	s4 =	sld [smem:$0x3FFB];
	_ =	sdelay $0x3  }
0x92: {  	_ =	strace s4  }
0x93: {  	s4 =	sld [smem:$0x3FFC];
	_ =	sdelay $0x3  }
0x94: {  	_ =	strace s4  }
0x95: {  	s4 =	sld [smem:$0x3FFD];
	_ =	sdelay $0x3  }
0x96: {  	_ =	strace s4  }
0x97: {  	_ =	strace $0x8FFFFFFF  }
0x98: {  	s18 =	sld [smem:$0x3FDB];
	_ =	sdelay $0x1  }
0x99: {  	s5 =	simm.s32 $_scs_section_size  }
0x9a: {  	s6 =	simm.s32 $_size__tile_overlayer_lowered;
	s7 =	simm.s32 $_tile_overlayer_lowered  }
0x9b: {  	s21 =	simm.s32 $0x1BFF;
	s20 =	sshll.u32 s7, $0x1;
	s4 =	sadd.s32 s5, s18  }
0x9c: {  	s8 =	simm.s32 $0x0;
	s19 =	sshll.u32 s6, $0x1;
	s6 =	sadd.s32 s20, s4  }
0x9d: {  	[timem:s8], [sflag:s21] =	dma.local [hbm:s6], s19  }
0x9e: {  	_ =	swait.ge [sflag:s21], s19  }
0x9f: {  	s5 =	ssub.s32 $0x0, s19;
	[sflag:s21] =	ssyncset.done $0x0  }
0xa0: {  	[sflag:s21] =	ssyncadd.s32 s5;
	_ =	sdelay $0x1  }
0xa1: {  	s22 =	simm.s32 $0x1B8B  }
0xa2: {  	_ =	swait.ge [sflag:s22], $0x1  }
0xa3: {  	[sflag:s22] =	ssyncset.done $0x0  }
0xa4: {  	s24 =	simm.s32 $0x1B8E;
	s23 =	sld [smem:$0x3FFE];
	[sflag:s22] =	ssyncadd.s32 $0xFFFFFFFF  }
0xa5: {  	s25 =	simm.s32 $execute0_lowered;
	[smem:$0x3FD2] =	sst s24  }
0xa6: {  	s6 =	sshll.u32 s25, $0x1;
	_ =	strace $0x80000046;
	[dreg:$0x1] =	wrdreg $0xFFFFFFFF  }
0xa7: {  	s26 =	simm.s32 $_size_execute0_lowered;
	s4 =	sadd.s32 s4, s6;
	[dreg:$0x0] =	wrdreg $0x0  }
0xa8: {  	s6 =	sshll.u32 s26, $0x1;
	[dreg:$0x2] =	wrdreg s4  }
0xa9: {  	[dreg:$0x3] =	wrdreg s6  }
0xaa: {  	[dreg:$0x4] =	wrdreg $0xC0  }
0xab: {  	_ =	task [dreg:s8], $0x5FFFF  }
0xac: {  	[dreg:$0x1] =	wrdreg $0xFFFFFFFF  }
0xad: {  	[dreg:$0x0] =	wrdreg $0x60  }
0xae: {  	[dreg:$0x2] =	wrdreg s3  }
0xaf: {  	[dreg:$0x3] =	wrdreg s23  }
0xb0: {  	s28 =	sadd.s32 $0x62800, s2;
	[dreg:$0x4] =	wrdreg $0x0  }
0xb1: {  	s2 =	sadd.s32 $0x800, s2;
	[dreg:$0x5] =	wrdreg s28  }
0xb2: {  	[dreg:$0x6] =	wrdreg s2  }
0xb3: {  	[dreg:$0x7] =	wrdreg $0x9  }
0xb4: {  	_ =	task.clear_ibuf [dreg:s8], $0x8FFFF;
	_ =	strace $0x90000046  }
0xb5: {  	s29 =	simm.s32 $0x9;
	_ =	strace $0x80000051  }
0xb6: {  	_ =	swait.ge [sflag:s29], $0x1  }
0xb7: {  	[sflag:s29] =	ssyncadd.s32 $0xFFFFFFFF  }
0xb8: {  	_ =	strace $0x90000051  }
0xb9: {  	_ =	sfence  }
0xba: {  	s30 =	sld [smem:$0x0];
	_ =	sdelay $0x2  }
0xbb: {  	s31 =	sshll.u32 s1, $0xD;
	s1 =	sshrl.u32 s1, $0x2  }
0xbc: {  	s3 =	sand.u32 $0x4000, s31;
	s1 =	sadd.s32 s1, s30  }
0xbd: {  	s0 =	sor.u32 s3, s0;
	s1 =	sshll.u32 s1, $0x11  }
0xbe: {  	s0 =	sor.u32 s1, s0  }
0xbf: {  	s0 =	sadd.s32 $0x8F2B, s0  }
0xc0: {  	[sflag:s0] =	ssyncadd.remote.s32 $0x1  }
0xc1: {  	_ =	sfence.sel $0xFFFF  }
0xc2: {  	[dreg:$0x0] =	wrdreg $0xFFFFFFFF;
	(pc) =	sbr.abs _section_cstart, $3  }
0xc3: {  	[dreg:$0x1] =	wrdreg $0xFFFFFFFF  }
0xc4: {  	_ =	task.clear_ibuf [dreg:s8], $0x2FFFF;
	_ =	strace $0x9FFFFFFF  }
0xc5: {  	(tm) =	ssettm $0x7FFFFFFF  }
tec
execute0_lowered:
.L_overlay_start_1:
0x0: {  	(tag) =	ssettag $0x1  }
0x1: {  	s0 =	rddreg [dreg:$0x1]  }
0x2: {  	s2 =	rddreg [dreg:$0x2]  }
0x3: {  	s11 =	rddreg [dreg:$0x4]  }
0x4: {  	s1 =	srdreg.scid;
	s10 =	stileid.u32  }
0x5: {  	s6 =	simm.s32 $0x0;
	s1 =	sand.u32 $0x1, s1;
	s12 =	smul.u32 $0xC40, s10  }
0x6: {  	[smem:$0x7FF] =	sst s6;
	s5 =	smul.u32 $0xC350, s10;
	s7 =	sadd.s32 $0x600, s0  }
0x7: {  	s13 =	sadd.s32 $0x31400, s0;
	s3 =	smul.u32 $0xC400, s1;
	_ =	strace $0x80000047  }
0x8: {  	s4 =	ssub.s32 $0x2, s1;
	s17 =	sshll.u32 s1, $0x2;
	[dreg:$0x7] =	wrdreg s13  }
0x9: {  	s8 =	sshrl.u32 s4, $0x1;
	s14 =	sshrl.u32 s5, $0x3;
	[dreg:$0x6] =	wrdreg s12  }
0xa: {  	[dreg:$0xb] =	wrdreg s17;
	s18 =	sadd.s32 s13, s17;
	s8 =	ssub.s32 s4, s8  }
0xb: {  	s3 =	sadd.s32 s12, s3;
	s4 =	sadd.s32 s7, s14;
	[dreg:$0xd] =	wrdreg s18  }
0xc: {  	s9 =	smul.u32 $0x62000, s10;
	[dreg:$0x8] =	wrdreg s3;
	s16 =	sadd.s32 $0x1838, s4  }
0xd: {  	s4 =	sadd.s32 $0x19ED8, s4;
	[dreg:$0xa] =	wrdreg s16  }
0xe: {  	s15 =	sshrl.u32 s9, $0x2;
	s0 =	smax.u32 s8, $0x1;
	[dreg:$0xc] =	wrdreg s4  }
0xf: {  	s3 =	sadd.s32 s15, s2;
	[dreg:$0xe] =	wrdreg s0  }
0x10: {  	s19 =	sadd.s32 $0x800, s3;
	[dreg:$0x9] =	wrdreg s3  }
0x11: {  	s20 =	sadd.s32 $0x1000, s3;
	[dreg:$0xf] =	wrdreg s19  }
0x12: {  	s21 =	sadd.s32 $0x1800, s3;
	[dreg:$0x10] =	wrdreg s20  }
0x13: {  	s22 =	sadd.s32 $0x2000, s3;
	[dreg:$0x11] =	wrdreg s21  }
0x14: {  	s24 =	sadd.s32 $0x2800, s3;
	[dreg:$0x12] =	wrdreg s22  }
0x15: {  	s25 =	sadd.s32 $0x3000, s3;
	[dreg:$0x13] =	wrdreg s24  }
0x16: {  	s26 =	sadd.s32 $0x3800, s3;
	[dreg:$0x14] =	wrdreg s25  }
0x17: {  	s23 =	smul.u32 $0x186A, s10;
	s4 =	sadd.s32 $0x4000, s3;
	[dreg:$0x15] =	wrdreg s26  }
0x18: {  	s5 =	sadd.s32 $0x4800, s3;
	[dreg:$0x16] =	wrdreg s4  }
0x19: {  	s23 =	sadd.s32 s23, s7;
	s7 =	sadd.s32 $0x5000, s3;
	[dreg:$0x17] =	wrdreg s5  }
0x1a: {  	s8 =	sadd.s32 $0x5800, s3;
	[dreg:$0x18] =	wrdreg s7  }
0x1b: {  	s9 =	sadd.s32 $0x6000, s3;
	[dreg:$0x19] =	wrdreg s8  }
0x1c: {  	s10 =	sadd.s32 $0x6800, s3;
	[dreg:$0x1a] =	wrdreg s9  }
0x1d: {  	s12 =	sadd.s32 $0x7800, s3;
	[dreg:$0x1b] =	wrdreg s10  }
0x1e: {  	s13 =	sadd.s32 $0x8000, s3;
	[dreg:$0x1d] =	wrdreg s12  }
0x1f: {  	s14 =	sadd.s32 $0x8800, s3;
	[dreg:$0x1e] =	wrdreg s13  }
0x20: {  	s15 =	sadd.s32 $0x9000, s3;
	[dreg:$0x1f] =	wrdreg s14  }
0x21: {  	s16 =	sadd.s32 $0x9800, s3;
	[smem:$0x7DF] =	sst s15  }
0x22: {  	s1 =	smul.u32 $0x31000, s1;
	s17 =	sadd.s32 $0xA000, s3;
	[smem:$0x7E0] =	sst s16  }
0x23: {  	s18 =	sadd.s32 $0xA800, s3;
	[smem:$0x7E1] =	sst s17  }
0x24: {  	s25 =	sadd.s32 s1, s11;
	s11 =	sadd.s32 $0x7000, s3;
	[smem:$0x7E2] =	sst s18  }
0x25: {  	s19 =	sadd.s32 $0xB000, s3;
	[dreg:$0x1c] =	wrdreg s11  }
0x26: {  	s20 =	sadd.s32 $0xB800, s3;
	[smem:$0x7E3] =	sst s19  }
0x27: {  	s21 =	sadd.s32 $0xC000, s3;
	[smem:$0x7E4] =	sst s20  }
0x28: {  	s22 =	sadd.s32 $0xC800, s3;
	[smem:$0x7E5] =	sst s21  }
0x29: {  	s24 =	sadd.s32 $0xD000, s3;
	[smem:$0x7E6] =	sst s22  }
0x2a: {  	s26 =	sadd.s32 $0xD800, s3;
	[smem:$0x7E7] =	sst s24  }
0x2b: {  	s1 =	sadd.s32 $0xE000, s3;
	[smem:$0x7E8] =	sst s26  }
0x2c: {  	s4 =	sadd.s32 $0xE800, s3;
	[smem:$0x7E9] =	sst s1  }
0x2d: {  	s5 =	sadd.s32 $0xF000, s3;
	[smem:$0x7EA] =	sst s4  }
0x2e: {  	s7 =	sadd.s32 $0xF800, s3;
	[smem:$0x7EB] =	sst s5  }
0x2f: {  	s8 =	sadd.s32 $0x10000, s3;
	[smem:$0x7EC] =	sst s7  }
0x30: {  	s9 =	sadd.s32 $0x10800, s3;
	[smem:$0x7ED] =	sst s8  }
0x31: {  	s10 =	sadd.s32 $0x11000, s3;
	[smem:$0x7EE] =	sst s9  }
0x32: {  	s12 =	sadd.s32 $0x12000, s3;
	[smem:$0x7EF] =	sst s10  }
0x33: {  	s13 =	sadd.s32 $0x12800, s3;
	[smem:$0x7F1] =	sst s12  }
0x34: {  	s28 =	simm.s32 $0x9;
	s14 =	sadd.s32 $0x13000, s3;
	[smem:$0x7F2] =	sst s13  }
0x35: {  	s29 =	simm.s32 $0x1C040;
	s15 =	sadd.s32 $0x13800, s3;
	[smem:$0x7F3] =	sst s14  }
0x36: {  	s30 =	simm.s32 $0x20;
	s16 =	sadd.s32 $0x14000, s3;
	[smem:$0x7F4] =	sst s15  }
0x37: {  	s31 =	simm.s32 $0x40;
	s17 =	sadd.s32 $0x14800, s3;
	[smem:$0x7F5] =	sst s16  }
0x38: {  	s0 =	simm.s32 $0x3;
	s18 =	sadd.s32 $0x15000, s3;
	[smem:$0x7F6] =	sst s17  }
0x39: {  	s11 =	sadd.s32 $0x11800, s3;
	[smem:$0x7F7] =	sst s18;
	s19 =	sadd.s32 $0x15800, s3  }
0x3a: {  	s20 =	sadd.s32 $0x16000, s3;
	s21 =	sadd.s32 $0x16800, s3;
	[smem:$0x7F0] =	sst s11  }
0x3b: {  	s22 =	sadd.s32 $0x17000, s3;
	s24 =	sadd.s32 $0x17800, s3;
	[smem:$0x7F8] =	sst s19  }
0x3c: {  	s26 =	sadd.s32 $0x18000, s3;
	s16 =	simm.s32 $0x1F240;
	[smem:$0x7F9] =	sst s20  }
0x3d: {  	s17 =	simm.s32 $0x1;
	s18 =	simm.s32 $0x18800;
	[smem:$0x7FA] =	sst s21  }
0x3e: {  	s3 =	simm.s32 $0x18B20;
	s15 =	simm.s32 $0x18CB0;
	[smem:$0x7FB] =	sst s22  }
0x3f: {  	s10 =	simm.s32 $0x4;
	s13 =	simm.s32 $0x5;
	[smem:$0x7FC] =	sst s24  }
0x40: {  	s4 =	simm.s32 $0x0;
	[smem:$0x7FD] =	sst s26;
	s19 =	simm.s32 $0x18990  }
0x41: {  	s20 =	simm.s32 $0x190;
	s21 =	simm.s32 $0x18E40;
	s22 =	simm.s32 $0x2  }
0x42: {  	v0 =	vimm.f32 $0.0e+00;
	v1 =	vimm.f32 $1.000000000e+00;
	s24 =	simm.s32 $0x7;
	s26 =	simm.s32 $0x8;
	s11 =	simm.s32 $0x6  }
.LBB2_1:
0x43: {  	[smem:$0x7DE] =	sst s4;
	s1 =	simm.s32 $0x0  }
.LBB2_2:
0x44: {  	p0 =	sne.s32 s1, $0x1F80  }
.Ltmp0:
0x45: {  	_ = 	snop;
	(pc) =	sbr.rel @p0 .LBB2_2-.Ltmp0, $4  }
0x46: {  	_ = 	snop  }
0x47: {  	s4 =	sshra.s32 s1, $0x2  }
0x48: {  	[tilespmem:s4+$0x1F240] =	vst v0  }
0x49: {  	s1 =	sadd.s32 $0x80, s1;
	[tilespmem:s4+$0x1F250] =	vst v0  }
0x4a: {  	s1 =	simm.s32 $0x80;
	s4 =	simm.s32 $0x0  }
.LBB2_4:
0x4b: {  	p0 =	sne.s32 s1, $0xC780;
	[tilespmem:s4+$0x18E40] =	vst v1;
	s5 =	smov.u32 s1;
	s1 =	sadd.s32 $0x80, s1  }
.Ltmp1:
0x4c: {  	[tilespmem:s4+$0x18E50] =	vst v1;
	(pc) =	sbr.rel @p0 .LBB2_4-.Ltmp1, $2  }
0x4d: {  	_ =	sdelay $0x2  }
0x4e: {  	s4 =	sshra.s32 s5, $0x2  }
0x4f: {  	[tilespmem:s4+$0x18E40] =	vst v1  }
0x50: {  	[tilespmem:s4+$0x18E50] =	vst v1  }
0x51: {  	_ =	strace $0x80000048  }
0x52: {  	s1 =	rddreg [dreg:$0x9]  }
0x53: {  	s5 =	rddreg [dreg:$0xf]  }
0x54: {  	[spmem:s1] =	stream.linear.scatter [tilespmem:s16], [sflag:$0x1], $0x800, $0x200038;
	[tilespmem:$0x1FA40] =	vst v63  }
0x55: {  	s7 =	rddreg [dreg:$0x10]  }
0x56: {  	[spmem:s5] =	stream.linear.scatter [tilespmem:s16], [sflag:$0x1], $0x800, $0x200038;
	[tilespmem:$0x1FA40] =	vst v63  }
0x57: {  	s8 =	rddreg [dreg:$0x11]  }
0x58: {  	[spmem:s7] =	stream.linear.scatter [tilespmem:s16], [sflag:$0x1], $0x800, $0x200038;
	[tilespmem:$0x1FA40] =	vst v63  }
0x59: {  	s9 =	rddreg [dreg:$0x12]  }
0x5a: {  	[spmem:s8] =	stream.linear.scatter [tilespmem:s16], [sflag:$0x1], $0x800, $0x200038;
	[tilespmem:$0x1FA40] =	vst v63  }
0x5b: {  	s12 =	rddreg [dreg:$0x13]  }
0x5c: {  	[spmem:s9] =	stream.linear.scatter [tilespmem:s16], [sflag:$0x1], $0x800, $0x200038;
	[tilespmem:$0x1FA40] =	vst v63  }
0x5d: {  	s14 =	rddreg [dreg:$0x14]  }
0x5e: {  	[spmem:s12] =	stream.linear.scatter [tilespmem:s16], [sflag:$0x1], $0x800, $0x200038;
	[tilespmem:$0x1FA40] =	vst v63  }
0x5f: {  	s4 =	rddreg [dreg:$0x15]  }
0x60: {  	[spmem:s14] =	stream.linear.scatter [tilespmem:s16], [sflag:$0x1], $0x800, $0x200038;
	[tilespmem:$0x1FA40] =	vst v63  }
0x61: {  	s5 =	rddreg [dreg:$0x16]  }
0x62: {  	[spmem:s4] =	stream.linear.scatter [tilespmem:s16], [sflag:$0x1], $0x800, $0x200038;
	[tilespmem:$0x1FA40] =	vst v63  }
0x63: {  	s7 =	rddreg [dreg:$0x17]  }
0x64: {  	[spmem:s5] =	stream.linear.scatter [tilespmem:s16], [sflag:$0x1], $0x800, $0x200038;
	[tilespmem:$0x1FA40] =	vst v63  }
0x65: {  	s8 =	rddreg [dreg:$0x18]  }
0x66: {  	[spmem:s7] =	stream.linear.scatter [tilespmem:s16], [sflag:$0x1], $0x800, $0x200038;
	[tilespmem:$0x1FA40] =	vst v63  }
0x67: {  	s9 =	rddreg [dreg:$0x19]  }
0x68: {  	[spmem:s8] =	stream.linear.scatter [tilespmem:s16], [sflag:$0x1], $0x800, $0x200038;
	[tilespmem:$0x1FA40] =	vst v63  }
0x69: {  	s12 =	rddreg [dreg:$0x1a]  }
0x6a: {  	[spmem:s9] =	stream.linear.scatter [tilespmem:s16], [sflag:$0x1], $0x800, $0x200038;
	[tilespmem:$0x1FA40] =	vst v63  }
0x6b: {  	s14 =	rddreg [dreg:$0x1b]  }
0x6c: {  	[spmem:s12] =	stream.linear.scatter [tilespmem:s16], [sflag:$0x1], $0x800, $0x200038;
	[tilespmem:$0x1FA40] =	vst v63  }
0x6d: {  	s4 =	rddreg [dreg:$0x1c]  }
0x6e: {  	[spmem:s14] =	stream.linear.scatter [tilespmem:s16], [sflag:$0x1], $0x800, $0x200038;
	[tilespmem:$0x1FA40] =	vst v63  }
0x6f: {  	s5 =	rddreg [dreg:$0x1d]  }
0x70: {  	[spmem:s4] =	stream.linear.scatter [tilespmem:s16], [sflag:$0x1], $0x800, $0x200038;
	[tilespmem:$0x1FA40] =	vst v63  }
0x71: {  	s7 =	rddreg [dreg:$0x1e]  }
0x72: {  	[spmem:s5] =	stream.linear.scatter [tilespmem:s16], [sflag:$0x1], $0x800, $0x200038;
	[tilespmem:$0x1FA40] =	vst v63  }
0x73: {  	s8 =	rddreg [dreg:$0x1f]  }
0x74: {  	[spmem:s7] =	stream.linear.scatter [tilespmem:s16], [sflag:$0x1], $0x800, $0x200038;
	[tilespmem:$0x1FA40] =	vst v63  }
0x75: {  	s9 =	sld [smem:$0x7DF]  }
0x76: {  	[spmem:s8] =	stream.linear.scatter [tilespmem:s16], [sflag:$0x1], $0x800, $0x200038;
	[tilespmem:$0x1FA40] =	vst v63  }
0x77: {  	s12 =	sld [smem:$0x7E0]  }
0x78: {  	[spmem:s9] =	stream.linear.scatter [tilespmem:s16], [sflag:$0x1], $0x800, $0x200038;
	[tilespmem:$0x1FA40] =	vst v63  }
0x79: {  	s14 =	sld [smem:$0x7E1]  }
0x7a: {  	[spmem:s12] =	stream.linear.scatter [tilespmem:s16], [sflag:$0x1], $0x800, $0x200038;
	[tilespmem:$0x1FA40] =	vst v63  }
0x7b: {  	s4 =	sld [smem:$0x7E2]  }
0x7c: {  	[spmem:s14] =	stream.linear.scatter [tilespmem:s16], [sflag:$0x1], $0x800, $0x200038;
	[tilespmem:$0x1FA40] =	vst v63  }
0x7d: {  	s5 =	sld [smem:$0x7E3]  }
0x7e: {  	[spmem:s4] =	stream.linear.scatter [tilespmem:s16], [sflag:$0x1], $0x800, $0x200038;
	[tilespmem:$0x1FA40] =	vst v63  }
0x7f: {  	s7 =	sld [smem:$0x7E4]  }
0x80: {  	[spmem:s5] =	stream.linear.scatter [tilespmem:s16], [sflag:$0x1], $0x800, $0x200038;
	[tilespmem:$0x1FA40] =	vst v63  }
0x81: {  	s8 =	sld [smem:$0x7E5]  }
0x82: {  	[spmem:s7] =	stream.linear.scatter [tilespmem:s16], [sflag:$0x1], $0x800, $0x200038;
	[tilespmem:$0x1FA40] =	vst v63  }
0x83: {  	s9 =	sld [smem:$0x7E6]  }
0x84: {  	[spmem:s8] =	stream.linear.scatter [tilespmem:s16], [sflag:$0x1], $0x800, $0x200038;
	[tilespmem:$0x1FA40] =	vst v63  }
0x85: {  	s12 =	sld [smem:$0x7E7]  }
0x86: {  	[spmem:s9] =	stream.linear.scatter [tilespmem:s16], [sflag:$0x1], $0x800, $0x200038;
	[tilespmem:$0x1FA40] =	vst v63  }
0x87: {  	s14 =	sld [smem:$0x7E8]  }
0x88: {  	[spmem:s12] =	stream.linear.scatter [tilespmem:s16], [sflag:$0x1], $0x800, $0x200038;
	[tilespmem:$0x1FA40] =	vst v63  }
0x89: {  	s4 =	sld [smem:$0x7E9]  }
0x8a: {  	[spmem:s14] =	stream.linear.scatter [tilespmem:s16], [sflag:$0x1], $0x800, $0x200038;
	[tilespmem:$0x1FA40] =	vst v63  }
0x8b: {  	s5 =	sld [smem:$0x7EA]  }
0x8c: {  	[spmem:s4] =	stream.linear.scatter [tilespmem:s16], [sflag:$0x1], $0x800, $0x200038;
	[tilespmem:$0x1FA40] =	vst v63  }
0x8d: {  	s7 =	sld [smem:$0x7EB]  }
0x8e: {  	[spmem:s5] =	stream.linear.scatter [tilespmem:s16], [sflag:$0x1], $0x800, $0x200038;
	[tilespmem:$0x1FA40] =	vst v63  }
0x8f: {  	s8 =	sld [smem:$0x7EC]  }
0x90: {  	[spmem:s7] =	stream.linear.scatter [tilespmem:s16], [sflag:$0x1], $0x800, $0x200038;
	[tilespmem:$0x1FA40] =	vst v63  }
0x91: {  	s9 =	sld [smem:$0x7ED]  }
0x92: {  	[spmem:s8] =	stream.linear.scatter [tilespmem:s16], [sflag:$0x1], $0x800, $0x200038;
	[tilespmem:$0x1FA40] =	vst v63  }
0x93: {  	s12 =	sld [smem:$0x7EE]  }
0x94: {  	[spmem:s9] =	stream.linear.scatter [tilespmem:s16], [sflag:$0x1], $0x800, $0x200038;
	[tilespmem:$0x1FA40] =	vst v63  }
0x95: {  	s14 =	sld [smem:$0x7EF]  }
0x96: {  	[spmem:s12] =	stream.linear.scatter [tilespmem:s16], [sflag:$0x1], $0x800, $0x200038;
	[tilespmem:$0x1FA40] =	vst v63  }
0x97: {  	s4 =	sld [smem:$0x7F0]  }
0x98: {  	[spmem:s14] =	stream.linear.scatter [tilespmem:s16], [sflag:$0x1], $0x800, $0x200038;
	[tilespmem:$0x1FA40] =	vst v63  }
0x99: {  	s5 =	sld [smem:$0x7F1]  }
0x9a: {  	[spmem:s4] =	stream.linear.scatter [tilespmem:s16], [sflag:$0x1], $0x800, $0x200038;
	[tilespmem:$0x1FA40] =	vst v63  }
0x9b: {  	s7 =	sld [smem:$0x7F2]  }
0x9c: {  	[spmem:s5] =	stream.linear.scatter [tilespmem:s16], [sflag:$0x1], $0x800, $0x200038;
	[tilespmem:$0x1FA40] =	vst v63  }
0x9d: {  	s8 =	sld [smem:$0x7F3]  }
0x9e: {  	[spmem:s7] =	stream.linear.scatter [tilespmem:s16], [sflag:$0x1], $0x800, $0x200038;
	[tilespmem:$0x1FA40] =	vst v63  }
0x9f: {  	s9 =	sld [smem:$0x7F4]  }
0xa0: {  	[spmem:s8] =	stream.linear.scatter [tilespmem:s16], [sflag:$0x1], $0x800, $0x200038;
	[tilespmem:$0x1FA40] =	vst v63  }
0xa1: {  	s12 =	sld [smem:$0x7F5]  }
0xa2: {  	[spmem:s9] =	stream.linear.scatter [tilespmem:s16], [sflag:$0x1], $0x800, $0x200038;
	[tilespmem:$0x1FA40] =	vst v63  }
0xa3: {  	s14 =	sld [smem:$0x7F6]  }
0xa4: {  	[spmem:s12] =	stream.linear.scatter [tilespmem:s16], [sflag:$0x1], $0x800, $0x200038;
	[tilespmem:$0x1FA40] =	vst v63  }
0xa5: {  	s4 =	sld [smem:$0x7F7]  }
0xa6: {  	[spmem:s14] =	stream.linear.scatter [tilespmem:s16], [sflag:$0x1], $0x800, $0x200038;
	[tilespmem:$0x1FA40] =	vst v63  }
0xa7: {  	s5 =	sld [smem:$0x7F8]  }
0xa8: {  	[spmem:s4] =	stream.linear.scatter [tilespmem:s16], [sflag:$0x1], $0x800, $0x200038;
	[tilespmem:$0x1FA40] =	vst v63  }
0xa9: {  	s7 =	sld [smem:$0x7F9]  }
0xaa: {  	[spmem:s5] =	stream.linear.scatter [tilespmem:s16], [sflag:$0x1], $0x800, $0x200038;
	[tilespmem:$0x1FA40] =	vst v63  }
0xab: {  	s8 =	sld [smem:$0x7FA]  }
0xac: {  	[spmem:s7] =	stream.linear.scatter [tilespmem:s16], [sflag:$0x1], $0x800, $0x200038;
	[tilespmem:$0x1FA40] =	vst v63  }
0xad: {  	s9 =	sld [smem:$0x7FB]  }
0xae: {  	[spmem:s8] =	stream.linear.scatter [tilespmem:s16], [sflag:$0x1], $0x800, $0x200038;
	[tilespmem:$0x1FA40] =	vst v63  }
0xaf: {  	s12 =	sld [smem:$0x7FC]  }
0xb0: {  	[spmem:s9] =	stream.linear.scatter [tilespmem:s16], [sflag:$0x1], $0x800, $0x200038;
	[tilespmem:$0x1FA40] =	vst v63  }
0xb1: {  	s14 =	sld [smem:$0x7FD]  }
0xb2: {  	[spmem:s12] =	stream.linear.scatter [tilespmem:s16], [sflag:$0x1], $0x800, $0x200038;
	[tilespmem:$0x1FA40] =	vst v63  }
0xb3: {  	_ = 	snop  }
0xb4: {  	[spmem:s14] =	stream.linear.scatter [tilespmem:s16], [sflag:$0x1], $0x800, $0x200038;
	[tilespmem:$0x1FA40] =	vst v63  }
0xb5: {  	_ =	swait.ge [sflag:s17], $0x800  }
0xb6: {  	s1 =	simm.s32 $0x30;
	[sflag:s17] =	ssyncset.done $0x0  }
.LBB2_6:
0xb7: {  	p0 =	sne.s32 s1, $0x1;
	s1 =	sadd.s32 $0xFFFFFFFF, s1;
	[sflag:s17] =	ssyncadd.s32 $0xFFFFF800  }
.Ltmp2:
0xb8: {  	(pc) =	sbr.rel @p0 .LBB2_6-.Ltmp2, $3  }
0xb9: {  	_ =	sdelay $0x1  }
0xba: {  	_ =	swait.ge [sflag:s17], $0x800  }
0xbb: {  	[sflag:s17] =	ssyncset.done $0x0  }
0xbc: {  	[sflag:s17] =	ssyncadd.s32 $0xFFFFF800  }
0xbd: {  	[bflag:$0x0] =	sbarrier.arrive $0xFFFF  }
0xbe: {  	_ =	strace $0x90000048  }
0xbf: {  	s1 =	sadd.s32 $0x0, s23;
	_ =	strace $0x80000049  }
0xc0: {  	[tilespmem:s18], [sflag:$0x1] =	stream.linear.gather [hbm4b:s1+s6], $0x190, $0x200038;
	[tilespmem:$0x1FA40] =	vst v63  }
0xc1: {  	s1 =	sadd.s32 $0x32, s1  }
0xc2: {  	[tilespmem:s19], [sflag:$0x2] =	stream.linear.gather [hbm4b:s1+s6], $0x190, $0x200038;
	[tilespmem:$0x1FA40] =	vst v63  }
0xc3: {  	_ =	swait.ge [sflag:s17], $0x190  }
0xc4: {  	[sflag:s17] =	ssyncset.done $0x0  }
0xc5: {  	[sflag:s17] =	ssyncadd.s32 $0xFFFFFE70  }
0xc6: {  	[spmem:s2] =	stream.indirect.scatter.add.f32 [tilespmem:s21], [sflag:$0x7], $0x20, s18, s20, $0x2000b8;
	[tilespmem:$0x1FA40] =	vst v63  }
0xc7: {  	_ =	swait.ge [sflag:s22], $0x190  }
0xc8: {  	[sflag:s22] =	ssyncset.done $0x0  }
0xc9: {  	[sflag:s22] =	ssyncadd.s32 $0xFFFFFE70  }
0xca: {  	[spmem:s2] =	stream.indirect.scatter.add.f32 [tilespmem:s21], [sflag:$0x8], $0x20, s19, s20, $0x2000b8;
	[tilespmem:$0x1FA40] =	vst v63  }
0xcb: {  	_ =	swait.ge [sflag:s24], $0x3200  }
0xcc: {  	[sflag:s24] =	ssyncset.done $0x0  }
0xcd: {  	[sflag:s24] =	ssyncadd.s32 $0xFFFFCE00  }
0xce: {  	_ =	swait.ge [sflag:s26], $0x3200  }
0xcf: {  	s4 =	simm.s32 $0xC8;
	s1 =	simm.s32 $0x64;
	[sflag:s26] =	ssyncset.done $0x0  }
.LBB2_8:
0xd0: {  	s5 =	sadd.s32 s1, s23  }
0xd1: {  	[sflag:s26] =	ssyncadd.s32 $0xFFFFCE00;
	s1 =	smov.u32 s4;
	s7 =	sadd.s32 $0x64, s4  }
0xd2: {  	[tilespmem:s18], [sflag:$0x1] =	stream.linear.gather [hbm4b:s5+s6], $0x190, $0x200038;
	[tilespmem:$0x1FA40] =	vst v63  }
0xd3: {  	p0 =	sne.s32 s4, $0x17D4;
	s4 =	sadd.s32 $0x32, s5  }
0xd4: {  	[tilespmem:s19], [sflag:$0x2] =	stream.linear.gather [hbm4b:s4+s6], $0x190, $0x200038;
	[tilespmem:$0x1FA40] =	vst v63  }
0xd5: {  	_ =	swait.ge [sflag:s17], $0x190  }
0xd6: {  	[sflag:s17] =	ssyncset.done $0x0  }
0xd7: {  	[sflag:s17] =	ssyncadd.s32 $0xFFFFFE70  }
0xd8: {  	[spmem:s2] =	stream.indirect.scatter.add.f32 [tilespmem:s21], [sflag:$0x7], $0x20, s18, s20, $0x2000b8;
	[tilespmem:$0x1FA40] =	vst v63  }
0xd9: {  	_ =	swait.ge [sflag:s22], $0x190  }
0xda: {  	[sflag:s22] =	ssyncset.done $0x0  }
0xdb: {  	[sflag:s22] =	ssyncadd.s32 $0xFFFFFE70  }
0xdc: {  	[spmem:s2] =	stream.indirect.scatter.add.f32 [tilespmem:s21], [sflag:$0x8], $0x20, s19, s20, $0x2000b8;
	[tilespmem:$0x1FA40] =	vst v63  }
.Ltmp3:
0xdd: {  	_ =	swait.ge [sflag:s24], $0x3200;
	(pc) =	sbr.rel @p0 .LBB2_8-.Ltmp3, $4  }
0xde: {  	[sflag:s24] =	ssyncset.done $0x0  }
0xdf: {  	[sflag:s24] =	ssyncadd.s32 $0xFFFFCE00  }
0xe0: {  	_ =	swait.ge [sflag:s26], $0x3200  }
0xe1: {  	s4 =	smov.u32 s7;
	[sflag:s26] =	ssyncset.done $0x0  }
0xe2: {  	s1 =	sadd.s32 s1, s23;
	[sflag:s26] =	ssyncadd.s32 $0xFFFFCE00  }
0xe3: {  	[tilespmem:s18], [sflag:$0x1] =	stream.linear.gather [hbm4b:s1+s6], $0x190, $0x200038;
	[tilespmem:$0x1FA40] =	vst v63  }
0xe4: {  	s1 =	sadd.s32 $0x32, s1  }
0xe5: {  	[tilespmem:s19], [sflag:$0x2] =	stream.linear.gather [hbm4b:s1+s6], $0x190, $0x200038;
	[tilespmem:$0x1FA40] =	vst v63  }
0xe6: {  	_ =	swait.ge [sflag:s17], $0x190  }
0xe7: {  	[sflag:s17] =	ssyncset.done $0x0  }
0xe8: {  	[sflag:s17] =	ssyncadd.s32 $0xFFFFFE70  }
0xe9: {  	[spmem:s2] =	stream.indirect.scatter.add.f32 [tilespmem:s21], [sflag:$0x7], $0x20, s18, s20, $0x2000b8;
	[tilespmem:$0x1FA40] =	vst v63  }
0xea: {  	_ =	swait.ge [sflag:s22], $0x190  }
0xeb: {  	[sflag:s22] =	ssyncset.done $0x0  }
0xec: {  	[sflag:s22] =	ssyncadd.s32 $0xFFFFFE70  }
0xed: {  	[spmem:s2] =	stream.indirect.scatter.add.f32 [tilespmem:s21], [sflag:$0x8], $0x20, s19, s20, $0x2000b8;
	[tilespmem:$0x1FA40] =	vst v63  }
0xee: {  	_ =	swait.ge [sflag:s24], $0x3200  }
0xef: {  	[sflag:s24] =	ssyncset.done $0x0  }
0xf0: {  	[sflag:s24] =	ssyncadd.s32 $0xFFFFCE00  }
0xf1: {  	_ =	swait.ge [sflag:s26], $0x3200  }
0xf2: {  	[sflag:s26] =	ssyncset.done $0x0  }
0xf3: {  	s1 =	simm.s32 $0x0;
	s4 =	rddreg [dreg:$0xa];
	[sflag:s26] =	ssyncadd.s32 $0xFFFFCE00  }
0xf4: {  	[tilespmem:s18], [sflag:$0x9] =	stream.linear.gather [hbm4b:s4+s1], $0x190, $0x200038;
	[tilespmem:$0x1FA40] =	vst v63  }
0xf5: {  	_ =	swait.ge [sflag:s28], $0x190  }
0xf6: {  	[sflag:s28] =	ssyncset.done $0x0  }
0xf7: {  	[sflag:s28] =	ssyncadd.s32 $0xFFFFFE70  }
0xf8: {  	[spmem:s2] =	stream.indirect.scatter.add.f32 [tilespmem:s21], [sflag:$0x9], $0x20, s18, s20, $0x2000b8;
	[tilespmem:$0x1FA40] =	vst v63  }
0xf9: {  	_ =	swait.ge [sflag:s28], $0x3200  }
0xfa: {  	[sflag:s28] =	ssyncset.done $0x0  }
0xfb: {  	[sflag:s28] =	ssyncadd.s32 $0xFFFFCE00  }
0xfc: {  	[bflag:$0x0] =	sbarrier.arrive $0xFFFF  }
0xfd: {  	_ =	strace $0x90000049  }
0xfe: {  	_ =	strace $0x8000004A  }
.LBB2_10:
0xff: {  	s12 =	sshll.u32 s1, $0x6;
	s4 =	rddreg [dreg:$0x6]  }
0x100: {  	s4 =	sadd.s32 s4, s12  }
0x101: {  	s5 =	sshll.u32 s4, $0x5  }
0x102: {  	s9 =	rddreg [dreg:$0xb];
	s4 =	sshll.u32 s4, $0x3;
	s5 =	sand.u32 $0x3FFFFFE0, s5  }
0x103: {  	s14 =	rddreg [dreg:$0x0];
	s8 =	sadd.s32 s5, s2;
	s5 =	sor.u32 s9, s4  }
0x104: {  	[tilespmem:s29], [sflag:$0x1] =	stream.linear.gather [spmem:s8], $0x800, $0x200038;
	[tilespmem:$0x1FA40] =	vst v63  }
0x105: {  	s4 =	sadd.s32 s14, s5  }
0x106: {  	[tilespmem:s21], [sflag:$0x2] =	stream.strided.gather [hbm4b:s4+s30], $0x800, s31, s30, $0x200038;
	[tilespmem:$0x1FA40] =	vst v63  }
0x107: {  	_ =	swait.ge [sflag:s17], $0x800  }
0x108: {  	[sflag:s17] =	ssyncset.done $0x0  }
0x109: {  	[sflag:s17] =	ssyncadd.s32 $0xFFFFF800  }
0x10a: {  	_ =	swait.ge [sflag:s22], $0x800  }
0x10b: {  	[sflag:s22] =	ssyncset.done $0x0  }
0x10c: {  	s4 =	simm.s32 $0x0;
	[sflag:s22] =	ssyncadd.s32 $0xFFFFF800  }
0x10d: {  	v2 =	vld [tilespmem:s4+$0x1C040];
	_ =	sdelay $0x2  }
0x10e: {  	v6 =	vld [tilespmem:s4+$0x1C050];
	_ =	sdelay $0x1  }
0x10f: {  	v3 =	vshra.s32 v2, $0x1;
	v4 =	vmul.f32 $5.000000000e-01, v2  }
0x110: {  	v3 =	vsub.s32 $0x5F3759DF, v3  }
0x111: {  	v8 =	vmul.f32 v3, v4  }
0x112: {  	v5 =	vshra.s32 v6, $0x1;
	v7 =	vmul.f32 $5.000000000e-01, v6  }
0x113: {  	v5 =	vsub.s32 $0x5F3759DF, v5;
	v8 =	vmul.f32 v3, v8  }
0x114: {  	v9 =	vmul.f32 v5, v7  }
0x115: {  	v8 =	vsub.f32 $1.500000000e+00, v8  }
0x116: {  	v9 =	vmul.f32 v5, v9  }
0x117: {  	v3 =	vmul.f32 v3, v8  }
0x118: {  	v9 =	vsub.f32 $1.500000000e+00, v9  }
0x119: {  	v8 =	vmul.f32 v3, v4  }
0x11a: {  	v5 =	vmul.f32 v5, v9  }
0x11b: {  	v8 =	vmul.f32 v8, v3  }
0x11c: {  	v9 =	vmul.f32 v5, v7  }
0x11d: {  	v8 =	vsub.f32 $1.500000000e+00, v8  }
0x11e: {  	v9 =	vmul.f32 v9, v5  }
0x11f: {  	v3 =	vmul.f32 v8, v3  }
0x120: {  	v9 =	vsub.f32 $1.500000000e+00, v9  }
0x121: {  	v4 =	vmul.f32 v3, v4  }
0x122: {  	v5 =	vmul.f32 v9, v5  }
0x123: {  	v4 =	vmul.f32 v4, v3  }
0x124: {  	v7 =	vmul.f32 v5, v7  }
0x125: {  	v4 =	vsub.f32 $1.500000000e+00, v4  }
0x126: {  	v7 =	vmul.f32 v7, v5  }
0x127: {  	v4 =	vmul.f32 v4, v3;
	v3 =	vld [tilespmem:s4+$0x18E40]  }
0x128: {  	vm0 =	vgt.f32 v2, $5.000000000e-01;
	v2 =	vld [tilespmem:s4+$0x18E50];
	v7 =	vsub.f32 $1.500000000e+00, v7;
	_ =	sdelay $0x1  }
0x129: {  	v5 =	vmul.f32 v7, v5  }
0x12a: {  	s7 =	simm.s32 $0x80;
	s14 =	simm.s32 $0x100;
	v4 =	vnsel vm0, $0x0, v4;
	vm0 =	vgt.f32 v6, $5.000000000e-01  }
.LBB2_11:
0x12b: {  	p0 =	sne.s32 s14, $0x1F80;
	s9 =	sshra.s32 s7, $0x2;
	[tilespmem:s4+$0x1C040] =	vst v4;
	v6 =	vmul.f32 $2.500000000e-01, v3;
	v3 =	vmul.f32 v4, v3;
	v4 =	vnsel vm0, $0x0, v5;
	s7 =	smov.u32 s14  }
0x12c: {  	v5 =	vld [tilespmem:s9+$0x1C040];
	[tilespmem:s4+$0x1C050] =	vst v4;
	v7 =	vmul.f32 $2.500000000e-01, v2;
	v2 =	vmul.f32 v4, v2  }
0x12d: {  	v8 =	vld [tilespmem:s9+$0x1C050];
	[tilespmem:s4+$0x18E40] =	vst v3  }
0x12e: {  	[tilespmem:s4+$0x18E50] =	vst v2  }
0x12f: {  	[tilespmem:s4+$0x1F240] =	vst v6  }
0x130: {  	[tilespmem:s4+$0x1F250] =	vst v7;
	s4 =	smov.u32 s9  }
0x131: {  	v2 =	vshra.s32 v5, $0x1;
	v3 =	vmul.f32 $5.000000000e-01, v5  }
0x132: {  	v2 =	vsub.s32 $0x5F3759DF, v2;
	v4 =	vshra.s32 v8, $0x1;
	v6 =	vmul.f32 $5.000000000e-01, v8  }
0x133: {  	v7 =	vmul.f32 v2, v3;
	v4 =	vsub.s32 $0x5F3759DF, v4  }
0x134: {  	v9 =	vmul.f32 v4, v6  }
0x135: {  	v7 =	vmul.f32 v2, v7  }
0x136: {  	v9 =	vmul.f32 v4, v9  }
0x137: {  	v7 =	vsub.f32 $1.500000000e+00, v7  }
0x138: {  	v9 =	vsub.f32 $1.500000000e+00, v9  }
0x139: {  	v2 =	vmul.f32 v2, v7  }
0x13a: {  	v4 =	vmul.f32 v4, v9  }
0x13b: {  	v7 =	vmul.f32 v2, v3  }
0x13c: {  	v9 =	vmul.f32 v4, v6  }
0x13d: {  	v7 =	vmul.f32 v7, v2  }
0x13e: {  	v9 =	vmul.f32 v9, v4  }
0x13f: {  	v7 =	vsub.f32 $1.500000000e+00, v7  }
0x140: {  	v9 =	vsub.f32 $1.500000000e+00, v9  }
0x141: {  	v7 =	vmul.f32 v7, v2  }
0x142: {  	v4 =	vmul.f32 v9, v4  }
0x143: {  	v2 =	vmul.f32 v7, v3  }
0x144: {  	v3 =	vmul.f32 v4, v6  }
0x145: {  	v2 =	vmul.f32 v2, v7  }
0x146: {  	v6 =	vmul.f32 v3, v4  }
.Ltmp4:
0x147: {  	v9 =	vsub.f32 $1.500000000e+00, v2;
	v3 =	vld [tilespmem:s4+$0x18E40];
	(pc) =	sbr.rel @p0 .LBB2_11-.Ltmp4, $4  }
0x148: {  	v6 =	vsub.f32 $1.500000000e+00, v6;
	v2 =	vld [tilespmem:s4+$0x18E50]  }
0x149: {  	v7 =	vmul.f32 v9, v7  }
0x14a: {  	vm0 =	vgt.f32 v5, $5.000000000e-01;
	v5 =	vmul.f32 v6, v4  }
0x14b: {  	s14 =	sadd.s32 $0x80, s14;
	v4 =	vnsel vm0, $0x0, v7;
	vm0 =	vgt.f32 v8, $5.000000000e-01  }
0x14c: {  	s7 =	sshra.s32 s7, $0x2;
	[tilespmem:s4+$0x1C040] =	vst v4;
	v5 =	vnsel vm0, $0x0, v5  }
0x14d: {  	v6 =	vld [tilespmem:s7+$0x1C040];
	[tilespmem:s4+$0x1C050] =	vst v5  }
0x14e: {  	v7 =	vld [tilespmem:s7+$0x1C050];
	_ =	sdelay $0x3  }
0x14f: {  	v8 =	vshra.s32 v6, $0x1;
	v9 =	vmul.f32 $5.000000000e-01, v6  }
0x150: {  	v8 =	vsub.s32 $0x5F3759DF, v8;
	v10 =	vshra.s32 v7, $0x1;
	v11 =	vmul.f32 $5.000000000e-01, v7  }
0x151: {  	v12 =	vmul.f32 v8, v9;
	v10 =	vsub.s32 $0x5F3759DF, v10  }
0x152: {  	v13 =	vmul.f32 v10, v11  }
0x153: {  	v12 =	vmul.f32 v8, v12  }
0x154: {  	v13 =	vmul.f32 v10, v13  }
0x155: {  	v12 =	vsub.f32 $1.500000000e+00, v12  }
0x156: {  	v13 =	vsub.f32 $1.500000000e+00, v13  }
0x157: {  	v8 =	vmul.f32 v8, v12  }
0x158: {  	v10 =	vmul.f32 v10, v13  }
0x159: {  	v12 =	vmul.f32 v8, v9  }
0x15a: {  	v13 =	vmul.f32 v10, v11  }
0x15b: {  	v12 =	vmul.f32 v12, v8  }
0x15c: {  	v59 =	vmul.f32 v4, v3;
	v13 =	vmul.f32 v13, v10  }
0x15d: {  	v3 =	vmul.f32 $2.500000000e-01, v3;
	v12 =	vsub.f32 $1.500000000e+00, v12  }
0x15e: {  	v5 =	vmul.f32 v5, v2;
	[tilespmem:s4+$0x18E40] =	vst v59;
	v13 =	vsub.f32 $1.500000000e+00, v13  }
0x15f: {  	v2 =	vmul.f32 $2.500000000e-01, v2;
	[tilespmem:s4+$0x1F240] =	vst v3;
	v8 =	vmul.f32 v12, v8  }
0x160: {  	[tilespmem:s4+$0x18E50] =	vst v5;
	v10 =	vmul.f32 v13, v10  }
0x161: {  	[tilespmem:s4+$0x1F250] =	vst v2;
	v60 =	vmul.f32 v8, v9  }
0x162: {  	v62 =	vld [tilespmem:s7+$0x18E40];
	v61 =	vmul.f32 v10, v11  }
0x163: {  	v3 =	vmul.f32 v60, v8  }
0x164: {  	v2 =	vmul.f32 v61, v10  }
0x165: {  	v3 =	vsub.f32 $1.500000000e+00, v3  }
0x166: {  	v63 =	vld [tilespmem:s7+$0x18E50];
	v2 =	vsub.f32 $1.500000000e+00, v2  }
0x167: {  	v4 =	vmul.f32 $2.500000000e-01, v62;
	v3 =	vmul.f32 v3, v8  }
0x168: {  	vm14 =	vgt.f32 v6, $5.000000000e-01;
	v2 =	vmul.f32 v2, v10  }
0x169: {  	vm15 =	vgt.f32 v7, $5.000000000e-01;
	[tilespmem:s7+$0x1F240] =	vst v4;
	v3 =	vnsel vm14, $0x0, v3  }
0x16a: {  	[tilespmem:s7+$0x1C040] =	vst v3;
	v3 =	vmul.f32 v3, v62;
	v2 =	vnsel vm15, $0x0, v2  }
0x16b: {  	s14 =	rddreg [dreg:$0x8];
	[tilespmem:s7+$0x1C050] =	vst v2;
	v2 =	vmul.f32 v2, v63  }
0x16c: {  	s4 =	sadd.s32 s14, s12;
	[tilespmem:s7+$0x18E40] =	vst v3;
	v3 =	vmul.f32 $2.500000000e-01, v63  }
0x16d: {  	s9 =	rddreg [dreg:$0x3];
	s4 =	sshll.u32 s4, $0x2;
	[tilespmem:s7+$0x18E50] =	vst v2  }
0x16e: {  	s12 =	rddreg [dreg:$0x7];
	[tilespmem:s7+$0x1F250] =	vst v3;
	s7 =	sadd.s32 s4, s9;
	s9 =	simm.s32 $0x0  }
0x16f: {  	[hbm4b:s7+s9] =	stream.linear.scatter [tilespmem:s29], [sflag:$0x1], $0x800, $0x200038;
	[tilespmem:$0x1FA40] =	vst v63  }
0x170: {  	s14 =	rddreg [dreg:$0x4];
	s5 =	sadd.s32 s12, s5  }
0x171: {  	[hbm4b:s5+s30] =	stream.strided.scatter [tilespmem:s16], [sflag:$0x2], $0x800, s31, s30, $0x200038;
	[tilespmem:$0x1FA40] =	vst v63  }
0x172: {  	s4 =	sadd.s32 s4, s14  }
0x173: {  	[hbm4b:s4+s9] =	stream.linear.scatter [tilespmem:s21], [sflag:$0x3], $0x800, $0x200038;
	[tilespmem:$0x1FA40] =	vst v63  }
0x174: {  	_ =	swait.ge [sflag:s17], $0x800  }
0x175: {  	[sflag:s17] =	ssyncset.done $0x0  }
0x176: {  	[sflag:s17] =	ssyncadd.s32 $0xFFFFF800  }
0x177: {  	_ =	swait.ge [sflag:s22], $0x800  }
0x178: {  	[sflag:s22] =	ssyncset.done $0x0  }
0x179: {  	[sflag:s22] =	ssyncadd.s32 $0xFFFFF800  }
0x17a: {  	_ =	swait.ge [sflag:s0], $0x800  }
0x17b: {  	[sflag:s0] =	ssyncset.done $0x0  }
0x17c: {  	s5 =	simm.s32 $0x0;
	s4 =	simm.s32 $0x80;
	[sflag:s0] =	ssyncadd.s32 $0xFFFFF800  }
.LBB2_13:
0x17d: {  	p0 =	sne.s32 s4, $0x1F80;
	[tilespmem:s5+$0x1F240] =	vst v0;
	s7 =	smov.u32 s4;
	s4 =	sadd.s32 $0x80, s4  }
.Ltmp5:
0x17e: {  	[tilespmem:s5+$0x1F250] =	vst v0;
	(pc) =	sbr.rel @p0 .LBB2_13-.Ltmp5, $2  }
0x17f: {  	_ =	sdelay $0x2  }
0x180: {  	s5 =	sshra.s32 s7, $0x2  }
0x181: {  	s1 =	sadd.s32 $0x1, s1  }
0x182: {  	[tilespmem:s5+$0x1F240] =	vst v0;
	p0 =	sne.s32 s1, $0x31  }
.Ltmp6:
0x183: {  	[tilespmem:s5+$0x1F250] =	vst v0;
	(pc) =	sbr.rel @p0 .LBB2_10-.Ltmp6, $4  }
0x184: {  	[spmem:s8] =	stream.linear.scatter [tilespmem:s16], [sflag:$0x9], $0x800, $0x200038;
	[tilespmem:$0x1FA40] =	vst v63  }
0x185: {  	_ =	swait.ge [sflag:s28], $0x800  }
0x186: {  	[sflag:s28] =	ssyncset.done $0x0  }
0x187: {  	[sflag:s28] =	ssyncadd.s32 $0xFFFFF800  }
0x188: {  	[bflag:$0x0] =	sbarrier.arrive $0xFFFF  }
0x189: {  	s1 =	sadd.s32 $0x0, s23;
	_ =	strace $0x9000004A  }
0x18a: {  	s4 =	sadd.s32 $0x186A0, s1;
	_ =	strace $0x8000004B  }
0x18b: {  	[tilespmem:s3], [sflag:$0x3] =	stream.linear.gather [hbm4b:s4+s6], $0x190, $0x200038;
	[tilespmem:$0x1FA40] =	vst v63  }
0x18c: {  	s14 =	sadd.s32 $0x186D2, s1  }
0x18d: {  	[tilespmem:s15], [sflag:$0x4] =	stream.linear.gather [hbm4b:s14+s6], $0x190, $0x200038;
	[tilespmem:$0x1FA40] =	vst v63  }
0x18e: {  	_ = 	snop  }
0x18f: {  	[tilespmem:s18], [sflag:$0x1] =	stream.linear.gather [hbm4b:s1+s6], $0x190, $0x200038;
	[tilespmem:$0x1FA40] =	vst v63  }
0x190: {  	s1 =	sadd.s32 $0x32, s1  }
0x191: {  	[tilespmem:s19], [sflag:$0x2] =	stream.linear.gather [hbm4b:s1+s6], $0x190, $0x200038;
	[tilespmem:$0x1FA40] =	vst v63  }
0x192: {  	_ =	swait.ge [sflag:s0], $0x190  }
0x193: {  	[sflag:s0] =	ssyncset.done $0x0  }
0x194: {  	[sflag:s0] =	ssyncadd.s32 $0xFFFFFE70  }
0x195: {  	[tilespmem:s21], [sflag:$0x5] =	stream.indirect.gather [hbm4b:s25+s20], $0x20, s3, s20, $0x2000b8;
	[tilespmem:$0x1FA40] =	vst v63  }
0x196: {  	_ =	swait.ge [sflag:s10], $0x190  }
0x197: {  	[sflag:s10] =	ssyncset.done $0x0  }
0x198: {  	[sflag:s10] =	ssyncadd.s32 $0xFFFFFE70  }
0x199: {  	[tilespmem:s29], [sflag:$0x6] =	stream.indirect.gather [hbm4b:s25+s20], $0x20, s15, s20, $0x2000b8;
	[tilespmem:$0x1FA40] =	vst v63  }
0x19a: {  	_ =	swait.ge [sflag:s13], $0x3200  }
0x19b: {  	[sflag:s13] =	ssyncset.done $0x0  }
0x19c: {  	[sflag:s13] =	ssyncadd.s32 $0xFFFFCE00  }
0x19d: {  	_ =	swait.ge [sflag:s17], $0x190  }
0x19e: {  	[sflag:s17] =	ssyncset.done $0x0  }
0x19f: {  	[sflag:s17] =	ssyncadd.s32 $0xFFFFFE70  }
0x1a0: {  	[spmem:s2] =	stream.indirect.scatter.add.f32 [tilespmem:s21], [sflag:$0x7], $0x20, s18, s20, $0x2000b8;
	[tilespmem:$0x1FA40] =	vst v63  }
0x1a1: {  	_ =	swait.ge [sflag:s11], $0x3200  }
0x1a2: {  	[sflag:s11] =	ssyncset.done $0x0  }
0x1a3: {  	[sflag:s11] =	ssyncadd.s32 $0xFFFFCE00  }
0x1a4: {  	_ =	swait.ge [sflag:s22], $0x190  }
0x1a5: {  	[sflag:s22] =	ssyncset.done $0x0  }
0x1a6: {  	[sflag:s22] =	ssyncadd.s32 $0xFFFFFE70  }
0x1a7: {  	[spmem:s2] =	stream.indirect.scatter.add.f32 [tilespmem:s29], [sflag:$0x8], $0x20, s19, s20, $0x2000b8;
	[tilespmem:$0x1FA40] =	vst v63  }
0x1a8: {  	_ =	swait.ge [sflag:s24], $0x3200  }
0x1a9: {  	[sflag:s24] =	ssyncset.done $0x0  }
0x1aa: {  	[sflag:s24] =	ssyncadd.s32 $0xFFFFCE00  }
0x1ab: {  	_ =	swait.ge [sflag:s26], $0x3200  }
0x1ac: {  	s7 =	simm.s32 $0xC8;
	s5 =	sadd.s32 $0x64, s23;
	[sflag:s26] =	ssyncset.done $0x0  }
.LBB2_16:
0x1ad: {  	s8 =	sadd.s32 $0x186A0, s5  }
0x1ae: {  	[sflag:s26] =	ssyncadd.s32 $0xFFFFCE00;
	s4 =	smov.u32 s7;
	s1 =	sadd.s32 $0x64, s7  }
0x1af: {  	[tilespmem:s3], [sflag:$0x3] =	stream.linear.gather [hbm4b:s8+s6], $0x190, $0x200038;
	[tilespmem:$0x1FA40] =	vst v63  }
0x1b0: {  	p0 =	sne.s32 s7, $0x17D4;
	s7 =	sadd.s32 $0x186D2, s5  }
0x1b1: {  	[tilespmem:s15], [sflag:$0x4] =	stream.linear.gather [hbm4b:s7+s6], $0x190, $0x200038;
	[tilespmem:$0x1FA40] =	vst v63  }
0x1b2: {  	_ = 	snop  }
0x1b3: {  	[tilespmem:s18], [sflag:$0x1] =	stream.linear.gather [hbm4b:s5+s6], $0x190, $0x200038;
	[tilespmem:$0x1FA40] =	vst v63  }
0x1b4: {  	s5 =	sadd.s32 $0x32, s5  }
0x1b5: {  	[tilespmem:s19], [sflag:$0x2] =	stream.linear.gather [hbm4b:s5+s6], $0x190, $0x200038;
	[tilespmem:$0x1FA40] =	vst v63  }
0x1b6: {  	_ =	swait.ge [sflag:s0], $0x190  }
0x1b7: {  	[sflag:s0] =	ssyncset.done $0x0  }
0x1b8: {  	[sflag:s0] =	ssyncadd.s32 $0xFFFFFE70  }
0x1b9: {  	[tilespmem:s21], [sflag:$0x5] =	stream.indirect.gather [hbm4b:s25+s20], $0x20, s3, s20, $0x2000b8;
	[tilespmem:$0x1FA40] =	vst v63  }
0x1ba: {  	_ =	swait.ge [sflag:s10], $0x190  }
0x1bb: {  	[sflag:s10] =	ssyncset.done $0x0  }
0x1bc: {  	[sflag:s10] =	ssyncadd.s32 $0xFFFFFE70  }
0x1bd: {  	[tilespmem:s29], [sflag:$0x6] =	stream.indirect.gather [hbm4b:s25+s20], $0x20, s15, s20, $0x2000b8;
	[tilespmem:$0x1FA40] =	vst v63  }
0x1be: {  	_ =	swait.ge [sflag:s13], $0x3200  }
0x1bf: {  	[sflag:s13] =	ssyncset.done $0x0  }
0x1c0: {  	[sflag:s13] =	ssyncadd.s32 $0xFFFFCE00  }
0x1c1: {  	_ =	swait.ge [sflag:s17], $0x190  }
0x1c2: {  	[sflag:s17] =	ssyncset.done $0x0  }
0x1c3: {  	[sflag:s17] =	ssyncadd.s32 $0xFFFFFE70  }
0x1c4: {  	[spmem:s2] =	stream.indirect.scatter.add.f32 [tilespmem:s21], [sflag:$0x7], $0x20, s18, s20, $0x2000b8;
	[tilespmem:$0x1FA40] =	vst v63  }
0x1c5: {  	_ =	swait.ge [sflag:s11], $0x3200  }
0x1c6: {  	[sflag:s11] =	ssyncset.done $0x0  }
0x1c7: {  	[sflag:s11] =	ssyncadd.s32 $0xFFFFCE00  }
0x1c8: {  	_ =	swait.ge [sflag:s22], $0x190  }
0x1c9: {  	[sflag:s22] =	ssyncset.done $0x0  }
0x1ca: {  	[sflag:s22] =	ssyncadd.s32 $0xFFFFFE70  }
0x1cb: {  	[spmem:s2] =	stream.indirect.scatter.add.f32 [tilespmem:s29], [sflag:$0x8], $0x20, s19, s20, $0x2000b8;
	[tilespmem:$0x1FA40] =	vst v63  }
.Ltmp7:
0x1cc: {  	_ =	swait.ge [sflag:s24], $0x3200;
	(pc) =	sbr.rel @p0 .LBB2_16-.Ltmp7, $4  }
0x1cd: {  	[sflag:s24] =	ssyncset.done $0x0  }
0x1ce: {  	[sflag:s24] =	ssyncadd.s32 $0xFFFFCE00  }
0x1cf: {  	_ =	swait.ge [sflag:s26], $0x3200  }
0x1d0: {  	s7 =	smov.u32 s1;
	s5 =	sadd.s32 s4, s23;
	[sflag:s26] =	ssyncset.done $0x0  }
0x1d1: {  	s1 =	sadd.s32 $0x186A0, s5;
	[sflag:s26] =	ssyncadd.s32 $0xFFFFCE00  }
0x1d2: {  	[tilespmem:s3], [sflag:$0x3] =	stream.linear.gather [hbm4b:s1+s6], $0x190, $0x200038;
	[tilespmem:$0x1FA40] =	vst v63  }
0x1d3: {  	s9 =	sadd.s32 $0x186D2, s5  }
0x1d4: {  	[tilespmem:s15], [sflag:$0x4] =	stream.linear.gather [hbm4b:s9+s6], $0x190, $0x200038;
	[tilespmem:$0x1FA40] =	vst v63  }
0x1d5: {  	_ = 	snop  }
0x1d6: {  	[tilespmem:s18], [sflag:$0x1] =	stream.linear.gather [hbm4b:s5+s6], $0x190, $0x200038;
	[tilespmem:$0x1FA40] =	vst v63  }
0x1d7: {  	s12 =	sadd.s32 $0x32, s5  }
0x1d8: {  	[tilespmem:s19], [sflag:$0x2] =	stream.linear.gather [hbm4b:s12+s6], $0x190, $0x200038;
	[tilespmem:$0x1FA40] =	vst v63  }
0x1d9: {  	_ =	swait.ge [sflag:s0], $0x190  }
0x1da: {  	[sflag:s0] =	ssyncset.done $0x0  }
0x1db: {  	[sflag:s0] =	ssyncadd.s32 $0xFFFFFE70  }
0x1dc: {  	[tilespmem:s21], [sflag:$0x5] =	stream.indirect.gather [hbm4b:s25+s20], $0x20, s3, s20, $0x2000b8;
	[tilespmem:$0x1FA40] =	vst v63  }
0x1dd: {  	_ =	swait.ge [sflag:s10], $0x190  }
0x1de: {  	[sflag:s10] =	ssyncset.done $0x0  }
0x1df: {  	[sflag:s10] =	ssyncadd.s32 $0xFFFFFE70  }
0x1e0: {  	[tilespmem:s29], [sflag:$0x6] =	stream.indirect.gather [hbm4b:s25+s20], $0x20, s15, s20, $0x2000b8;
	[tilespmem:$0x1FA40] =	vst v63  }
0x1e1: {  	_ =	swait.ge [sflag:s13], $0x3200  }
0x1e2: {  	[sflag:s13] =	ssyncset.done $0x0  }
0x1e3: {  	[sflag:s13] =	ssyncadd.s32 $0xFFFFCE00  }
0x1e4: {  	_ =	swait.ge [sflag:s17], $0x190  }
0x1e5: {  	[sflag:s17] =	ssyncset.done $0x0  }
0x1e6: {  	[sflag:s17] =	ssyncadd.s32 $0xFFFFFE70  }
0x1e7: {  	[spmem:s2] =	stream.indirect.scatter.add.f32 [tilespmem:s21], [sflag:$0x7], $0x20, s18, s20, $0x2000b8;
	[tilespmem:$0x1FA40] =	vst v63  }
0x1e8: {  	_ =	swait.ge [sflag:s11], $0x3200  }
0x1e9: {  	[sflag:s11] =	ssyncset.done $0x0  }
0x1ea: {  	[sflag:s11] =	ssyncadd.s32 $0xFFFFCE00  }
0x1eb: {  	_ =	swait.ge [sflag:s22], $0x190  }
0x1ec: {  	[sflag:s22] =	ssyncset.done $0x0  }
0x1ed: {  	[sflag:s22] =	ssyncadd.s32 $0xFFFFFE70  }
0x1ee: {  	[spmem:s2] =	stream.indirect.scatter.add.f32 [tilespmem:s29], [sflag:$0x8], $0x20, s19, s20, $0x2000b8;
	[tilespmem:$0x1FA40] =	vst v63  }
0x1ef: {  	_ =	swait.ge [sflag:s24], $0x3200  }
0x1f0: {  	[sflag:s24] =	ssyncset.done $0x0  }
0x1f1: {  	[sflag:s24] =	ssyncadd.s32 $0xFFFFCE00  }
0x1f2: {  	_ =	swait.ge [sflag:s26], $0x3200  }
0x1f3: {  	[sflag:s26] =	ssyncset.done $0x0  }
0x1f4: {  	s1 =	simm.s32 $0x0;
	s4 =	rddreg [dreg:$0xc];
	[sflag:s26] =	ssyncadd.s32 $0xFFFFCE00  }
0x1f5: {  	[tilespmem:s3], [sflag:$0x9] =	stream.linear.gather [hbm4b:s4+s1], $0x190, $0x200038;
	[tilespmem:$0x1FA40] =	vst v63  }
0x1f6: {  	_ =	swait.ge [sflag:s28], $0x190  }
0x1f7: {  	[sflag:s28] =	ssyncset.done $0x0  }
0x1f8: {  	[sflag:s28] =	ssyncadd.s32 $0xFFFFFE70  }
0x1f9: {  	[tilespmem:s21], [sflag:$0x5] =	stream.indirect.gather [hbm4b:s25+s20], $0x20, s3, s20, $0x2000b8;
	[tilespmem:$0x1FA40] =	vst v63  }
0x1fa: {  	_ =	swait.ge [sflag:s13], $0x3200  }
0x1fb: {  	[sflag:s13] =	ssyncset.done $0x0  }
0x1fc: {  	s14 =	rddreg [dreg:$0xa];
	[sflag:s13] =	ssyncadd.s32 $0xFFFFCE00  }
0x1fd: {  	[tilespmem:s18], [sflag:$0x9] =	stream.linear.gather [hbm4b:s14+s1], $0x190, $0x200038;
	[tilespmem:$0x1FA40] =	vst v63  }
0x1fe: {  	_ =	swait.ge [sflag:s28], $0x190  }
0x1ff: {  	[sflag:s28] =	ssyncset.done $0x0  }
0x200: {  	[sflag:s28] =	ssyncadd.s32 $0xFFFFFE70  }
0x201: {  	[spmem:s2] =	stream.indirect.scatter.add.f32 [tilespmem:s21], [sflag:$0x9], $0x20, s18, s20, $0x2000b8;
	[tilespmem:$0x1FA40] =	vst v63  }
0x202: {  	_ =	swait.ge [sflag:s28], $0x3200  }
0x203: {  	[sflag:s28] =	ssyncset.done $0x0  }
0x204: {  	[sflag:s28] =	ssyncadd.s32 $0xFFFFCE00  }
0x205: {  	[bflag:$0x0] =	sbarrier.arrive $0xFFFF  }
0x206: {  	_ =	strace $0x9000004B  }
0x207: {  	s4 =	simm.s32 $0x0;
	_ =	strace $0x8000004C  }
.LBB2_18:
0x208: {  	s7 =	sshll.u32 s4, $0x6;
	s5 =	rddreg [dreg:$0x6]  }
0x209: {  	s8 =	sadd.s32 s5, s7  }
0x20a: {  	s9 =	rddreg [dreg:$0x8];
	s5 =	sshll.u32 s8, $0x5  }
0x20b: {  	s12 =	rddreg [dreg:$0xd];
	s5 =	sand.u32 $0x3FFFFFE0, s5  }
0x20c: {  	s9 =	sadd.s32 s9, s7;
	s8 =	sshll.u32 s8, $0x3;
	s5 =	sadd.s32 s5, s2  }
0x20d: {  	[tilespmem:s21], [sflag:$0x1] =	stream.linear.gather [spmem:s5], $0x800, $0x200038;
	[tilespmem:$0x1FA40] =	vst v63  }
0x20e: {  	s14 =	rddreg [dreg:$0x3];
	s7 =	sadd.s32 s8, s12;
	s8 =	sshll.u32 s9, $0x2  }
0x20f: {  	[tilespmem:s16], [sflag:$0x2] =	stream.strided.gather [hbm4b:s7+s30], $0x800, s31, s30, $0x200038;
	[tilespmem:$0x1FA40] =	vst v63  }
0x210: {  	s9 =	sadd.s32 s8, s14  }
0x211: {  	[tilespmem:s29], [sflag:$0x3] =	stream.linear.gather [hbm4b:s9+s1], $0x800, $0x200038;
	[tilespmem:$0x1FA40] =	vst v63  }
0x212: {  	_ =	swait.ge [sflag:s17], $0x800  }
0x213: {  	[sflag:s17] =	ssyncset.done $0x0  }
0x214: {  	[sflag:s17] =	ssyncadd.s32 $0xFFFFF800  }
0x215: {  	_ =	swait.ge [sflag:s22], $0x800  }
0x216: {  	[sflag:s22] =	ssyncset.done $0x0  }
0x217: {  	[sflag:s22] =	ssyncadd.s32 $0xFFFFF800  }
0x218: {  	_ =	swait.ge [sflag:s0], $0x800  }
0x219: {  	[sflag:s0] =	ssyncset.done $0x0  }
0x21a: {  	s12 =	simm.s32 $0x0;
	[sflag:s0] =	ssyncadd.s32 $0xFFFFF800  }
0x21b: {  	v2 =	vld [tilespmem:s12+$0x1C040]  }
0x21c: {  	v8 =	vld [tilespmem:s12+$0x1C050]  }
0x21d: {  	v3 =	vld [tilespmem:s12+$0x18E40]  }
0x21e: {  	v5 =	vld [tilespmem:s12+$0x18E50];
	_ =	sdelay $0x2  }
0x21f: {  	v4 =	vld [tilespmem:s12+$0x1F240]  }
0x220: {  	v6 =	vmul.f32 v2, v3;
	v3 =	vld [tilespmem:s12+$0x1F250]  }
0x221: {  	v9 =	vmul.f32 v8, v5  }
0x222: {  	s14 =	simm.s32 $0x20;
	v5 =	vmul.f32 $2.500000000e-01, v6;
	v6 =	vmul.f32 v6, v2  }
0x223: {  	s9 =	simm.s32 $0x100;
	v2 =	vld [tilespmem:s14+$0x1C040];
	v7 =	vmul.f32 $2.500000000e-01, v9;
	v8 =	vmul.f32 v9, v8  }
.LBB2_19:
0x224: {  	p0 =	sne.s32 s9, $0x1F80;
	v9 =	vld [tilespmem:s14+$0x1C050];
	v4 =	vadd.f32 v5, v4;
	[tilespmem:s12+$0x18E40] =	vst v6  }
0x225: {  	v5 =	vld [tilespmem:s14+$0x18E40];
	v3 =	vadd.f32 v7, v3;
	[tilespmem:s12+$0x18E50] =	vst v8  }
0x226: {  	v6 =	vld [tilespmem:s14+$0x18E50];
	[tilespmem:s12+$0x1F240] =	vst v4  }
0x227: {  	[tilespmem:s12+$0x1F250] =	vst v3;
	s12 =	smov.u32 s14;
	_ =	sdelay $0x1  }
.Ltmp8:
0x228: {  	v4 =	vld [tilespmem:s12+$0x1F240];
	(pc) =	sbr.rel @p0 .LBB2_19-.Ltmp8, $4  }
0x229: {  	v7 =	vmul.f32 v2, v5;
	v3 =	vld [tilespmem:s12+$0x1F250]  }
0x22a: {  	v8 =	vmul.f32 v9, v6  }
0x22b: {  	s14 =	sshra.s32 s9, $0x2;
	v5 =	vmul.f32 $2.500000000e-01, v7;
	v6 =	vmul.f32 v7, v2  }
0x22c: {  	s9 =	sadd.s32 $0x80, s9;
	v2 =	vld [tilespmem:s14+$0x1C040];
	v7 =	vmul.f32 $2.500000000e-01, v8;
	v8 =	vmul.f32 v8, v9  }
0x22d: {  	v9 =	vld [tilespmem:s14+$0x1C050];
	[tilespmem:s12+$0x18E40] =	vst v6  }
0x22e: {  	v4 =	vadd.f32 v5, v4;
	v6 =	vld [tilespmem:s14+$0x18E40];
	[tilespmem:s12+$0x18E50] =	vst v8  }
0x22f: {  	v3 =	vadd.f32 v7, v3;
	v59 =	vld [tilespmem:s14+$0x18E50]  }
0x230: {  	[tilespmem:s12+$0x1F240] =	vst v4  }
0x231: {  	[tilespmem:s12+$0x1F250] =	vst v3  }
0x232: {  	v3 =	vld [tilespmem:s14+$0x1F240]  }
0x233: {  	v61 =	vld [tilespmem:s14+$0x1F250];
	v60 =	vmul.f32 v2, v6  }
0x234: {  	v5 =	vmul.f32 v9, v59  }
0x235: {  	v62 =	vmul.f32 $2.500000000e-01, v60;
	v2 =	vmul.f32 v60, v2  }
0x236: {  	v63 =	vmul.f32 $2.500000000e-01, v5;
	v5 =	vmul.f32 v5, v9  }
0x237: {  	v3 =	vadd.f32 v62, v3;
	[tilespmem:s14+$0x18E40] =	vst v2  }
0x238: {  	v2 =	vadd.f32 v63, v61;
	[tilespmem:s14+$0x18E50] =	vst v5  }
0x239: {  	[tilespmem:s14+$0x1F240] =	vst v3  }
0x23a: {  	s12 =	rddreg [dreg:$0x4];
	[tilespmem:s14+$0x1F250] =	vst v2  }
0x23b: {  	[hbm4b:s7+s30] =	stream.strided.scatter [tilespmem:s16], [sflag:$0x2], $0x800, s31, s30, $0x200038;
	[tilespmem:$0x1FA40] =	vst v63  }
0x23c: {  	s14 =	simm.s32 $0x0;
	s7 =	sadd.s32 s12, s8  }
0x23d: {  	[hbm4b:s7+s14] =	stream.linear.scatter [tilespmem:s21], [sflag:$0x1], $0x800, $0x200038;
	[tilespmem:$0x1FA40] =	vst v63  }
0x23e: {  	_ =	swait.ge [sflag:s17], $0x800  }
0x23f: {  	[sflag:s17] =	ssyncset.done $0x0  }
0x240: {  	[sflag:s17] =	ssyncadd.s32 $0xFFFFF800  }
0x241: {  	_ =	swait.ge [sflag:s22], $0x800  }
0x242: {  	[sflag:s22] =	ssyncset.done $0x0  }
0x243: {  	s8 =	simm.s32 $0x0;
	s7 =	simm.s32 $0x80;
	[sflag:s22] =	ssyncadd.s32 $0xFFFFF800  }
.LBB2_21:
0x244: {  	p0 =	sne.s32 s7, $0x1F80;
	[tilespmem:s8+$0x1F240] =	vst v0;
	s9 =	smov.u32 s7;
	s7 =	sadd.s32 $0x80, s7  }
.Ltmp9:
0x245: {  	[tilespmem:s8+$0x1F250] =	vst v0;
	(pc) =	sbr.rel @p0 .LBB2_21-.Ltmp9, $2  }
0x246: {  	_ =	sdelay $0x2  }
0x247: {  	s8 =	sshra.s32 s9, $0x2  }
0x248: {  	s4 =	sadd.s32 $0x1, s4  }
0x249: {  	[tilespmem:s8+$0x1F240] =	vst v0;
	p0 =	sne.s32 s4, $0x31  }
.Ltmp10:
0x24a: {  	[tilespmem:s8+$0x1F250] =	vst v0;
	(pc) =	sbr.rel @p0 .LBB2_18-.Ltmp10, $4  }
0x24b: {  	[spmem:s5] =	stream.linear.scatter [tilespmem:s16], [sflag:$0x9], $0x800, $0x200038;
	[tilespmem:$0x1FA40] =	vst v63  }
0x24c: {  	_ =	swait.ge [sflag:s28], $0x800  }
0x24d: {  	[sflag:s28] =	ssyncset.done $0x0  }
0x24e: {  	[sflag:s28] =	ssyncadd.s32 $0xFFFFF800  }
0x24f: {  	[bflag:$0x0] =	sbarrier.arrive $0xFFFF  }
0x250: {  	s1 =	sadd.s32 $0x0, s23;
	_ =	strace $0x9000004C  }
0x251: {  	s4 =	sadd.s32 $0x186A0, s1;
	_ =	strace $0x8000004D  }
0x252: {  	[tilespmem:s3], [sflag:$0x3] =	stream.linear.gather [hbm4b:s4+s6], $0x190, $0x200038;
	[tilespmem:$0x1FA40] =	vst v63  }
0x253: {  	s14 =	sadd.s32 $0x186D2, s1  }
0x254: {  	[tilespmem:s15], [sflag:$0x4] =	stream.linear.gather [hbm4b:s14+s6], $0x190, $0x200038;
	[tilespmem:$0x1FA40] =	vst v63  }
0x255: {  	_ = 	snop  }
0x256: {  	[tilespmem:s18], [sflag:$0x1] =	stream.linear.gather [hbm4b:s1+s6], $0x190, $0x200038;
	[tilespmem:$0x1FA40] =	vst v63  }
0x257: {  	s1 =	sadd.s32 $0x32, s1  }
0x258: {  	[tilespmem:s19], [sflag:$0x2] =	stream.linear.gather [hbm4b:s1+s6], $0x190, $0x200038;
	[tilespmem:$0x1FA40] =	vst v63  }
0x259: {  	_ =	swait.ge [sflag:s0], $0x190  }
0x25a: {  	[sflag:s0] =	ssyncset.done $0x0  }
0x25b: {  	[sflag:s0] =	ssyncadd.s32 $0xFFFFFE70  }
0x25c: {  	[tilespmem:s21], [sflag:$0x5] =	stream.indirect.gather [hbm4b:s25+s20], $0x20, s3, s20, $0x2000b8;
	[tilespmem:$0x1FA40] =	vst v63  }
0x25d: {  	_ =	swait.ge [sflag:s10], $0x190  }
0x25e: {  	[sflag:s10] =	ssyncset.done $0x0  }
0x25f: {  	[sflag:s10] =	ssyncadd.s32 $0xFFFFFE70  }
0x260: {  	[tilespmem:s29], [sflag:$0x6] =	stream.indirect.gather [hbm4b:s25+s20], $0x20, s15, s20, $0x2000b8;
	[tilespmem:$0x1FA40] =	vst v63  }
0x261: {  	_ =	swait.ge [sflag:s13], $0x3200  }
0x262: {  	[sflag:s13] =	ssyncset.done $0x0  }
0x263: {  	[sflag:s13] =	ssyncadd.s32 $0xFFFFCE00  }
0x264: {  	_ =	swait.ge [sflag:s17], $0x190  }
0x265: {  	[sflag:s17] =	ssyncset.done $0x0  }
0x266: {  	[sflag:s17] =	ssyncadd.s32 $0xFFFFFE70  }
0x267: {  	[spmem:s2] =	stream.indirect.scatter.add.f32 [tilespmem:s21], [sflag:$0x7], $0x20, s18, s20, $0x2000b8;
	[tilespmem:$0x1FA40] =	vst v63  }
0x268: {  	_ =	swait.ge [sflag:s11], $0x3200  }
0x269: {  	[sflag:s11] =	ssyncset.done $0x0  }
0x26a: {  	[sflag:s11] =	ssyncadd.s32 $0xFFFFCE00  }
0x26b: {  	_ =	swait.ge [sflag:s22], $0x190  }
0x26c: {  	[sflag:s22] =	ssyncset.done $0x0  }
0x26d: {  	[sflag:s22] =	ssyncadd.s32 $0xFFFFFE70  }
0x26e: {  	[spmem:s2] =	stream.indirect.scatter.add.f32 [tilespmem:s29], [sflag:$0x8], $0x20, s19, s20, $0x2000b8;
	[tilespmem:$0x1FA40] =	vst v63  }
0x26f: {  	_ =	swait.ge [sflag:s24], $0x3200  }
0x270: {  	[sflag:s24] =	ssyncset.done $0x0  }
0x271: {  	[sflag:s24] =	ssyncadd.s32 $0xFFFFCE00  }
0x272: {  	_ =	swait.ge [sflag:s26], $0x3200  }
0x273: {  	s7 =	simm.s32 $0xC8;
	s5 =	sadd.s32 $0x64, s23;
	[sflag:s26] =	ssyncset.done $0x0  }
.LBB2_24:
0x274: {  	s8 =	sadd.s32 $0x186A0, s5  }
0x275: {  	[sflag:s26] =	ssyncadd.s32 $0xFFFFCE00;
	s4 =	smov.u32 s7;
	s1 =	sadd.s32 $0x64, s7  }
0x276: {  	[tilespmem:s3], [sflag:$0x3] =	stream.linear.gather [hbm4b:s8+s6], $0x190, $0x200038;
	[tilespmem:$0x1FA40] =	vst v63  }
0x277: {  	p0 =	sne.s32 s7, $0x17D4;
	s7 =	sadd.s32 $0x186D2, s5  }
0x278: {  	[tilespmem:s15], [sflag:$0x4] =	stream.linear.gather [hbm4b:s7+s6], $0x190, $0x200038;
	[tilespmem:$0x1FA40] =	vst v63  }
0x279: {  	_ = 	snop  }
0x27a: {  	[tilespmem:s18], [sflag:$0x1] =	stream.linear.gather [hbm4b:s5+s6], $0x190, $0x200038;
	[tilespmem:$0x1FA40] =	vst v63  }
0x27b: {  	s5 =	sadd.s32 $0x32, s5  }
0x27c: {  	[tilespmem:s19], [sflag:$0x2] =	stream.linear.gather [hbm4b:s5+s6], $0x190, $0x200038;
	[tilespmem:$0x1FA40] =	vst v63  }
0x27d: {  	_ =	swait.ge [sflag:s0], $0x190  }
0x27e: {  	[sflag:s0] =	ssyncset.done $0x0  }
0x27f: {  	[sflag:s0] =	ssyncadd.s32 $0xFFFFFE70  }
0x280: {  	[tilespmem:s21], [sflag:$0x5] =	stream.indirect.gather [hbm4b:s25+s20], $0x20, s3, s20, $0x2000b8;
	[tilespmem:$0x1FA40] =	vst v63  }
0x281: {  	_ =	swait.ge [sflag:s10], $0x190  }
0x282: {  	[sflag:s10] =	ssyncset.done $0x0  }
0x283: {  	[sflag:s10] =	ssyncadd.s32 $0xFFFFFE70  }
0x284: {  	[tilespmem:s29], [sflag:$0x6] =	stream.indirect.gather [hbm4b:s25+s20], $0x20, s15, s20, $0x2000b8;
	[tilespmem:$0x1FA40] =	vst v63  }
0x285: {  	_ =	swait.ge [sflag:s13], $0x3200  }
0x286: {  	[sflag:s13] =	ssyncset.done $0x0  }
0x287: {  	[sflag:s13] =	ssyncadd.s32 $0xFFFFCE00  }
0x288: {  	_ =	swait.ge [sflag:s17], $0x190  }
0x289: {  	[sflag:s17] =	ssyncset.done $0x0  }
0x28a: {  	[sflag:s17] =	ssyncadd.s32 $0xFFFFFE70  }
0x28b: {  	[spmem:s2] =	stream.indirect.scatter.add.f32 [tilespmem:s21], [sflag:$0x7], $0x20, s18, s20, $0x2000b8;
	[tilespmem:$0x1FA40] =	vst v63  }
0x28c: {  	_ =	swait.ge [sflag:s11], $0x3200  }
0x28d: {  	[sflag:s11] =	ssyncset.done $0x0  }
0x28e: {  	[sflag:s11] =	ssyncadd.s32 $0xFFFFCE00  }
0x28f: {  	_ =	swait.ge [sflag:s22], $0x190  }
0x290: {  	[sflag:s22] =	ssyncset.done $0x0  }
0x291: {  	[sflag:s22] =	ssyncadd.s32 $0xFFFFFE70  }
0x292: {  	[spmem:s2] =	stream.indirect.scatter.add.f32 [tilespmem:s29], [sflag:$0x8], $0x20, s19, s20, $0x2000b8;
	[tilespmem:$0x1FA40] =	vst v63  }
.Ltmp11:
0x293: {  	_ =	swait.ge [sflag:s24], $0x3200;
	(pc) =	sbr.rel @p0 .LBB2_24-.Ltmp11, $4  }
0x294: {  	[sflag:s24] =	ssyncset.done $0x0  }
0x295: {  	[sflag:s24] =	ssyncadd.s32 $0xFFFFCE00  }
0x296: {  	_ =	swait.ge [sflag:s26], $0x3200  }
0x297: {  	s7 =	smov.u32 s1;
	s5 =	sadd.s32 s4, s23;
	[sflag:s26] =	ssyncset.done $0x0  }
0x298: {  	s1 =	sadd.s32 $0x186A0, s5;
	[sflag:s26] =	ssyncadd.s32 $0xFFFFCE00  }
0x299: {  	[tilespmem:s3], [sflag:$0x3] =	stream.linear.gather [hbm4b:s1+s6], $0x190, $0x200038;
	[tilespmem:$0x1FA40] =	vst v63  }
0x29a: {  	s9 =	sadd.s32 $0x186D2, s5  }
0x29b: {  	[tilespmem:s15], [sflag:$0x4] =	stream.linear.gather [hbm4b:s9+s6], $0x190, $0x200038;
	[tilespmem:$0x1FA40] =	vst v63  }
0x29c: {  	_ = 	snop  }
0x29d: {  	[tilespmem:s18], [sflag:$0x1] =	stream.linear.gather [hbm4b:s5+s6], $0x190, $0x200038;
	[tilespmem:$0x1FA40] =	vst v63  }
0x29e: {  	s12 =	sadd.s32 $0x32, s5  }
0x29f: {  	[tilespmem:s19], [sflag:$0x2] =	stream.linear.gather [hbm4b:s12+s6], $0x190, $0x200038;
	[tilespmem:$0x1FA40] =	vst v63  }
0x2a0: {  	_ =	swait.ge [sflag:s0], $0x190  }
0x2a1: {  	[sflag:s0] =	ssyncset.done $0x0  }
0x2a2: {  	[sflag:s0] =	ssyncadd.s32 $0xFFFFFE70  }
0x2a3: {  	[tilespmem:s21], [sflag:$0x5] =	stream.indirect.gather [hbm4b:s25+s20], $0x20, s3, s20, $0x2000b8;
	[tilespmem:$0x1FA40] =	vst v63  }
0x2a4: {  	_ =	swait.ge [sflag:s10], $0x190  }
0x2a5: {  	[sflag:s10] =	ssyncset.done $0x0  }
0x2a6: {  	[sflag:s10] =	ssyncadd.s32 $0xFFFFFE70  }
0x2a7: {  	[tilespmem:s29], [sflag:$0x6] =	stream.indirect.gather [hbm4b:s25+s20], $0x20, s15, s20, $0x2000b8;
	[tilespmem:$0x1FA40] =	vst v63  }
0x2a8: {  	_ =	swait.ge [sflag:s13], $0x3200  }
0x2a9: {  	[sflag:s13] =	ssyncset.done $0x0  }
0x2aa: {  	[sflag:s13] =	ssyncadd.s32 $0xFFFFCE00  }
0x2ab: {  	_ =	swait.ge [sflag:s17], $0x190  }
0x2ac: {  	[sflag:s17] =	ssyncset.done $0x0  }
0x2ad: {  	[sflag:s17] =	ssyncadd.s32 $0xFFFFFE70  }
0x2ae: {  	[spmem:s2] =	stream.indirect.scatter.add.f32 [tilespmem:s21], [sflag:$0x7], $0x20, s18, s20, $0x2000b8;
	[tilespmem:$0x1FA40] =	vst v63  }
0x2af: {  	_ =	swait.ge [sflag:s11], $0x3200  }
0x2b0: {  	[sflag:s11] =	ssyncset.done $0x0  }
0x2b1: {  	[sflag:s11] =	ssyncadd.s32 $0xFFFFCE00  }
0x2b2: {  	_ =	swait.ge [sflag:s22], $0x190  }
0x2b3: {  	[sflag:s22] =	ssyncset.done $0x0  }
0x2b4: {  	[sflag:s22] =	ssyncadd.s32 $0xFFFFFE70  }
0x2b5: {  	[spmem:s2] =	stream.indirect.scatter.add.f32 [tilespmem:s29], [sflag:$0x8], $0x20, s19, s20, $0x2000b8;
	[tilespmem:$0x1FA40] =	vst v63  }
0x2b6: {  	_ =	swait.ge [sflag:s24], $0x3200  }
0x2b7: {  	[sflag:s24] =	ssyncset.done $0x0  }
0x2b8: {  	[sflag:s24] =	ssyncadd.s32 $0xFFFFCE00  }
0x2b9: {  	_ =	swait.ge [sflag:s26], $0x3200  }
0x2ba: {  	[sflag:s26] =	ssyncset.done $0x0  }
0x2bb: {  	s1 =	simm.s32 $0x0;
	s4 =	rddreg [dreg:$0xc];
	[sflag:s26] =	ssyncadd.s32 $0xFFFFCE00  }
0x2bc: {  	[tilespmem:s3], [sflag:$0x9] =	stream.linear.gather [hbm4b:s4+s1], $0x190, $0x200038;
	[tilespmem:$0x1FA40] =	vst v63  }
0x2bd: {  	_ =	swait.ge [sflag:s28], $0x190  }
0x2be: {  	[sflag:s28] =	ssyncset.done $0x0  }
0x2bf: {  	[sflag:s28] =	ssyncadd.s32 $0xFFFFFE70  }
0x2c0: {  	[tilespmem:s21], [sflag:$0x5] =	stream.indirect.gather [hbm4b:s25+s20], $0x20, s3, s20, $0x2000b8;
	[tilespmem:$0x1FA40] =	vst v63  }
0x2c1: {  	_ =	swait.ge [sflag:s13], $0x3200  }
0x2c2: {  	[sflag:s13] =	ssyncset.done $0x0  }
0x2c3: {  	s14 =	rddreg [dreg:$0xa];
	[sflag:s13] =	ssyncadd.s32 $0xFFFFCE00  }
0x2c4: {  	[tilespmem:s18], [sflag:$0x9] =	stream.linear.gather [hbm4b:s14+s1], $0x190, $0x200038;
	[tilespmem:$0x1FA40] =	vst v63  }
0x2c5: {  	_ =	swait.ge [sflag:s28], $0x190  }
0x2c6: {  	[sflag:s28] =	ssyncset.done $0x0  }
0x2c7: {  	[sflag:s28] =	ssyncadd.s32 $0xFFFFFE70  }
0x2c8: {  	[spmem:s2] =	stream.indirect.scatter.add.f32 [tilespmem:s21], [sflag:$0x9], $0x20, s18, s20, $0x2000b8;
	[tilespmem:$0x1FA40] =	vst v63  }
0x2c9: {  	_ =	swait.ge [sflag:s28], $0x3200  }
0x2ca: {  	[sflag:s28] =	ssyncset.done $0x0  }
0x2cb: {  	[sflag:s28] =	ssyncadd.s32 $0xFFFFCE00  }
0x2cc: {  	[bflag:$0x0] =	sbarrier.arrive $0xFFFF  }
0x2cd: {  	_ =	strace $0x9000004D  }
0x2ce: {  	s4 =	simm.s32 $0x0;
	_ =	strace $0x8000004E  }
.LBB2_26:
0x2cf: {  	s7 =	sshll.u32 s4, $0x6;
	s5 =	rddreg [dreg:$0x6]  }
0x2d0: {  	s8 =	sadd.s32 s5, s7  }
0x2d1: {  	s9 =	rddreg [dreg:$0x8];
	s5 =	sshll.u32 s8, $0x5  }
0x2d2: {  	s12 =	rddreg [dreg:$0xd];
	s5 =	sand.u32 $0x3FFFFFE0, s5  }
0x2d3: {  	s9 =	sadd.s32 s9, s7;
	s8 =	sshll.u32 s8, $0x3;
	s5 =	sadd.s32 s5, s2  }
0x2d4: {  	[tilespmem:s21], [sflag:$0x1] =	stream.linear.gather [spmem:s5], $0x800, $0x200038;
	[tilespmem:$0x1FA40] =	vst v63  }
0x2d5: {  	s14 =	rddreg [dreg:$0x3];
	s7 =	sadd.s32 s8, s12;
	s8 =	sshll.u32 s9, $0x2  }
0x2d6: {  	[tilespmem:s16], [sflag:$0x2] =	stream.strided.gather [hbm4b:s7+s30], $0x800, s31, s30, $0x200038;
	[tilespmem:$0x1FA40] =	vst v63  }
0x2d7: {  	s9 =	sadd.s32 s8, s14  }
0x2d8: {  	[tilespmem:s29], [sflag:$0x3] =	stream.linear.gather [hbm4b:s9+s1], $0x800, $0x200038;
	[tilespmem:$0x1FA40] =	vst v63  }
0x2d9: {  	_ =	swait.ge [sflag:s17], $0x800  }
0x2da: {  	[sflag:s17] =	ssyncset.done $0x0  }
0x2db: {  	[sflag:s17] =	ssyncadd.s32 $0xFFFFF800  }
0x2dc: {  	_ =	swait.ge [sflag:s22], $0x800  }
0x2dd: {  	[sflag:s22] =	ssyncset.done $0x0  }
0x2de: {  	[sflag:s22] =	ssyncadd.s32 $0xFFFFF800  }
0x2df: {  	_ =	swait.ge [sflag:s0], $0x800  }
0x2e0: {  	[sflag:s0] =	ssyncset.done $0x0  }
0x2e1: {  	s12 =	simm.s32 $0x0;
	[sflag:s0] =	ssyncadd.s32 $0xFFFFF800  }
0x2e2: {  	v2 =	vld [tilespmem:s12+$0x1C040]  }
0x2e3: {  	v8 =	vld [tilespmem:s12+$0x1C050]  }
0x2e4: {  	v3 =	vld [tilespmem:s12+$0x18E40]  }
0x2e5: {  	v5 =	vld [tilespmem:s12+$0x18E50];
	_ =	sdelay $0x2  }
0x2e6: {  	v4 =	vld [tilespmem:s12+$0x1F240]  }
0x2e7: {  	v6 =	vmul.f32 v2, v3;
	v3 =	vld [tilespmem:s12+$0x1F250]  }
0x2e8: {  	v9 =	vmul.f32 v8, v5  }
0x2e9: {  	s14 =	simm.s32 $0x20;
	v5 =	vmul.f32 $2.500000000e-01, v6;
	v6 =	vmul.f32 v6, v2  }
0x2ea: {  	s9 =	simm.s32 $0x100;
	v2 =	vld [tilespmem:s14+$0x1C040];
	v7 =	vmul.f32 $2.500000000e-01, v9;
	v8 =	vmul.f32 v9, v8  }
.LBB2_27:
0x2eb: {  	p0 =	sne.s32 s9, $0x1F80;
	v9 =	vld [tilespmem:s14+$0x1C050];
	v4 =	vadd.f32 v5, v4;
	[tilespmem:s12+$0x18E40] =	vst v6  }
0x2ec: {  	v5 =	vld [tilespmem:s14+$0x18E40];
	v3 =	vadd.f32 v7, v3;
	[tilespmem:s12+$0x18E50] =	vst v8  }
0x2ed: {  	v6 =	vld [tilespmem:s14+$0x18E50];
	[tilespmem:s12+$0x1F240] =	vst v4  }
0x2ee: {  	[tilespmem:s12+$0x1F250] =	vst v3;
	s12 =	smov.u32 s14;
	_ =	sdelay $0x1  }
.Ltmp12:
0x2ef: {  	v4 =	vld [tilespmem:s12+$0x1F240];
	(pc) =	sbr.rel @p0 .LBB2_27-.Ltmp12, $4  }
0x2f0: {  	v7 =	vmul.f32 v2, v5;
	v3 =	vld [tilespmem:s12+$0x1F250]  }
0x2f1: {  	v8 =	vmul.f32 v9, v6  }
0x2f2: {  	s14 =	sshra.s32 s9, $0x2;
	v5 =	vmul.f32 $2.500000000e-01, v7;
	v6 =	vmul.f32 v7, v2  }
0x2f3: {  	s9 =	sadd.s32 $0x80, s9;
	v2 =	vld [tilespmem:s14+$0x1C040];
	v7 =	vmul.f32 $2.500000000e-01, v8;
	v8 =	vmul.f32 v8, v9  }
0x2f4: {  	v9 =	vld [tilespmem:s14+$0x1C050];
	[tilespmem:s12+$0x18E40] =	vst v6  }
0x2f5: {  	v4 =	vadd.f32 v5, v4;
	v6 =	vld [tilespmem:s14+$0x18E40];
	[tilespmem:s12+$0x18E50] =	vst v8  }
0x2f6: {  	v3 =	vadd.f32 v7, v3;
	v59 =	vld [tilespmem:s14+$0x18E50]  }
0x2f7: {  	[tilespmem:s12+$0x1F240] =	vst v4  }
0x2f8: {  	[tilespmem:s12+$0x1F250] =	vst v3  }
0x2f9: {  	v3 =	vld [tilespmem:s14+$0x1F240]  }
0x2fa: {  	v61 =	vld [tilespmem:s14+$0x1F250];
	v60 =	vmul.f32 v2, v6  }
0x2fb: {  	v5 =	vmul.f32 v9, v59  }
0x2fc: {  	v62 =	vmul.f32 $2.500000000e-01, v60;
	v2 =	vmul.f32 v60, v2  }
0x2fd: {  	v63 =	vmul.f32 $2.500000000e-01, v5;
	v5 =	vmul.f32 v5, v9  }
0x2fe: {  	v3 =	vadd.f32 v62, v3;
	[tilespmem:s14+$0x18E40] =	vst v2  }
0x2ff: {  	v2 =	vadd.f32 v63, v61;
	[tilespmem:s14+$0x18E50] =	vst v5  }
0x300: {  	[tilespmem:s14+$0x1F240] =	vst v3  }
0x301: {  	s12 =	rddreg [dreg:$0x4];
	[tilespmem:s14+$0x1F250] =	vst v2  }
0x302: {  	[hbm4b:s7+s30] =	stream.strided.scatter [tilespmem:s16], [sflag:$0x2], $0x800, s31, s30, $0x200038;
	[tilespmem:$0x1FA40] =	vst v63  }
0x303: {  	s14 =	simm.s32 $0x0;
	s7 =	sadd.s32 s12, s8  }
0x304: {  	[hbm4b:s7+s14] =	stream.linear.scatter [tilespmem:s21], [sflag:$0x1], $0x800, $0x200038;
	[tilespmem:$0x1FA40] =	vst v63  }
0x305: {  	_ =	swait.ge [sflag:s17], $0x800  }
0x306: {  	[sflag:s17] =	ssyncset.done $0x0  }
0x307: {  	[sflag:s17] =	ssyncadd.s32 $0xFFFFF800  }
0x308: {  	_ =	swait.ge [sflag:s22], $0x800  }
0x309: {  	[sflag:s22] =	ssyncset.done $0x0  }
0x30a: {  	s8 =	simm.s32 $0x0;
	s7 =	simm.s32 $0x80;
	[sflag:s22] =	ssyncadd.s32 $0xFFFFF800  }
.LBB2_29:
0x30b: {  	p0 =	sne.s32 s7, $0x1F80;
	[tilespmem:s8+$0x1F240] =	vst v0;
	s9 =	smov.u32 s7;
	s7 =	sadd.s32 $0x80, s7  }
.Ltmp13:
0x30c: {  	[tilespmem:s8+$0x1F250] =	vst v0;
	(pc) =	sbr.rel @p0 .LBB2_29-.Ltmp13, $2  }
0x30d: {  	_ =	sdelay $0x2  }
0x30e: {  	s8 =	sshra.s32 s9, $0x2  }
0x30f: {  	s4 =	sadd.s32 $0x1, s4  }
0x310: {  	[tilespmem:s8+$0x1F240] =	vst v0;
	p0 =	sne.s32 s4, $0x31  }
.Ltmp14:
0x311: {  	[tilespmem:s8+$0x1F250] =	vst v0;
	(pc) =	sbr.rel @p0 .LBB2_26-.Ltmp14, $4  }
0x312: {  	[spmem:s5] =	stream.linear.scatter [tilespmem:s16], [sflag:$0x9], $0x800, $0x200038;
	[tilespmem:$0x1FA40] =	vst v63  }
0x313: {  	_ =	swait.ge [sflag:s28], $0x800  }
0x314: {  	[sflag:s28] =	ssyncset.done $0x0  }
0x315: {  	[sflag:s28] =	ssyncadd.s32 $0xFFFFF800  }
0x316: {  	[bflag:$0x0] =	sbarrier.arrive $0xFFFF  }
0x317: {  	s1 =	sadd.s32 $0x0, s23;
	_ =	strace $0x9000004E  }
0x318: {  	s4 =	sadd.s32 $0x186A0, s1;
	_ =	strace $0x8000004F  }
0x319: {  	[tilespmem:s3], [sflag:$0x3] =	stream.linear.gather [hbm4b:s4+s6], $0x190, $0x200038;
	[tilespmem:$0x1FA40] =	vst v63  }
0x31a: {  	s14 =	sadd.s32 $0x186D2, s1  }
0x31b: {  	[tilespmem:s15], [sflag:$0x4] =	stream.linear.gather [hbm4b:s14+s6], $0x190, $0x200038;
	[tilespmem:$0x1FA40] =	vst v63  }
0x31c: {  	_ = 	snop  }
0x31d: {  	[tilespmem:s18], [sflag:$0x1] =	stream.linear.gather [hbm4b:s1+s6], $0x190, $0x200038;
	[tilespmem:$0x1FA40] =	vst v63  }
0x31e: {  	s1 =	sadd.s32 $0x32, s1  }
0x31f: {  	[tilespmem:s19], [sflag:$0x2] =	stream.linear.gather [hbm4b:s1+s6], $0x190, $0x200038;
	[tilespmem:$0x1FA40] =	vst v63  }
0x320: {  	_ =	swait.ge [sflag:s0], $0x190  }
0x321: {  	[sflag:s0] =	ssyncset.done $0x0  }
0x322: {  	[sflag:s0] =	ssyncadd.s32 $0xFFFFFE70  }
0x323: {  	[tilespmem:s21], [sflag:$0x5] =	stream.indirect.gather [hbm4b:s25+s20], $0x20, s3, s20, $0x2000b8;
	[tilespmem:$0x1FA40] =	vst v63  }
0x324: {  	_ =	swait.ge [sflag:s10], $0x190  }
0x325: {  	[sflag:s10] =	ssyncset.done $0x0  }
0x326: {  	[sflag:s10] =	ssyncadd.s32 $0xFFFFFE70  }
0x327: {  	[tilespmem:s29], [sflag:$0x6] =	stream.indirect.gather [hbm4b:s25+s20], $0x20, s15, s20, $0x2000b8;
	[tilespmem:$0x1FA40] =	vst v63  }
0x328: {  	_ =	swait.ge [sflag:s13], $0x3200  }
0x329: {  	[sflag:s13] =	ssyncset.done $0x0  }
0x32a: {  	[sflag:s13] =	ssyncadd.s32 $0xFFFFCE00  }
0x32b: {  	_ =	swait.ge [sflag:s17], $0x190  }
0x32c: {  	[sflag:s17] =	ssyncset.done $0x0  }
0x32d: {  	[sflag:s17] =	ssyncadd.s32 $0xFFFFFE70  }
0x32e: {  	[spmem:s2] =	stream.indirect.scatter.add.f32 [tilespmem:s21], [sflag:$0x7], $0x20, s18, s20, $0x2000b8;
	[tilespmem:$0x1FA40] =	vst v63  }
0x32f: {  	_ =	swait.ge [sflag:s11], $0x3200  }
0x330: {  	[sflag:s11] =	ssyncset.done $0x0  }
0x331: {  	[sflag:s11] =	ssyncadd.s32 $0xFFFFCE00  }
0x332: {  	_ =	swait.ge [sflag:s22], $0x190  }
0x333: {  	[sflag:s22] =	ssyncset.done $0x0  }
0x334: {  	[sflag:s22] =	ssyncadd.s32 $0xFFFFFE70  }
0x335: {  	[spmem:s2] =	stream.indirect.scatter.add.f32 [tilespmem:s29], [sflag:$0x8], $0x20, s19, s20, $0x2000b8;
	[tilespmem:$0x1FA40] =	vst v63  }
0x336: {  	_ =	swait.ge [sflag:s24], $0x3200  }
0x337: {  	[sflag:s24] =	ssyncset.done $0x0  }
0x338: {  	[sflag:s24] =	ssyncadd.s32 $0xFFFFCE00  }
0x339: {  	_ =	swait.ge [sflag:s26], $0x3200  }
0x33a: {  	s7 =	simm.s32 $0xC8;
	s5 =	sadd.s32 $0x64, s23;
	[sflag:s26] =	ssyncset.done $0x0  }
.LBB2_32:
0x33b: {  	s8 =	sadd.s32 $0x186A0, s5  }
0x33c: {  	[sflag:s26] =	ssyncadd.s32 $0xFFFFCE00;
	s4 =	smov.u32 s7;
	s1 =	sadd.s32 $0x64, s7  }
0x33d: {  	[tilespmem:s3], [sflag:$0x3] =	stream.linear.gather [hbm4b:s8+s6], $0x190, $0x200038;
	[tilespmem:$0x1FA40] =	vst v63  }
0x33e: {  	p0 =	sne.s32 s7, $0x17D4;
	s7 =	sadd.s32 $0x186D2, s5  }
0x33f: {  	[tilespmem:s15], [sflag:$0x4] =	stream.linear.gather [hbm4b:s7+s6], $0x190, $0x200038;
	[tilespmem:$0x1FA40] =	vst v63  }
0x340: {  	_ = 	snop  }
0x341: {  	[tilespmem:s18], [sflag:$0x1] =	stream.linear.gather [hbm4b:s5+s6], $0x190, $0x200038;
	[tilespmem:$0x1FA40] =	vst v63  }
0x342: {  	s5 =	sadd.s32 $0x32, s5  }
0x343: {  	[tilespmem:s19], [sflag:$0x2] =	stream.linear.gather [hbm4b:s5+s6], $0x190, $0x200038;
	[tilespmem:$0x1FA40] =	vst v63  }
0x344: {  	_ =	swait.ge [sflag:s0], $0x190  }
0x345: {  	[sflag:s0] =	ssyncset.done $0x0  }
0x346: {  	[sflag:s0] =	ssyncadd.s32 $0xFFFFFE70  }
0x347: {  	[tilespmem:s21], [sflag:$0x5] =	stream.indirect.gather [hbm4b:s25+s20], $0x20, s3, s20, $0x2000b8;
	[tilespmem:$0x1FA40] =	vst v63  }
0x348: {  	_ =	swait.ge [sflag:s10], $0x190  }
0x349: {  	[sflag:s10] =	ssyncset.done $0x0  }
0x34a: {  	[sflag:s10] =	ssyncadd.s32 $0xFFFFFE70  }
0x34b: {  	[tilespmem:s29], [sflag:$0x6] =	stream.indirect.gather [hbm4b:s25+s20], $0x20, s15, s20, $0x2000b8;
	[tilespmem:$0x1FA40] =	vst v63  }
0x34c: {  	_ =	swait.ge [sflag:s13], $0x3200  }
0x34d: {  	[sflag:s13] =	ssyncset.done $0x0  }
0x34e: {  	[sflag:s13] =	ssyncadd.s32 $0xFFFFCE00  }
0x34f: {  	_ =	swait.ge [sflag:s17], $0x190  }
0x350: {  	[sflag:s17] =	ssyncset.done $0x0  }
0x351: {  	[sflag:s17] =	ssyncadd.s32 $0xFFFFFE70  }
0x352: {  	[spmem:s2] =	stream.indirect.scatter.add.f32 [tilespmem:s21], [sflag:$0x7], $0x20, s18, s20, $0x2000b8;
	[tilespmem:$0x1FA40] =	vst v63  }
0x353: {  	_ =	swait.ge [sflag:s11], $0x3200  }
0x354: {  	[sflag:s11] =	ssyncset.done $0x0  }
0x355: {  	[sflag:s11] =	ssyncadd.s32 $0xFFFFCE00  }
0x356: {  	_ =	swait.ge [sflag:s22], $0x190  }
0x357: {  	[sflag:s22] =	ssyncset.done $0x0  }
0x358: {  	[sflag:s22] =	ssyncadd.s32 $0xFFFFFE70  }
0x359: {  	[spmem:s2] =	stream.indirect.scatter.add.f32 [tilespmem:s29], [sflag:$0x8], $0x20, s19, s20, $0x2000b8;
	[tilespmem:$0x1FA40] =	vst v63  }
.Ltmp15:
0x35a: {  	_ =	swait.ge [sflag:s24], $0x3200;
	(pc) =	sbr.rel @p0 .LBB2_32-.Ltmp15, $4  }
0x35b: {  	[sflag:s24] =	ssyncset.done $0x0  }
0x35c: {  	[sflag:s24] =	ssyncadd.s32 $0xFFFFCE00  }
0x35d: {  	_ =	swait.ge [sflag:s26], $0x3200  }
0x35e: {  	s7 =	smov.u32 s1;
	s5 =	sadd.s32 s4, s23;
	[sflag:s26] =	ssyncset.done $0x0  }
0x35f: {  	s1 =	sadd.s32 $0x186A0, s5;
	[sflag:s26] =	ssyncadd.s32 $0xFFFFCE00  }
0x360: {  	[tilespmem:s3], [sflag:$0x3] =	stream.linear.gather [hbm4b:s1+s6], $0x190, $0x200038;
	[tilespmem:$0x1FA40] =	vst v63  }
0x361: {  	s9 =	sadd.s32 $0x186D2, s5  }
0x362: {  	[tilespmem:s15], [sflag:$0x4] =	stream.linear.gather [hbm4b:s9+s6], $0x190, $0x200038;
	[tilespmem:$0x1FA40] =	vst v63  }
0x363: {  	_ = 	snop  }
0x364: {  	[tilespmem:s18], [sflag:$0x1] =	stream.linear.gather [hbm4b:s5+s6], $0x190, $0x200038;
	[tilespmem:$0x1FA40] =	vst v63  }
0x365: {  	s12 =	sadd.s32 $0x32, s5  }
0x366: {  	[tilespmem:s19], [sflag:$0x2] =	stream.linear.gather [hbm4b:s12+s6], $0x190, $0x200038;
	[tilespmem:$0x1FA40] =	vst v63  }
0x367: {  	_ =	swait.ge [sflag:s0], $0x190  }
0x368: {  	[sflag:s0] =	ssyncset.done $0x0  }
0x369: {  	[sflag:s0] =	ssyncadd.s32 $0xFFFFFE70  }
0x36a: {  	[tilespmem:s21], [sflag:$0x5] =	stream.indirect.gather [hbm4b:s25+s20], $0x20, s3, s20, $0x2000b8;
	[tilespmem:$0x1FA40] =	vst v63  }
0x36b: {  	_ =	swait.ge [sflag:s10], $0x190  }
0x36c: {  	[sflag:s10] =	ssyncset.done $0x0  }
0x36d: {  	[sflag:s10] =	ssyncadd.s32 $0xFFFFFE70  }
0x36e: {  	[tilespmem:s29], [sflag:$0x6] =	stream.indirect.gather [hbm4b:s25+s20], $0x20, s15, s20, $0x2000b8;
	[tilespmem:$0x1FA40] =	vst v63  }
0x36f: {  	_ =	swait.ge [sflag:s13], $0x3200  }
0x370: {  	[sflag:s13] =	ssyncset.done $0x0  }
0x371: {  	[sflag:s13] =	ssyncadd.s32 $0xFFFFCE00  }
0x372: {  	_ =	swait.ge [sflag:s17], $0x190  }
0x373: {  	[sflag:s17] =	ssyncset.done $0x0  }
0x374: {  	[sflag:s17] =	ssyncadd.s32 $0xFFFFFE70  }
0x375: {  	[spmem:s2] =	stream.indirect.scatter.add.f32 [tilespmem:s21], [sflag:$0x7], $0x20, s18, s20, $0x2000b8;
	[tilespmem:$0x1FA40] =	vst v63  }
0x376: {  	_ =	swait.ge [sflag:s11], $0x3200  }
0x377: {  	[sflag:s11] =	ssyncset.done $0x0  }
0x378: {  	[sflag:s11] =	ssyncadd.s32 $0xFFFFCE00  }
0x379: {  	_ =	swait.ge [sflag:s22], $0x190  }
0x37a: {  	[sflag:s22] =	ssyncset.done $0x0  }
0x37b: {  	[sflag:s22] =	ssyncadd.s32 $0xFFFFFE70  }
0x37c: {  	[spmem:s2] =	stream.indirect.scatter.add.f32 [tilespmem:s29], [sflag:$0x8], $0x20, s19, s20, $0x2000b8;
	[tilespmem:$0x1FA40] =	vst v63  }
0x37d: {  	_ =	swait.ge [sflag:s24], $0x3200  }
0x37e: {  	[sflag:s24] =	ssyncset.done $0x0  }
0x37f: {  	[sflag:s24] =	ssyncadd.s32 $0xFFFFCE00  }
0x380: {  	_ =	swait.ge [sflag:s26], $0x3200  }
0x381: {  	[sflag:s26] =	ssyncset.done $0x0  }
0x382: {  	s1 =	simm.s32 $0x0;
	s4 =	rddreg [dreg:$0xc];
	[sflag:s26] =	ssyncadd.s32 $0xFFFFCE00  }
0x383: {  	[tilespmem:s3], [sflag:$0x9] =	stream.linear.gather [hbm4b:s4+s1], $0x190, $0x200038;
	[tilespmem:$0x1FA40] =	vst v63  }
0x384: {  	_ =	swait.ge [sflag:s28], $0x190  }
0x385: {  	[sflag:s28] =	ssyncset.done $0x0  }
0x386: {  	[sflag:s28] =	ssyncadd.s32 $0xFFFFFE70  }
0x387: {  	[tilespmem:s21], [sflag:$0x5] =	stream.indirect.gather [hbm4b:s25+s20], $0x20, s3, s20, $0x2000b8;
	[tilespmem:$0x1FA40] =	vst v63  }
0x388: {  	_ =	swait.ge [sflag:s13], $0x3200  }
0x389: {  	[sflag:s13] =	ssyncset.done $0x0  }
0x38a: {  	s14 =	rddreg [dreg:$0xa];
	[sflag:s13] =	ssyncadd.s32 $0xFFFFCE00  }
0x38b: {  	[tilespmem:s18], [sflag:$0x9] =	stream.linear.gather [hbm4b:s14+s1], $0x190, $0x200038;
	[tilespmem:$0x1FA40] =	vst v63  }
0x38c: {  	_ =	swait.ge [sflag:s28], $0x190  }
0x38d: {  	[sflag:s28] =	ssyncset.done $0x0  }
0x38e: {  	[sflag:s28] =	ssyncadd.s32 $0xFFFFFE70  }
0x38f: {  	[spmem:s2] =	stream.indirect.scatter.add.f32 [tilespmem:s21], [sflag:$0x9], $0x20, s18, s20, $0x2000b8;
	[tilespmem:$0x1FA40] =	vst v63  }
0x390: {  	_ =	swait.ge [sflag:s28], $0x3200  }
0x391: {  	[sflag:s28] =	ssyncset.done $0x0  }
0x392: {  	[sflag:s28] =	ssyncadd.s32 $0xFFFFCE00  }
0x393: {  	[bflag:$0x0] =	sbarrier.arrive $0xFFFF  }
0x394: {  	_ =	strace $0x9000004F  }
0x395: {  	s4 =	simm.s32 $0x0;
	_ =	strace $0x80000050  }
.LBB2_34:
0x396: {  	s5 =	sshll.u32 s4, $0x6;
	s7 =	rddreg [dreg:$0x6]  }
0x397: {  	s7 =	sadd.s32 s7, s5  }
0x398: {  	s8 =	sshll.u32 s7, $0x5  }
0x399: {  	s8 =	sand.u32 $0x3FFFFFE0, s8  }
0x39a: {  	s14 =	rddreg [dreg:$0x8];
	s8 =	sadd.s32 s8, s2  }
0x39b: {  	[tilespmem:s21], [sflag:$0x1] =	stream.linear.gather [spmem:s8], $0x800, $0x200038;
	[tilespmem:$0x1FA40] =	vst v63  }
0x39c: {  	s9 =	rddreg [dreg:$0xd];
	s7 =	sshll.u32 s7, $0x3;
	s8 =	sadd.s32 s14, s5  }
0x39d: {  	s5 =	sadd.s32 s7, s9;
	s14 =	rddreg [dreg:$0x3];
	s12 =	sshll.u32 s8, $0x2  }
0x39e: {  	[tilespmem:s16], [sflag:$0x2] =	stream.strided.gather [hbm4b:s5+s30], $0x800, s31, s30, $0x200038;
	[tilespmem:$0x1FA40] =	vst v63  }
0x39f: {  	s7 =	sadd.s32 s12, s14  }
0x3a0: {  	[tilespmem:s29], [sflag:$0x3] =	stream.linear.gather [hbm4b:s7+s1], $0x800, $0x200038;
	[tilespmem:$0x1FA40] =	vst v63  }
0x3a1: {  	_ =	swait.ge [sflag:s17], $0x800  }
0x3a2: {  	[sflag:s17] =	ssyncset.done $0x0  }
0x3a3: {  	[sflag:s17] =	ssyncadd.s32 $0xFFFFF800  }
0x3a4: {  	_ =	swait.ge [sflag:s22], $0x800  }
0x3a5: {  	[sflag:s22] =	ssyncset.done $0x0  }
0x3a6: {  	[sflag:s22] =	ssyncadd.s32 $0xFFFFF800  }
0x3a7: {  	_ =	swait.ge [sflag:s0], $0x800  }
0x3a8: {  	[sflag:s0] =	ssyncset.done $0x0  }
0x3a9: {  	s8 =	simm.s32 $0x0;
	[sflag:s0] =	ssyncadd.s32 $0xFFFFF800  }
0x3aa: {  	v2 =	vld [tilespmem:s8+$0x18E40]  }
0x3ab: {  	v3 =	vld [tilespmem:s8+$0x1C040]  }
0x3ac: {  	v5 =	vld [tilespmem:s8+$0x18E50]  }
0x3ad: {  	v7 =	vld [tilespmem:s8+$0x1C050];
	_ =	sdelay $0x2  }
0x3ae: {  	v4 =	vld [tilespmem:s8+$0x1F240]  }
0x3af: {  	s7 =	simm.s32 $0x20;
	v6 =	vld [tilespmem:s8+$0x1F250];
	v3 =	vmul.f32 v3, v2  }
0x3b0: {  	v2 =	vld [tilespmem:s7+$0x18E40];
	v8 =	vmul.f32 v7, v5  }
0x3b1: {  	v5 =	vld [tilespmem:s7+$0x1C040];
	v7 =	vmul.f32 $2.500000000e-01, v3  }
0x3b2: {  	s9 =	simm.s32 $0x100;
	v3 =	vld [tilespmem:s7+$0x18E50];
	v8 =	vmul.f32 $2.500000000e-01, v8  }
.LBB2_35:
0x3b3: {  	p0 =	sne.s32 s9, $0x1F80;
	v9 =	vld [tilespmem:s7+$0x1C050];
	v4 =	vadd.f32 v7, v4  }
0x3b4: {  	v6 =	vadd.f32 v8, v6  }
0x3b5: {  	[tilespmem:s8+$0x1F240] =	vst v4  }
.Ltmp16:
0x3b6: {  	v4 =	vld [tilespmem:s7+$0x1F240];
	[tilespmem:s8+$0x1F250] =	vst v6;
	s8 =	smov.u32 s7;
	(pc) =	sbr.rel @p0 .LBB2_35-.Ltmp16, $4  }
0x3b7: {  	s7 =	sshra.s32 s9, $0x2;
	v7 =	vmul.f32 v5, v2;
	v6 =	vld [tilespmem:s8+$0x1F250]  }
0x3b8: {  	v2 =	vld [tilespmem:s7+$0x18E40];
	v8 =	vmul.f32 v9, v3  }
0x3b9: {  	v7 =	vmul.f32 $2.500000000e-01, v7;
	v5 =	vld [tilespmem:s7+$0x1C040]  }
0x3ba: {  	s9 =	sadd.s32 $0x80, s9;
	v3 =	vld [tilespmem:s7+$0x18E50];
	v8 =	vmul.f32 $2.500000000e-01, v8  }
0x3bb: {  	v4 =	vadd.f32 v7, v4;
	v62 =	vld [tilespmem:s7+$0x1C050]  }
0x3bc: {  	v6 =	vadd.f32 v8, v6  }
0x3bd: {  	[tilespmem:s8+$0x1F240] =	vst v4  }
0x3be: {  	v4 =	vld [tilespmem:s7+$0x1F240];
	[tilespmem:s8+$0x1F250] =	vst v6  }
0x3bf: {  	v2 =	vmul.f32 v5, v2;
	v63 =	vld [tilespmem:s7+$0x1F250]  }
0x3c0: {  	v3 =	vmul.f32 v62, v3  }
0x3c1: {  	v2 =	vmul.f32 $2.500000000e-01, v2  }
0x3c2: {  	v3 =	vmul.f32 $2.500000000e-01, v3  }
0x3c3: {  	v2 =	vadd.f32 v2, v4  }
0x3c4: {  	s4 =	sadd.s32 $0x1, s4;
	v3 =	vadd.f32 v3, v63  }
0x3c5: {  	p0 =	sne.s32 s4, $0x31;
	[tilespmem:s7+$0x1F240] =	vst v2  }
.Ltmp17:
0x3c6: {  	[tilespmem:s7+$0x1F250] =	vst v3;
	(pc) =	sbr.rel @p0 .LBB2_34-.Ltmp17, $4  }
0x3c7: {  	[hbm4b:s5+s30] =	stream.strided.scatter [tilespmem:s16], [sflag:$0x2], $0x800, s31, s30, $0x200038;
	[tilespmem:$0x1FA40] =	vst v63  }
0x3c8: {  	_ =	swait.ge [sflag:s22], $0x800  }
0x3c9: {  	[sflag:s22] =	ssyncset.done $0x0  }
0x3ca: {  	[sflag:s22] =	ssyncadd.s32 $0xFFFFF800  }
0x3cb: {  	s4 =	sld [smem:$0x7DE];
	_ =	sdelay $0x2  }
0x3cc: {  	s1 =	rddreg [dreg:$0xe];
	s4 =	sadd.s32 $0x1, s4  }
0x3cd: {  	p0 =	sne.s32 s4, s1  }
.Ltmp18:
0x3ce: {  	_ = 	snop;
	(pc) =	sbr.rel @p0 .LBB2_1-.Ltmp18, $2  }
0x3cf: {  	_ =	sdelay $0x2  }
0x3d0: {  	_ =	strace $0x90000050  }
0x3d1: {  	_ =	sfence.sel $0x180000  }
0x3d2: {  	[bflag:$0x0] =	sbarrier.arrive $0xFFFF  }
0x3d3: {  	_ =	strace $0x90000047  }
0x3d4: {  	s0 =	stileid.u32;
	[bflag:$0x2] =	sbarrier.arrive $0xFFFF  }
0x3d5: {  	p0 =	sne.s32 s0, $0x0;
	s0 =	rddreg [dreg:$0x5]  }
0x3d6: {  	s0 =	sadd.s32 @!p0 $0x100000, s0  }
0x3d7: {  	[sflag:s0] =	ssyncadd.tile.s32 @!p0 $0x1;
	_ =	shalt  }
.Lfunc_end2:
_tile_overlayer_lowered:
.L_overlay_start_2:
0x3d8: {  	(tag) =	ssettag $0x2  }
0x3d9: {  	s0 =	rddreg [dreg:$0x0];
	s2 =	stileid.u32  }
0x3da: {  	s1 =	rddreg [dreg:$0x1];
	p0 =	sne.s32 s2, $0x0  }
0x3db: {  	s3 =	rddreg [dreg:$0x2];
	[bflag:$0x3] =	sbarrier.arrive $0xFFFF;
	s2 =	simm.s32 @!p0 $0x1C09  }
0x3dc: {  	[timem:s3], [sflag:s2] =	dma.local @!p0 [hbm:s0], s1  }
0x3dd: {  	s0 =	simm.s32 @!p0 $0x9  }
0x3de: {  	_ =	swait.ge @!p0 [sflag:s0], s1  }
0x3df: {  	s1 =	ssub.s32 @!p0 $0x0, s1;
	[sflag:s0] =	ssyncset.done @!p0 $0x0  }
0x3e0: {  	[sflag:s0] =	ssyncadd.s32 @!p0 s1  }
0x3e1: {  	[bflag:$0x3] =	sbarrier.arrive $0xFFFF  }
0x3e2: {  	_ =	shalt  }

</sc_bundles>
